<compile_context>
chip_gen: v7x
topology: tpu7x:2x2x1
jax: 0.10.2.dev20260603
libtpu: 0.0.44.dev20260713+nightly
codegen_flags: <defaults>
</compile_context>

<pallas_src>
import functools

import jax
import jax.numpy as jnp
from jax import lax
from jax.experimental import pallas as pl
from jax.experimental.pallas import tpu as pltpu
from jax.experimental.pallas import tpu_sc as plsc

N = 10000
E = 320000
F = 128
G = 8
C = 10

NC = 2
NS = 16
FH = F // NC
EPT = E // NS
CH = 125
NCHUNK = EPT // CH
NP = 10240
RPT = NP // NS

NBUF = 4
GA = 3
SW = 1


def _sc_agg_body(h_hbm, src_hbm, dst_hbm, zero_hbm, out_hbm,
                 src_v, dst_v, buf0, buf1, buf2, buf3,
                 gs0, gs1, gs2, gs3, ss0, ss1, ss2, ss3, acc):
    cid = lax.axis_index("c")
    sid = lax.axis_index("s")
    bufs = (buf0, buf1, buf2, buf3)
    gsems = (gs0, gs1, gs2, gs3)
    ssems = (ss0, ss1, ss2, ss3)

    pltpu.sync_copy(zero_hbm, acc.at[pl.ds(sid * RPT, RPT)])
    pltpu.sync_copy(src_hbm.at[sid], src_v)
    pltpu.sync_copy(dst_hbm.at[sid], dst_v)
    plsc.subcore_barrier()

    hsrc = h_hbm.at[cid]

    def gather(i, slot):
        pltpu.async_copy(hsrc.at[src_v.at[i]], bufs[slot], gsems[slot])

    def gather_wait(i, slot):
        pltpu.make_async_copy(hsrc.at[src_v.at[i]], bufs[slot],
                              gsems[slot]).wait()

    def scatter(i, slot):
        pltpu.async_copy(bufs[slot], acc.at[dst_v.at[i]], ssems[slot],
                         add=True)

    def scatter_wait(i, slot):
        pltpu.make_async_copy(bufs[slot], acc.at[dst_v.at[i]],
                              ssems[slot]).wait()

    for b in range(GA):
        gather(b, b)

    def body(g, carry):
        for b in range(NBUF):
            i = g * NBUF + b

            @pl.when(i >= SW)
            def _():
                scatter_wait(i - SW, (b - SW) % NBUF)

            @pl.when(i + GA < NCHUNK)
            def _():
                gather(i + GA, (b + GA) % NBUF)

            gather_wait(i, b)
            scatter(i, b)
        return carry

    lax.fori_loop(0, NCHUNK // NBUF, body, 0)
    for k in range(SW):
        scatter_wait(NCHUNK - SW + k, (NCHUNK - SW + k) % NBUF)

    plsc.subcore_barrier()
    pltpu.sync_copy(acc.at[pl.ds(sid * RPT, RPT)],
                    out_hbm.at[cid, pl.ds(sid * RPT, RPT)])


@functools.lru_cache(maxsize=1)
def _build_sc_agg():
    mesh = plsc.VectorSubcoreMesh(
        core_axis_name="c", subcore_axis_name="s",
        num_cores=NC, num_subcores=NS)
    return pl.kernel(
        _sc_agg_body,
        out_type=jax.ShapeDtypeStruct((NC, NP, FH), jnp.float32),
        mesh=mesh,
        scratch_types=[
            pltpu.VMEM((NCHUNK, CH), jnp.int32),
            pltpu.VMEM((NCHUNK, CH), jnp.int32),
            *([pltpu.VMEM((CH, FH), jnp.float32)] * NBUF),
            *([pltpu.SemaphoreType.DMA] * (2 * NBUF)),
            pltpu.VMEM_SHARED((NP, FH), jnp.float32),
        ],
        compiler_params=pltpu.CompilerParams(use_tc_tiling_on_sc=False),
    )


def _sc_agg(hsplit, src3, dst3, zrows):
    return _build_sc_agg()(hsplit, src3, dst3, zrows)


def _seg_sum(oht, v):
    return jnp.dot(oht, v, preferred_element_type=jnp.float32)


def _gather_g(oht, s):
    return lax.dot_general(oht, s, (((0,), (0,)), ((), ())),
                           preferred_element_type=jnp.float32)


def _split(h):
    return jnp.stack([h[:, :FH], h[:, FH:]])


def _norm(h, oht, w, b, a):
    cnt = jnp.maximum(jnp.sum(oht, axis=1), 1.0)[:, None]
    mean = _seg_sum(oht, h) / cnt
    sub = h - a * _gather_g(oht, mean)
    var = _seg_sum(oht, sub * sub) / cnt
    scale = w / jnp.sqrt(var + 1e-5)
    return sub * _gather_g(oht, scale) + b


def _matTt(x, wmat):
    return lax.dot_general(x, wmat, (((1,), (1,)), ((), ())),
                           preferred_element_type=jnp.float32)


def _k0_body(x_ref, oh_ref, w_ref, b_ref, a_ref, gn_ref):
    gn_ref[...] = _split(_norm(x_ref[...], oh_ref[...],
                               w_ref[...], b_ref[...], a_ref[...]))


def _mid_body(gn_ref, agg_ref, wr_ref, br_ref, wt_ref, oh_ref,
              w_ref, b_ref, a_ref, out_ref):
    agg2 = agg_ref[...]
    agg = jnp.concatenate([agg2[0, :N], agg2[1, :N]], axis=1)
    gs = gn_ref[...]
    gn = jnp.concatenate([gs[0], gs[1]], axis=1)
    h = jnp.maximum(
        _matTt(agg, wr_ref[...]) + _matTt(gn, wt_ref[...])
        + br_ref[...], 0.0)
    out_ref[...] = _split(_norm(h, oh_ref[...], w_ref[...], b_ref[...],
                                a_ref[...]))


def _k3_body(gn_ref, agg_ref, wr_ref, br_ref, wt_ref, oh_ref,
             dw_ref, db_ref, ow_ref, ob_ref, out_ref):
    agg2 = agg_ref[...]
    agg = jnp.concatenate([agg2[0, :N], agg2[1, :N]], axis=1)
    gs = gn_ref[...]
    gn = jnp.concatenate([gs[0], gs[1]], axis=1)
    h = jnp.maximum(
        _matTt(agg, wr_ref[...]) + _matTt(gn, wt_ref[...])
        + br_ref[...], 0.0)
    oh = oh_ref[...]
    cnt = jnp.maximum(jnp.sum(oh, axis=1), 1.0)[:, None]
    pooled = _seg_sum(oh, h) / cnt
    d = jnp.maximum(_matTt(pooled, dw_ref[...]) + db_ref[...], 0.0)
    logits = _matTt(d, ow_ref[...]) + ob_ref[...]
    m = jnp.max(logits, axis=1, keepdims=True)
    e = jnp.exp(logits - m)
    out_ref[...] = e / jnp.sum(e, axis=1, keepdims=True)


def _tc(body, out_shape, *args):
    return pl.pallas_call(
        body, out_shape=jax.ShapeDtypeStruct(out_shape, jnp.float32))(*args)


def kernel(x, edge_index, batch, gn0_w, gn0_b, gn0_a, W1r, b1r, W1t,
           gn1_w, gn1_b, gn1_a, W2r, b2r, W2t, gn2_w, gn2_b, gn2_a,
           W3r, b3r, W3t, dW, db, oW, ob):
    oh = (batch[None, :] == jnp.arange(G, dtype=batch.dtype)[:, None]
          ).astype(jnp.float32)
    src3 = edge_index[0].reshape(NS, NCHUNK, CH)
    dst3 = edge_index[1].reshape(NS, NCHUNK, CH)
    zrows = jnp.zeros((RPT, FH), jnp.float32)
    r = lambda v: v.reshape(1, -1)

    gn1 = _tc(_k0_body, (NC, N, FH), x, oh, r(gn0_w), r(gn0_b), r(gn0_a))
    agg1 = _sc_agg(gn1, src3, dst3, zrows)
    gn2 = _tc(_mid_body, (NC, N, FH), gn1, agg1, W1r, r(b1r), W1t, oh,
              r(gn1_w), r(gn1_b), r(gn1_a))
    agg2 = _sc_agg(gn2, src3, dst3, zrows)
    gn3 = _tc(_mid_body, (NC, N, FH), gn2, agg2, W2r, r(b2r), W2t, oh,
              r(gn2_w), r(gn2_b), r(gn2_a))
    agg3 = _sc_agg(gn3, src3, dst3, zrows)
    return _tc(_k3_body, (G, C), gn3, agg3, W3r, r(b3r), W3t, oh,
               dW, r(db), oW, r(ob))

# --- scband reference (transcript-rebuilt; emitter-appended) ---
"""Pipeline reference for scband-gnn-31903017075239 (READ-ONLY COPY).

The authoritative reference and input builder live on the scoring server;
editing this copy changes nothing except your own understanding.
"""

import jax, jax.numpy as jnp
import numpy as np

N = 10000
E = 320000
F_IN = 128
H = 128
C = 10
G = 8


def _graph_norm(x, batch, w, b, a, num_graphs):
    cnt = jnp.maximum(jax.ops.segment_sum(jnp.ones((x.shape[0],), x.dtype), batch, num_segments=num_graphs), 1.0)
    mean = jax.ops.segment_sum(x, batch, num_segments=num_graphs) / cnt[:, None]
    sub = x - a * mean[batch]
    var = jax.ops.segment_sum(sub * sub, batch, num_segments=num_graphs) / cnt[:, None]
    std = jnp.sqrt(var + 1e-5)
    return w * sub / std[batch] + b


def _graph_conv(x, edge_index, Wr, br, Wt):
    # PyG GraphConv: out = lin_rel(sum_{j->i} x_j) + lin_root(x)
    src = edge_index[0]
    dst = edge_index[1]
    agg = jax.ops.segment_sum(x[src], dst, num_segments=x.shape[0])
    return agg @ Wr.T + br + x @ Wt.T


def setup_inputs(seed: int = 0) -> dict:
    key = jax.random.key(seed)
    ks = jax.random.split(key, 16)

    def lin(k, o, i):
        return (jax.random.normal(k, (o, i), jnp.float32) * (1.0 / np.sqrt(i)))

    inp = {}
    inp["x"] = jax.random.normal(ks[0], (N, F_IN), jnp.float32)
    inp["edge_index"] = jax.random.randint(ks[1], (2, E), 0, N, dtype=jnp.int32)
    inp["batch"] = jnp.sort(jax.random.randint(ks[2], (N,), 0, G, dtype=jnp.int32))
    inp["gn0_w"] = jnp.ones((F_IN,), jnp.float32)
    inp["gn0_b"] = jnp.zeros((F_IN,), jnp.float32)
    inp["gn0_a"] = jnp.ones((F_IN,), jnp.float32)
    inp["W1r"] = lin(ks[3], H, F_IN)
    inp["b1r"] = jnp.zeros((H,), jnp.float32)
    inp["W1t"] = lin(ks[4], H, F_IN)
    inp["gn1_w"] = jnp.ones((H,), jnp.float32)
    inp["gn1_b"] = jnp.zeros((H,), jnp.float32)
    inp["gn1_a"] = jnp.ones((H,), jnp.float32)
    inp["W2r"] = lin(ks[5], H, H)
    inp["b2r"] = jnp.zeros((H,), jnp.float32)
    inp["W2t"] = lin(ks[6], H, H)
    inp["gn2_w"] = jnp.ones((H,), jnp.float32)
    inp["gn2_b"] = jnp.zeros((H,), jnp.float32)
    inp["gn2_a"] = jnp.ones((H,), jnp.float32)
    inp["W3r"] = lin(ks[7], H, H)
    inp["b3r"] = jnp.zeros((H,), jnp.float32)
    inp["W3t"] = lin(ks[8], H, H)
    inp["dW"] = lin(ks[9], H, H)
    inp["db"] = jnp.zeros((H,), jnp.float32)
    inp["oW"] = lin(ks[10], C, H)
    inp["ob"] = jnp.zeros((C,), jnp.float32)
    return inp


def reference(x, edge_index, batch, gn0_w, gn0_b, gn0_a, W1r, b1r, W1t, gn1_w, gn1_b, gn1_a, W2r, b2r, W2t, gn2_w, gn2_b, gn2_a, W3r, b3r, W3t, dW, db, oW, ob):
    h = _graph_norm(x, batch, gn0_w, gn0_b, gn0_a, G)
    h = jax.nn.relu(_graph_conv(h, edge_index, W1r, b1r, W1t))
    h = _graph_norm(h, batch, gn1_w, gn1_b, gn1_a, G)
    h = jax.nn.relu(_graph_conv(h, edge_index, W2r, b2r, W2t))
    h = _graph_norm(h, batch, gn2_w, gn2_b, gn2_a, G)
    h = jax.nn.relu(_graph_conv(h, edge_index, W3r, b3r, W3t))
    cnt = jnp.maximum(jax.ops.segment_sum(jnp.ones((h.shape[0],), h.dtype), batch, num_segments=G), 1.0)
    pooled = jax.ops.segment_sum(h, batch, num_segments=G) / cnt[:, None]
    # F.dropout with training=False is identity (eval mode)
    d = jax.nn.relu(pooled @ dW.T + db)
    logits = d @ oW.T + ob
    return jax.nn.softmax(logits, axis=1)

if __name__ == "__main__":
    import jax
    _d = setup_inputs()
    print(jax.jit(kernel)(*tuple(_d.values())))

</pallas_src>

<mosaic_0001>
#map = affine_map<(d0, d1) -> (0, 0, 0)>
#map1 = affine_map<(d0, d1) -> (0, 0)>
module attributes {stable_mosaic.version = 14 : i64} {
  func.func @_sc_agg_body(%arg0: i32, %arg1: i32, %arg2: memref<2x10000x64xf32, #tpu.memory_space<hbm>>, %arg3: memref<16x160x125xi32, #tpu.memory_space<hbm>>, %arg4: memref<16x160x125xi32, #tpu.memory_space<hbm>>, %arg5: memref<640x64xf32, #tpu.memory_space<hbm>>, %arg6: memref<2x10240x64xf32, #tpu.memory_space<hbm>>, %arg7: memref<160x125xi32, #tpu.memory_space<vmem>>, %arg8: memref<160x125xi32, #tpu.memory_space<vmem>>, %arg9: memref<125x64xf32, #tpu.memory_space<vmem>>, %arg10: memref<125x64xf32, #tpu.memory_space<vmem>>, %arg11: memref<125x64xf32, #tpu.memory_space<vmem>>, %arg12: memref<125x64xf32, #tpu.memory_space<vmem>>, %arg13: memref<!tpu.dma_semaphore, #tpu.memory_space<semaphore_mem>>, %arg14: memref<!tpu.dma_semaphore, #tpu.memory_space<semaphore_mem>>, %arg15: memref<!tpu.dma_semaphore, #tpu.memory_space<semaphore_mem>>, %arg16: memref<!tpu.dma_semaphore, #tpu.memory_space<semaphore_mem>>, %arg17: memref<!tpu.dma_semaphore, #tpu.memory_space<semaphore_mem>>, %arg18: memref<!tpu.dma_semaphore, #tpu.memory_space<semaphore_mem>>, %arg19: memref<!tpu.dma_semaphore, #tpu.memory_space<semaphore_mem>>, %arg20: memref<!tpu.dma_semaphore, #tpu.memory_space<semaphore_mem>>, %arg21: memref<10240x64xf32, #tpu.memory_space<vmem_shared>>) attributes {dimension_semantics = [#tpu.dimension_semantics<core_parallel>, #tpu.dimension_semantics<subcore_parallel>], iteration_bounds = array<i64: 2, 16>, scalar_prefetch = 0 : i64, scratch_operands = 15 : i64, tpu.core_type = #tpu.core_type<sc_vector_subcore>, window_params = [{transform_indices = #map}, {transform_indices = #map}, {transform_indices = #map}, {transform_indices = #map1}, {transform_indices = #map}]} {
    %mul3A = arith.constant 640 : i32
    %mul3A_0 = arith.muli %arg1, %mul3A : i32
    "tpu.region"() ({
      %run_scoped3A = tpu.sem_alloc : memref<!tpu.dma_semaphore, #tpu.memory_space<semaphore_mem>>
      %dma_start3A_49 = arith.constant 0 : i32
      %dma_start3A_50 = tpu.memref_slice %arg21[%mul3A_0, %dma_start3A_49] : memref<10240x64xf32, #tpu.memory_space<vmem_shared>> -> memref<640x64xf32, #tpu.memory_space<vmem_shared>>
      tpu.enqueue_dma source(%arg5 : memref<640x64xf32, #tpu.memory_space<hbm>>) target(%dma_start3A_50 : memref<640x64xf32, #tpu.memory_space<vmem_shared>>) target_semaphore(%run_scoped3A : memref<!tpu.dma_semaphore, #tpu.memory_space<semaphore_mem>>)
      %dma_wait3A_51 = arith.constant 0 : i32
      %dma_wait3A_52 = tpu.memref_slice %arg21[%mul3A_0, %dma_wait3A_51] : memref<10240x64xf32, #tpu.memory_space<vmem_shared>> -> memref<640x64xf32, #tpu.memory_space<vmem_shared>>
      tpu.wait_dma2 semaphore(%run_scoped3A : memref<!tpu.dma_semaphore, #tpu.memory_space<semaphore_mem>>) src(%arg5 : memref<640x64xf32, #tpu.memory_space<hbm>>) dst(%dma_wait3A_52 : memref<640x64xf32, #tpu.memory_space<vmem_shared>>)
      tpu.yield
    }) : () -> ()
    "tpu.region"() ({
      %run_scoped3A = tpu.sem_alloc : memref<!tpu.dma_semaphore, #tpu.memory_space<semaphore_mem>>
      %dma_start3A_49 = arith.constant 0 : i32
      %dma_start3A_50 = arith.constant 0 : i32
      %dma_start3A_51 = tpu.memref_slice %arg3[%arg1, %dma_start3A_49, %dma_start3A_50] : memref<16x160x125xi32, #tpu.memory_space<hbm>> -> memref<1x160x125xi32, #tpu.memory_space<hbm>>
      %dma_start3A_52 = tpu.memref_squeeze %dma_start3A_51 : memref<1x160x125xi32, #tpu.memory_space<hbm>> -> memref<160x125xi32, #tpu.memory_space<hbm>>
      %dma_start3A_53 = arith.constant 0 : i32
      %dma_start3A_54 = arith.constant 0 : i32
      %dma_start3A_55 = tpu.memref_slice %arg3[%arg1, %dma_start3A_53, %dma_start3A_54] : memref<16x160x125xi32, #tpu.memory_space<hbm>> -> memref<1x160x125xi32, #tpu.memory_space<hbm>>
      %dma_start3A_56 = tpu.memref_squeeze %dma_start3A_55 : memref<1x160x125xi32, #tpu.memory_space<hbm>> -> memref<160x125xi32, #tpu.memory_space<hbm>>
      tpu.enqueue_dma source(%dma_start3A_56 : memref<160x125xi32, #tpu.memory_space<hbm>>) target(%arg7 : memref<160x125xi32, #tpu.memory_space<vmem>>) target_semaphore(%run_scoped3A : memref<!tpu.dma_semaphore, #tpu.memory_space<semaphore_mem>>)
      %dma_wait3A_57 = arith.constant 0 : i32
      %dma_wait3A_58 = arith.constant 0 : i32
      %dma_wait3A_59 = tpu.memref_slice %arg3[%arg1, %dma_wait3A_57, %dma_wait3A_58] : memref<16x160x125xi32, #tpu.memory_space<hbm>> -> memref<1x160x125xi32, #tpu.memory_space<hbm>>
      %dma_wait3A_60 = tpu.memref_squeeze %dma_wait3A_59 : memref<1x160x125xi32, #tpu.memory_space<hbm>> -> memref<160x125xi32, #tpu.memory_space<hbm>>
      %dma_wait3A_61 = arith.constant 0 : i32
      %dma_wait3A_62 = arith.constant 0 : i32
      %dma_wait3A_63 = tpu.memref_slice %arg3[%arg1, %dma_wait3A_61, %dma_wait3A_62] : memref<16x160x125xi32, #tpu.memory_space<hbm>> -> memref<1x160x125xi32, #tpu.memory_space<hbm>>
      %dma_wait3A_64 = tpu.memref_squeeze %dma_wait3A_63 : memref<1x160x125xi32, #tpu.memory_space<hbm>> -> memref<160x125xi32, #tpu.memory_space<hbm>>
      tpu.wait_dma2 semaphore(%run_scoped3A : memref<!tpu.dma_semaphore, #tpu.memory_space<semaphore_mem>>) src(%dma_wait3A_64 : memref<160x125xi32, #tpu.memory_space<hbm>>) dst(%arg7 : memref<160x125xi32, #tpu.memory_space<vmem>>)
      tpu.yield
    }) : () -> ()
    "tpu.region"() ({
      %run_scoped3A = tpu.sem_alloc : memref<!tpu.dma_semaphore, #tpu.memory_space<semaphore_mem>>
      %dma_start3A_49 = arith.constant 0 : i32
      %dma_start3A_50 = arith.constant 0 : i32
      %dma_start3A_51 = tpu.memref_slice %arg4[%arg1, %dma_start3A_49, %dma_start3A_50] : memref<16x160x125xi32, #tpu.memory_space<hbm>> -> memref<1x160x125xi32, #tpu.memory_space<hbm>>
      %dma_start3A_52 = tpu.memref_squeeze %dma_start3A_51 : memref<1x160x125xi32, #tpu.memory_space<hbm>> -> memref<160x125xi32, #tpu.memory_space<hbm>>
      %dma_start3A_53 = arith.constant 0 : i32
      %dma_start3A_54 = arith.constant 0 : i32
      %dma_start3A_55 = tpu.memref_slice %arg4[%arg1, %dma_start3A_53, %dma_start3A_54] : memref<16x160x125xi32, #tpu.memory_space<hbm>> -> memref<1x160x125xi32, #tpu.memory_space<hbm>>
      %dma_start3A_56 = tpu.memref_squeeze %dma_start3A_55 : memref<1x160x125xi32, #tpu.memory_space<hbm>> -> memref<160x125xi32, #tpu.memory_space<hbm>>
      tpu.enqueue_dma source(%dma_start3A_56 : memref<160x125xi32, #tpu.memory_space<hbm>>) target(%arg8 : memref<160x125xi32, #tpu.memory_space<vmem>>) target_semaphore(%run_scoped3A : memref<!tpu.dma_semaphore, #tpu.memory_space<semaphore_mem>>)
      %dma_wait3A_57 = arith.constant 0 : i32
      %dma_wait3A_58 = arith.constant 0 : i32
      %dma_wait3A_59 = tpu.memref_slice %arg4[%arg1, %dma_wait3A_57, %dma_wait3A_58] : memref<16x160x125xi32, #tpu.memory_space<hbm>> -> memref<1x160x125xi32, #tpu.memory_space<hbm>>
      %dma_wait3A_60 = tpu.memref_squeeze %dma_wait3A_59 : memref<1x160x125xi32, #tpu.memory_space<hbm>> -> memref<160x125xi32, #tpu.memory_space<hbm>>
      %dma_wait3A_61 = arith.constant 0 : i32
      %dma_wait3A_62 = arith.constant 0 : i32
      %dma_wait3A_63 = tpu.memref_slice %arg4[%arg1, %dma_wait3A_61, %dma_wait3A_62] : memref<16x160x125xi32, #tpu.memory_space<hbm>> -> memref<1x160x125xi32, #tpu.memory_space<hbm>>
      %dma_wait3A_64 = tpu.memref_squeeze %dma_wait3A_63 : memref<1x160x125xi32, #tpu.memory_space<hbm>> -> memref<160x125xi32, #tpu.memory_space<hbm>>
      tpu.wait_dma2 semaphore(%run_scoped3A : memref<!tpu.dma_semaphore, #tpu.memory_space<semaphore_mem>>) src(%dma_wait3A_64 : memref<160x125xi32, #tpu.memory_space<hbm>>) dst(%arg8 : memref<160x125xi32, #tpu.memory_space<vmem>>)
      tpu.yield
    }) : () -> ()
    %barrier3A = arith.constant 0 : index
    tpu.barrier barrier_id(%barrier3A)
    %dma_start3A = arith.constant 0 : i32
    %dma_start3A_1 = arith.constant 0 : i32
    %dma_start3A_2 = tpu.memref_slice %arg7[%dma_start3A, %dma_start3A_1] : memref<160x125xi32, #tpu.memory_space<vmem>> -> memref<1x125xi32, #tpu.memory_space<vmem>>
    %dma_start3A_3 = tpu.memref_squeeze %dma_start3A_2 : memref<1x125xi32, #tpu.memory_space<vmem>> -> memref<125xi32, #tpu.memory_space<vmem>>
    %dma_start3A_4 = arith.constant 0 : i32
    %dma_start3A_5 = arith.constant 0 : i32
    %dma_start3A_6 = tpu.memref_slice %arg2[%arg0, %dma_start3A_4, %dma_start3A_5] : memref<2x10000x64xf32, #tpu.memory_space<hbm>> -> memref<1x10000x64xf32, #tpu.memory_space<hbm>>
    %dma_start3A_7 = tpu.memref_squeeze %dma_start3A_6 : memref<1x10000x64xf32, #tpu.memory_space<hbm>> -> memref<10000x64xf32, #tpu.memory_space<hbm>>
    %dma_start3A_8 = arith.constant 0 : i32
    %dma_start3A_9 = arith.constant 0 : i32
    %dma_start3A_10 = tpu.memref_slice %dma_start3A_7[%dma_start3A_8, %dma_start3A_9] : memref<10000x64xf32, #tpu.memory_space<hbm>> -> memref<10000x64xf32, #tpu.memory_space<hbm>>
    tpu.enqueue_indirect_dma source(%dma_start3A_10 : memref<10000x64xf32, #tpu.memory_space<hbm>>) target(%arg9 : memref<125x64xf32, #tpu.memory_space<vmem>>) offsets(%dma_start3A_3 : memref<125xi32, #tpu.memory_space<vmem>>) semaphore(%arg13 : memref<!tpu.dma_semaphore, #tpu.memory_space<semaphore_mem>>)
    %dma_start3A_11 = arith.constant 1 : i32
    %dma_start3A_12 = arith.constant 0 : i32
    %dma_start3A_13 = tpu.memref_slice %arg7[%dma_start3A_11, %dma_start3A_12] : memref<160x125xi32, #tpu.memory_space<vmem>> -> memref<1x125xi32, #tpu.memory_space<vmem>>
    %dma_start3A_14 = tpu.memref_squeeze %dma_start3A_13 : memref<1x125xi32, #tpu.memory_space<vmem>> -> memref<125xi32, #tpu.memory_space<vmem>>
    %dma_start3A_15 = arith.constant 0 : i32
    %dma_start3A_16 = arith.constant 0 : i32
    %dma_start3A_17 = tpu.memref_slice %arg2[%arg0, %dma_start3A_15, %dma_start3A_16] : memref<2x10000x64xf32, #tpu.memory_space<hbm>> -> memref<1x10000x64xf32, #tpu.memory_space<hbm>>
    %dma_start3A_18 = tpu.memref_squeeze %dma_start3A_17 : memref<1x10000x64xf32, #tpu.memory_space<hbm>> -> memref<10000x64xf32, #tpu.memory_space<hbm>>
    %dma_start3A_19 = arith.constant 0 : i32
    %dma_start3A_20 = arith.constant 0 : i32
    %dma_start3A_21 = tpu.memref_slice %dma_start3A_18[%dma_start3A_19, %dma_start3A_20] : memref<10000x64xf32, #tpu.memory_space<hbm>> -> memref<10000x64xf32, #tpu.memory_space<hbm>>
    tpu.enqueue_indirect_dma source(%dma_start3A_21 : memref<10000x64xf32, #tpu.memory_space<hbm>>) target(%arg10 : memref<125x64xf32, #tpu.memory_space<vmem>>) offsets(%dma_start3A_14 : memref<125xi32, #tpu.memory_space<vmem>>) semaphore(%arg14 : memref<!tpu.dma_semaphore, #tpu.memory_space<semaphore_mem>>)
    %dma_start3A_22 = arith.constant 2 : i32
    %dma_start3A_23 = arith.constant 0 : i32
    %dma_start3A_24 = tpu.memref_slice %arg7[%dma_start3A_22, %dma_start3A_23] : memref<160x125xi32, #tpu.memory_space<vmem>> -> memref<1x125xi32, #tpu.memory_space<vmem>>
    %dma_start3A_25 = tpu.memref_squeeze %dma_start3A_24 : memref<1x125xi32, #tpu.memory_space<vmem>> -> memref<125xi32, #tpu.memory_space<vmem>>
    %dma_start3A_26 = arith.constant 0 : i32
    %dma_start3A_27 = arith.constant 0 : i32
    %dma_start3A_28 = tpu.memref_slice %arg2[%arg0, %dma_start3A_26, %dma_start3A_27] : memref<2x10000x64xf32, #tpu.memory_space<hbm>> -> memref<1x10000x64xf32, #tpu.memory_space<hbm>>
    %dma_start3A_29 = tpu.memref_squeeze %dma_start3A_28 : memref<1x10000x64xf32, #tpu.memory_space<hbm>> -> memref<10000x64xf32, #tpu.memory_space<hbm>>
    %dma_start3A_30 = arith.constant 0 : i32
    %dma_start3A_31 = arith.constant 0 : i32
    %dma_start3A_32 = tpu.memref_slice %dma_start3A_29[%dma_start3A_30, %dma_start3A_31] : memref<10000x64xf32, #tpu.memory_space<hbm>> -> memref<10000x64xf32, #tpu.memory_space<hbm>>
    tpu.enqueue_indirect_dma source(%dma_start3A_32 : memref<10000x64xf32, #tpu.memory_space<hbm>>) target(%arg11 : memref<125x64xf32, #tpu.memory_space<vmem>>) offsets(%dma_start3A_25 : memref<125xi32, #tpu.memory_space<vmem>>) semaphore(%arg15 : memref<!tpu.dma_semaphore, #tpu.memory_space<semaphore_mem>>)
    %scan3A = arith.constant 0 : i32
    %scan3A_33 = arith.constant 0 : i32
    %scan3A_34 = arith.constant 40 : i32
    %scan3A_35 = arith.addi %scan3A_33, %scan3A_34 : i32
    %scan3A_36 = arith.constant 1 : i32
    scf.for %scan3A_49 = %scan3A_33 to %scan3A_35 step %scan3A_36  : i32 {
      %mul3A_50 = arith.constant 4 : i32
      %mul3A_51 = arith.muli %scan3A_49, %mul3A_50 : i32
      %add3A = arith.constant 0 : i32
      %add3A_52 = arith.addi %mul3A_51, %add3A : i32
      %ge3A = arith.constant 1 : i32
      %ge3A_53 = arith.cmpi sge, %add3A_52, %ge3A : i32
      %convert_element_type3A = arith.extui %ge3A_53 : i1 to i32
      %cond3A = arith.constant 0 : i32
      %cond3A_54 = arith.cmpi ne, %convert_element_type3A, %cond3A : i32
      scf.if %cond3A_54 {
        %sub3A = arith.constant 1 : i32
        %sub3A_173 = arith.subi %add3A_52, %sub3A : i32
        %dma_wait3A_174 = arith.constant 0 : i32
        %dma_wait3A_175 = tpu.memref_slice %arg8[%sub3A_173, %dma_wait3A_174] : memref<160x125xi32, #tpu.memory_space<vmem>> -> memref<1x125xi32, #tpu.memory_space<vmem>>
        %dma_wait3A_176 = tpu.memref_squeeze %dma_wait3A_175 : memref<1x125xi32, #tpu.memory_space<vmem>> -> memref<125xi32, #tpu.memory_space<vmem>>
        %dma_wait3A_177 = arith.constant 0 : i32
        %dma_wait3A_178 = arith.constant 0 : i32
        %dma_wait3A_179 = tpu.memref_slice %arg21[%dma_wait3A_177, %dma_wait3A_178] : memref<10240x64xf32, #tpu.memory_space<vmem_shared>> -> memref<10240x64xf32, #tpu.memory_space<vmem_shared>>
        tpu.wait_indirect_dma semaphore(%arg20 : memref<!tpu.dma_semaphore, #tpu.memory_space<semaphore_mem>>) src(%arg12 : memref<125x64xf32, #tpu.memory_space<vmem>>) dst(%dma_wait3A_179 : memref<10240x64xf32, #tpu.memory_space<vmem_shared>>)
      } else {
      }
      %add3A_55 = arith.constant 3 : i32
      %add3A_56 = arith.addi %add3A_52, %add3A_55 : i32
      %lt3A = arith.constant 160 : i32
      %lt3A_57 = arith.cmpi slt, %add3A_56, %lt3A : i32
      %convert_element_type3A_58 = arith.extui %lt3A_57 : i1 to i32
      %cond3A_59 = arith.constant 0 : i32
      %cond3A_60 = arith.cmpi ne, %convert_element_type3A_58, %cond3A_59 : i32
      scf.if %cond3A_60 {
        %add3A_173 = arith.constant 3 : i32
        %add3A_174 = arith.addi %add3A_52, %add3A_173 : i32
        %dma_start3A_175 = arith.constant 0 : i32
        %dma_start3A_176 = tpu.memref_slice %arg7[%add3A_174, %dma_start3A_175] : memref<160x125xi32, #tpu.memory_space<vmem>> -> memref<1x125xi32, #tpu.memory_space<vmem>>
        %dma_start3A_177 = tpu.memref_squeeze %dma_start3A_176 : memref<1x125xi32, #tpu.memory_space<vmem>> -> memref<125xi32, #tpu.memory_space<vmem>>
        %dma_start3A_178 = arith.constant 0 : i32
        %dma_start3A_179 = arith.constant 0 : i32
        %dma_start3A_180 = tpu.memref_slice %arg2[%arg0, %dma_start3A_178, %dma_start3A_179] : memref<2x10000x64xf32, #tpu.memory_space<hbm>> -> memref<1x10000x64xf32, #tpu.memory_space<hbm>>
        %dma_start3A_181 = tpu.memref_squeeze %dma_start3A_180 : memref<1x10000x64xf32, #tpu.memory_space<hbm>> -> memref<10000x64xf32, #tpu.memory_space<hbm>>
        %dma_start3A_182 = arith.constant 0 : i32
        %dma_start3A_183 = arith.constant 0 : i32
        %dma_start3A_184 = tpu.memref_slice %dma_start3A_181[%dma_start3A_182, %dma_start3A_183] : memref<10000x64xf32, #tpu.memory_space<hbm>> -> memref<10000x64xf32, #tpu.memory_space<hbm>>
        tpu.enqueue_indirect_dma source(%dma_start3A_184 : memref<10000x64xf32, #tpu.memory_space<hbm>>) target(%arg12 : memref<125x64xf32, #tpu.memory_space<vmem>>) offsets(%dma_start3A_177 : memref<125xi32, #tpu.memory_space<vmem>>) semaphore(%arg16 : memref<!tpu.dma_semaphore, #tpu.memory_space<semaphore_mem>>)
      } else {
      }
      %dma_wait3A_61 = arith.constant 0 : i32
      %dma_wait3A_62 = tpu.memref_slice %arg7[%add3A_52, %dma_wait3A_61] : memref<160x125xi32, #tpu.memory_space<vmem>> -> memref<1x125xi32, #tpu.memory_space<vmem>>
      %dma_wait3A_63 = tpu.memref_squeeze %dma_wait3A_62 : memref<1x125xi32, #tpu.memory_space<vmem>> -> memref<125xi32, #tpu.memory_space<vmem>>
      %dma_wait3A_64 = arith.constant 0 : i32
      %dma_wait3A_65 = arith.constant 0 : i32
      %dma_wait3A_66 = tpu.memref_slice %arg2[%arg0, %dma_wait3A_64, %dma_wait3A_65] : memref<2x10000x64xf32, #tpu.memory_space<hbm>> -> memref<1x10000x64xf32, #tpu.memory_space<hbm>>
      %dma_wait3A_67 = tpu.memref_squeeze %dma_wait3A_66 : memref<1x10000x64xf32, #tpu.memory_space<hbm>> -> memref<10000x64xf32, #tpu.memory_space<hbm>>
      %dma_wait3A_68 = arith.constant 0 : i32
      %dma_wait3A_69 = arith.constant 0 : i32
      %dma_wait3A_70 = tpu.memref_slice %dma_wait3A_67[%dma_wait3A_68, %dma_wait3A_69] : memref<10000x64xf32, #tpu.memory_space<hbm>> -> memref<10000x64xf32, #tpu.memory_space<hbm>>
      tpu.wait_indirect_dma semaphore(%arg13 : memref<!tpu.dma_semaphore, #tpu.memory_space<semaphore_mem>>) src(%dma_wait3A_70 : memref<10000x64xf32, #tpu.memory_space<hbm>>) dst(%arg9 : memref<125x64xf32, #tpu.memory_space<vmem>>)
      %dma_start3A_71 = arith.constant 0 : i32
      %dma_start3A_72 = tpu.memref_slice %arg8[%add3A_52, %dma_start3A_71] : memref<160x125xi32, #tpu.memory_space<vmem>> -> memref<1x125xi32, #tpu.memory_space<vmem>>
      %dma_start3A_73 = tpu.memref_squeeze %dma_start3A_72 : memref<1x125xi32, #tpu.memory_space<vmem>> -> memref<125xi32, #tpu.memory_space<vmem>>
      %dma_start3A_74 = arith.constant 0 : i32
      %dma_start3A_75 = arith.constant 0 : i32
      %dma_start3A_76 = tpu.memref_slice %arg21[%dma_start3A_74, %dma_start3A_75] : memref<10240x64xf32, #tpu.memory_space<vmem_shared>> -> memref<10240x64xf32, #tpu.memory_space<vmem_shared>>
      tpu.enqueue_indirect_dma source(%arg9 : memref<125x64xf32, #tpu.memory_space<vmem>>) target(%dma_start3A_76 : memref<10240x64xf32, #tpu.memory_space<vmem_shared>>) offsets(%dma_start3A_73 : memref<125xi32, #tpu.memory_space<vmem>>) semaphore(%arg17 : memref<!tpu.dma_semaphore, #tpu.memory_space<semaphore_mem>>) {add = true}
      %mul3A_77 = arith.constant 4 : i32
      %mul3A_78 = arith.muli %scan3A_49, %mul3A_77 : i32
      %add3A_79 = arith.constant 1 : i32
      %add3A_80 = arith.addi %mul3A_78, %add3A_79 : i32
      %ge3A_81 = arith.constant 1 : i32
      %ge3A_82 = arith.cmpi sge, %add3A_80, %ge3A_81 : i32
      %convert_element_type3A_83 = arith.extui %ge3A_82 : i1 to i32
      %cond3A_84 = arith.constant 0 : i32
      %cond3A_85 = arith.cmpi ne, %convert_element_type3A_83, %cond3A_84 : i32
      scf.if %cond3A_85 {
        %sub3A = arith.constant 1 : i32
        %sub3A_173 = arith.subi %add3A_80, %sub3A : i32
        %dma_wait3A_174 = arith.constant 0 : i32
        %dma_wait3A_175 = tpu.memref_slice %arg8[%sub3A_173, %dma_wait3A_174] : memref<160x125xi32, #tpu.memory_space<vmem>> -> memref<1x125xi32, #tpu.memory_space<vmem>>
        %dma_wait3A_176 = tpu.memref_squeeze %dma_wait3A_175 : memref<1x125xi32, #tpu.memory_space<vmem>> -> memref<125xi32, #tpu.memory_space<vmem>>
        %dma_wait3A_177 = arith.constant 0 : i32
        %dma_wait3A_178 = arith.constant 0 : i32
        %dma_wait3A_179 = tpu.memref_slice %arg21[%dma_wait3A_177, %dma_wait3A_178] : memref<10240x64xf32, #tpu.memory_space<vmem_shared>> -> memref<10240x64xf32, #tpu.memory_space<vmem_shared>>
        tpu.wait_indirect_dma semaphore(%arg17 : memref<!tpu.dma_semaphore, #tpu.memory_space<semaphore_mem>>) src(%arg9 : memref<125x64xf32, #tpu.memory_space<vmem>>) dst(%dma_wait3A_179 : memref<10240x64xf32, #tpu.memory_space<vmem_shared>>)
      } else {
      }
      %add3A_86 = arith.constant 3 : i32
      %add3A_87 = arith.addi %add3A_80, %add3A_86 : i32
      %lt3A_88 = arith.constant 160 : i32
      %lt3A_89 = arith.cmpi slt, %add3A_87, %lt3A_88 : i32
      %convert_element_type3A_90 = arith.extui %lt3A_89 : i1 to i32
      %cond3A_91 = arith.constant 0 : i32
      %cond3A_92 = arith.cmpi ne, %convert_element_type3A_90, %cond3A_91 : i32
      scf.if %cond3A_92 {
        %add3A_173 = arith.constant 3 : i32
        %add3A_174 = arith.addi %add3A_80, %add3A_173 : i32
        %dma_start3A_175 = arith.constant 0 : i32
        %dma_start3A_176 = tpu.memref_slice %arg7[%add3A_174, %dma_start3A_175] : memref<160x125xi32, #tpu.memory_space<vmem>> -> memref<1x125xi32, #tpu.memory_space<vmem>>
        %dma_start3A_177 = tpu.memref_squeeze %dma_start3A_176 : memref<1x125xi32, #tpu.memory_space<vmem>> -> memref<125xi32, #tpu.memory_space<vmem>>
        %dma_start3A_178 = arith.constant 0 : i32
        %dma_start3A_179 = arith.constant 0 : i32
        %dma_start3A_180 = tpu.memref_slice %arg2[%arg0, %dma_start3A_178, %dma_start3A_179] : memref<2x10000x64xf32, #tpu.memory_space<hbm>> -> memref<1x10000x64xf32, #tpu.memory_space<hbm>>
        %dma_start3A_181 = tpu.memref_squeeze %dma_start3A_180 : memref<1x10000x64xf32, #tpu.memory_space<hbm>> -> memref<10000x64xf32, #tpu.memory_space<hbm>>
        %dma_start3A_182 = arith.constant 0 : i32
        %dma_start3A_183 = arith.constant 0 : i32
        %dma_start3A_184 = tpu.memref_slice %dma_start3A_181[%dma_start3A_182, %dma_start3A_183] : memref<10000x64xf32, #tpu.memory_space<hbm>> -> memref<10000x64xf32, #tpu.memory_space<hbm>>
        tpu.enqueue_indirect_dma source(%dma_start3A_184 : memref<10000x64xf32, #tpu.memory_space<hbm>>) target(%arg9 : memref<125x64xf32, #tpu.memory_space<vmem>>) offsets(%dma_start3A_177 : memref<125xi32, #tpu.memory_space<vmem>>) semaphore(%arg13 : memref<!tpu.dma_semaphore, #tpu.memory_space<semaphore_mem>>)
      } else {
      }
      %dma_wait3A_93 = arith.constant 0 : i32
      %dma_wait3A_94 = tpu.memref_slice %arg7[%add3A_80, %dma_wait3A_93] : memref<160x125xi32, #tpu.memory_space<vmem>> -> memref<1x125xi32, #tpu.memory_space<vmem>>
      %dma_wait3A_95 = tpu.memref_squeeze %dma_wait3A_94 : memref<1x125xi32, #tpu.memory_space<vmem>> -> memref<125xi32, #tpu.memory_space<vmem>>
      %dma_wait3A_96 = arith.constant 0 : i32
      %dma_wait3A_97 = arith.constant 0 : i32
      %dma_wait3A_98 = tpu.memref_slice %arg2[%arg0, %dma_wait3A_96, %dma_wait3A_97] : memref<2x10000x64xf32, #tpu.memory_space<hbm>> -> memref<1x10000x64xf32, #tpu.memory_space<hbm>>
      %dma_wait3A_99 = tpu.memref_squeeze %dma_wait3A_98 : memref<1x10000x64xf32, #tpu.memory_space<hbm>> -> memref<10000x64xf32, #tpu.memory_space<hbm>>
      %dma_wait3A_100 = arith.constant 0 : i32
      %dma_wait3A_101 = arith.constant 0 : i32
      %dma_wait3A_102 = tpu.memref_slice %dma_wait3A_99[%dma_wait3A_100, %dma_wait3A_101] : memref<10000x64xf32, #tpu.memory_space<hbm>> -> memref<10000x64xf32, #tpu.memory_space<hbm>>
      tpu.wait_indirect_dma semaphore(%arg14 : memref<!tpu.dma_semaphore, #tpu.memory_space<semaphore_mem>>) src(%dma_wait3A_102 : memref<10000x64xf32, #tpu.memory_space<hbm>>) dst(%arg10 : memref<125x64xf32, #tpu.memory_space<vmem>>)
      %dma_start3A_103 = arith.constant 0 : i32
      %dma_start3A_104 = tpu.memref_slice %arg8[%add3A_80, %dma_start3A_103] : memref<160x125xi32, #tpu.memory_space<vmem>> -> memref<1x125xi32, #tpu.memory_space<vmem>>
      %dma_start3A_105 = tpu.memref_squeeze %dma_start3A_104 : memref<1x125xi32, #tpu.memory_space<vmem>> -> memref<125xi32, #tpu.memory_space<vmem>>
      %dma_start3A_106 = arith.constant 0 : i32
      %dma_start3A_107 = arith.constant 0 : i32
      %dma_start3A_108 = tpu.memref_slice %arg21[%dma_start3A_106, %dma_start3A_107] : memref<10240x64xf32, #tpu.memory_space<vmem_shared>> -> memref<10240x64xf32, #tpu.memory_space<vmem_shared>>
      tpu.enqueue_indirect_dma source(%arg10 : memref<125x64xf32, #tpu.memory_space<vmem>>) target(%dma_start3A_108 : memref<10240x64xf32, #tpu.memory_space<vmem_shared>>) offsets(%dma_start3A_105 : memref<125xi32, #tpu.memory_space<vmem>>) semaphore(%arg18 : memref<!tpu.dma_semaphore, #tpu.memory_space<semaphore_mem>>) {add = true}
      %mul3A_109 = arith.constant 4 : i32
      %mul3A_110 = arith.muli %scan3A_49, %mul3A_109 : i32
      %add3A_111 = arith.constant 2 : i32
      %add3A_112 = arith.addi %mul3A_110, %add3A_111 : i32
      %ge3A_113 = arith.constant 1 : i32
      %ge3A_114 = arith.cmpi sge, %add3A_112, %ge3A_113 : i32
      %convert_element_type3A_115 = arith.extui %ge3A_114 : i1 to i32
      %cond3A_116 = arith.constant 0 : i32
      %cond3A_117 = arith.cmpi ne, %convert_element_type3A_115, %cond3A_116 : i32
      scf.if %cond3A_117 {
        %sub3A = arith.constant 1 : i32
        %sub3A_173 = arith.subi %add3A_112, %sub3A : i32
        %dma_wait3A_174 = arith.constant 0 : i32
        %dma_wait3A_175 = tpu.memref_slice %arg8[%sub3A_173, %dma_wait3A_174] : memref<160x125xi32, #tpu.memory_space<vmem>> -> memref<1x125xi32, #tpu.memory_space<vmem>>
        %dma_wait3A_176 = tpu.memref_squeeze %dma_wait3A_175 : memref<1x125xi32, #tpu.memory_space<vmem>> -> memref<125xi32, #tpu.memory_space<vmem>>
        %dma_wait3A_177 = arith.constant 0 : i32
        %dma_wait3A_178 = arith.constant 0 : i32
        %dma_wait3A_179 = tpu.memref_slice %arg21[%dma_wait3A_177, %dma_wait3A_178] : memref<10240x64xf32, #tpu.memory_space<vmem_shared>> -> memref<10240x64xf32, #tpu.memory_space<vmem_shared>>
        tpu.wait_indirect_dma semaphore(%arg18 : memref<!tpu.dma_semaphore, #tpu.memory_space<semaphore_mem>>) src(%arg10 : memref<125x64xf32, #tpu.memory_space<vmem>>) dst(%dma_wait3A_179 : memref<10240x64xf32, #tpu.memory_space<vmem_shared>>)
      } else {
      }
      %add3A_118 = arith.constant 3 : i32
      %add3A_119 = arith.addi %add3A_112, %add3A_118 : i32
      %lt3A_120 = arith.constant 160 : i32
      %lt3A_121 = arith.cmpi slt, %add3A_119, %lt3A_120 : i32
      %convert_element_type3A_122 = arith.extui %lt3A_121 : i1 to i32
      %cond3A_123 = arith.constant 0 : i32
      %cond3A_124 = arith.cmpi ne, %convert_element_type3A_122, %cond3A_123 : i32
      scf.if %cond3A_124 {
        %add3A_173 = arith.constant 3 : i32
        %add3A_174 = arith.addi %add3A_112, %add3A_173 : i32
        %dma_start3A_175 = arith.constant 0 : i32
        %dma_start3A_176 = tpu.memref_slice %arg7[%add3A_174, %dma_start3A_175] : memref<160x125xi32, #tpu.memory_space<vmem>> -> memref<1x125xi32, #tpu.memory_space<vmem>>
        %dma_start3A_177 = tpu.memref_squeeze %dma_start3A_176 : memref<1x125xi32, #tpu.memory_space<vmem>> -> memref<125xi32, #tpu.memory_space<vmem>>
        %dma_start3A_178 = arith.constant 0 : i32
        %dma_start3A_179 = arith.constant 0 : i32
        %dma_start3A_180 = tpu.memref_slice %arg2[%arg0, %dma_start3A_178, %dma_start3A_179] : memref<2x10000x64xf32, #tpu.memory_space<hbm>> -> memref<1x10000x64xf32, #tpu.memory_space<hbm>>
        %dma_start3A_181 = tpu.memref_squeeze %dma_start3A_180 : memref<1x10000x64xf32, #tpu.memory_space<hbm>> -> memref<10000x64xf32, #tpu.memory_space<hbm>>
        %dma_start3A_182 = arith.constant 0 : i32
        %dma_start3A_183 = arith.constant 0 : i32
        %dma_start3A_184 = tpu.memref_slice %dma_start3A_181[%dma_start3A_182, %dma_start3A_183] : memref<10000x64xf32, #tpu.memory_space<hbm>> -> memref<10000x64xf32, #tpu.memory_space<hbm>>
        tpu.enqueue_indirect_dma source(%dma_start3A_184 : memref<10000x64xf32, #tpu.memory_space<hbm>>) target(%arg10 : memref<125x64xf32, #tpu.memory_space<vmem>>) offsets(%dma_start3A_177 : memref<125xi32, #tpu.memory_space<vmem>>) semaphore(%arg14 : memref<!tpu.dma_semaphore, #tpu.memory_space<semaphore_mem>>)
      } else {
      }
      %dma_wait3A_125 = arith.constant 0 : i32
      %dma_wait3A_126 = tpu.memref_slice %arg7[%add3A_112, %dma_wait3A_125] : memref<160x125xi32, #tpu.memory_space<vmem>> -> memref<1x125xi32, #tpu.memory_space<vmem>>
      %dma_wait3A_127 = tpu.memref_squeeze %dma_wait3A_126 : memref<1x125xi32, #tpu.memory_space<vmem>> -> memref<125xi32, #tpu.memory_space<vmem>>
      %dma_wait3A_128 = arith.constant 0 : i32
      %dma_wait3A_129 = arith.constant 0 : i32
      %dma_wait3A_130 = tpu.memref_slice %arg2[%arg0, %dma_wait3A_128, %dma_wait3A_129] : memref<2x10000x64xf32, #tpu.memory_space<hbm>> -> memref<1x10000x64xf32, #tpu.memory_space<hbm>>
      %dma_wait3A_131 = tpu.memref_squeeze %dma_wait3A_130 : memref<1x10000x64xf32, #tpu.memory_space<hbm>> -> memref<10000x64xf32, #tpu.memory_space<hbm>>
      %dma_wait3A_132 = arith.constant 0 : i32
      %dma_wait3A_133 = arith.constant 0 : i32
      %dma_wait3A_134 = tpu.memref_slice %dma_wait3A_131[%dma_wait3A_132, %dma_wait3A_133] : memref<10000x64xf32, #tpu.memory_space<hbm>> -> memref<10000x64xf32, #tpu.memory_space<hbm>>
      tpu.wait_indirect_dma semaphore(%arg15 : memref<!tpu.dma_semaphore, #tpu.memory_space<semaphore_mem>>) src(%dma_wait3A_134 : memref<10000x64xf32, #tpu.memory_space<hbm>>) dst(%arg11 : memref<125x64xf32, #tpu.memory_space<vmem>>)
      %dma_start3A_135 = arith.constant 0 : i32
      %dma_start3A_136 = tpu.memref_slice %arg8[%add3A_112, %dma_start3A_135] : memref<160x125xi32, #tpu.memory_space<vmem>> -> memref<1x125xi32, #tpu.memory_space<vmem>>
      %dma_start3A_137 = tpu.memref_squeeze %dma_start3A_136 : memref<1x125xi32, #tpu.memory_space<vmem>> -> memref<125xi32, #tpu.memory_space<vmem>>
      %dma_start3A_138 = arith.constant 0 : i32
      %dma_start3A_139 = arith.constant 0 : i32
      %dma_start3A_140 = tpu.memref_slice %arg21[%dma_start3A_138, %dma_start3A_139] : memref<10240x64xf32, #tpu.memory_space<vmem_shared>> -> memref<10240x64xf32, #tpu.memory_space<vmem_shared>>
      tpu.enqueue_indirect_dma source(%arg11 : memref<125x64xf32, #tpu.memory_space<vmem>>) target(%dma_start3A_140 : memref<10240x64xf32, #tpu.memory_space<vmem_shared>>) offsets(%dma_start3A_137 : memref<125xi32, #tpu.memory_space<vmem>>) semaphore(%arg19 : memref<!tpu.dma_semaphore, #tpu.memory_space<semaphore_mem>>) {add = true}
      %mul3A_141 = arith.constant 4 : i32
      %mul3A_142 = arith.muli %scan3A_49, %mul3A_141 : i32
      %add3A_143 = arith.constant 3 : i32
      %add3A_144 = arith.addi %mul3A_142, %add3A_143 : i32
      %ge3A_145 = arith.constant 1 : i32
      %ge3A_146 = arith.cmpi sge, %add3A_144, %ge3A_145 : i32
      %convert_element_type3A_147 = arith.extui %ge3A_146 : i1 to i32
      %cond3A_148 = arith.constant 0 : i32
      %cond3A_149 = arith.cmpi ne, %convert_element_type3A_147, %cond3A_148 : i32
      scf.if %cond3A_149 {
        %sub3A = arith.constant 1 : i32
        %sub3A_173 = arith.subi %add3A_144, %sub3A : i32
        %dma_wait3A_174 = arith.constant 0 : i32
        %dma_wait3A_175 = tpu.memref_slice %arg8[%sub3A_173, %dma_wait3A_174] : memref<160x125xi32, #tpu.memory_space<vmem>> -> memref<1x125xi32, #tpu.memory_space<vmem>>
        %dma_wait3A_176 = tpu.memref_squeeze %dma_wait3A_175 : memref<1x125xi32, #tpu.memory_space<vmem>> -> memref<125xi32, #tpu.memory_space<vmem>>
        %dma_wait3A_177 = arith.constant 0 : i32
        %dma_wait3A_178 = arith.constant 0 : i32
        %dma_wait3A_179 = tpu.memref_slice %arg21[%dma_wait3A_177, %dma_wait3A_178] : memref<10240x64xf32, #tpu.memory_space<vmem_shared>> -> memref<10240x64xf32, #tpu.memory_space<vmem_shared>>
        tpu.wait_indirect_dma semaphore(%arg19 : memref<!tpu.dma_semaphore, #tpu.memory_space<semaphore_mem>>) src(%arg11 : memref<125x64xf32, #tpu.memory_space<vmem>>) dst(%dma_wait3A_179 : memref<10240x64xf32, #tpu.memory_space<vmem_shared>>)
      } else {
      }
      %add3A_150 = arith.constant 3 : i32
      %add3A_151 = arith.addi %add3A_144, %add3A_150 : i32
      %lt3A_152 = arith.constant 160 : i32
      %lt3A_153 = arith.cmpi slt, %add3A_151, %lt3A_152 : i32
      %convert_element_type3A_154 = arith.extui %lt3A_153 : i1 to i32
      %cond3A_155 = arith.constant 0 : i32
      %cond3A_156 = arith.cmpi ne, %convert_element_type3A_154, %cond3A_155 : i32
      scf.if %cond3A_156 {
        %add3A_173 = arith.constant 3 : i32
        %add3A_174 = arith.addi %add3A_144, %add3A_173 : i32
        %dma_start3A_175 = arith.constant 0 : i32
        %dma_start3A_176 = tpu.memref_slice %arg7[%add3A_174, %dma_start3A_175] : memref<160x125xi32, #tpu.memory_space<vmem>> -> memref<1x125xi32, #tpu.memory_space<vmem>>
        %dma_start3A_177 = tpu.memref_squeeze %dma_start3A_176 : memref<1x125xi32, #tpu.memory_space<vmem>> -> memref<125xi32, #tpu.memory_space<vmem>>
        %dma_start3A_178 = arith.constant 0 : i32
        %dma_start3A_179 = arith.constant 0 : i32
        %dma_start3A_180 = tpu.memref_slice %arg2[%arg0, %dma_start3A_178, %dma_start3A_179] : memref<2x10000x64xf32, #tpu.memory_space<hbm>> -> memref<1x10000x64xf32, #tpu.memory_space<hbm>>
        %dma_start3A_181 = tpu.memref_squeeze %dma_start3A_180 : memref<1x10000x64xf32, #tpu.memory_space<hbm>> -> memref<10000x64xf32, #tpu.memory_space<hbm>>
        %dma_start3A_182 = arith.constant 0 : i32
        %dma_start3A_183 = arith.constant 0 : i32
        %dma_start3A_184 = tpu.memref_slice %dma_start3A_181[%dma_start3A_182, %dma_start3A_183] : memref<10000x64xf32, #tpu.memory_space<hbm>> -> memref<10000x64xf32, #tpu.memory_space<hbm>>
        tpu.enqueue_indirect_dma source(%dma_start3A_184 : memref<10000x64xf32, #tpu.memory_space<hbm>>) target(%arg11 : memref<125x64xf32, #tpu.memory_space<vmem>>) offsets(%dma_start3A_177 : memref<125xi32, #tpu.memory_space<vmem>>) semaphore(%arg15 : memref<!tpu.dma_semaphore, #tpu.memory_space<semaphore_mem>>)
      } else {
      }
      %dma_wait3A_157 = arith.constant 0 : i32
      %dma_wait3A_158 = tpu.memref_slice %arg7[%add3A_144, %dma_wait3A_157] : memref<160x125xi32, #tpu.memory_space<vmem>> -> memref<1x125xi32, #tpu.memory_space<vmem>>
      %dma_wait3A_159 = tpu.memref_squeeze %dma_wait3A_158 : memref<1x125xi32, #tpu.memory_space<vmem>> -> memref<125xi32, #tpu.memory_space<vmem>>
      %dma_wait3A_160 = arith.constant 0 : i32
      %dma_wait3A_161 = arith.constant 0 : i32
      %dma_wait3A_162 = tpu.memref_slice %arg2[%arg0, %dma_wait3A_160, %dma_wait3A_161] : memref<2x10000x64xf32, #tpu.memory_space<hbm>> -> memref<1x10000x64xf32, #tpu.memory_space<hbm>>
      %dma_wait3A_163 = tpu.memref_squeeze %dma_wait3A_162 : memref<1x10000x64xf32, #tpu.memory_space<hbm>> -> memref<10000x64xf32, #tpu.memory_space<hbm>>
      %dma_wait3A_164 = arith.constant 0 : i32
      %dma_wait3A_165 = arith.constant 0 : i32
      %dma_wait3A_166 = tpu.memref_slice %dma_wait3A_163[%dma_wait3A_164, %dma_wait3A_165] : memref<10000x64xf32, #tpu.memory_space<hbm>> -> memref<10000x64xf32, #tpu.memory_space<hbm>>
      tpu.wait_indirect_dma semaphore(%arg16 : memref<!tpu.dma_semaphore, #tpu.memory_space<semaphore_mem>>) src(%dma_wait3A_166 : memref<10000x64xf32, #tpu.memory_space<hbm>>) dst(%arg12 : memref<125x64xf32, #tpu.memory_space<vmem>>)
      %dma_start3A_167 = arith.constant 0 : i32
      %dma_start3A_168 = tpu.memref_slice %arg8[%add3A_144, %dma_start3A_167] : memref<160x125xi32, #tpu.memory_space<vmem>> -> memref<1x125xi32, #tpu.memory_space<vmem>>
      %dma_start3A_169 = tpu.memref_squeeze %dma_start3A_168 : memref<1x125xi32, #tpu.memory_space<vmem>> -> memref<125xi32, #tpu.memory_space<vmem>>
      %dma_start3A_170 = arith.constant 0 : i32
      %dma_start3A_171 = arith.constant 0 : i32
      %dma_start3A_172 = tpu.memref_slice %arg21[%dma_start3A_170, %dma_start3A_171] : memref<10240x64xf32, #tpu.memory_space<vmem_shared>> -> memref<10240x64xf32, #tpu.memory_space<vmem_shared>>
      tpu.enqueue_indirect_dma source(%arg12 : memref<125x64xf32, #tpu.memory_space<vmem>>) target(%dma_start3A_172 : memref<10240x64xf32, #tpu.memory_space<vmem_shared>>) offsets(%dma_start3A_169 : memref<125xi32, #tpu.memory_space<vmem>>) semaphore(%arg20 : memref<!tpu.dma_semaphore, #tpu.memory_space<semaphore_mem>>) {add = true}
    }
    %scan3A_37 = arith.constant 40 : i32
    %dma_wait3A = arith.constant 159 : i32
    %dma_wait3A_38 = arith.constant 0 : i32
    %dma_wait3A_39 = tpu.memref_slice %arg8[%dma_wait3A, %dma_wait3A_38] : memref<160x125xi32, #tpu.memory_space<vmem>> -> memref<1x125xi32, #tpu.memory_space<vmem>>
    %dma_wait3A_40 = tpu.memref_squeeze %dma_wait3A_39 : memref<1x125xi32, #tpu.memory_space<vmem>> -> memref<125xi32, #tpu.memory_space<vmem>>
    %dma_wait3A_41 = arith.constant 0 : i32
    %dma_wait3A_42 = arith.constant 0 : i32
    %dma_wait3A_43 = tpu.memref_slice %arg21[%dma_wait3A_41, %dma_wait3A_42] : memref<10240x64xf32, #tpu.memory_space<vmem_shared>> -> memref<10240x64xf32, #tpu.memory_space<vmem_shared>>
    tpu.wait_indirect_dma semaphore(%arg20 : memref<!tpu.dma_semaphore, #tpu.memory_space<semaphore_mem>>) src(%arg12 : memref<125x64xf32, #tpu.memory_space<vmem>>) dst(%dma_wait3A_43 : memref<10240x64xf32, #tpu.memory_space<vmem_shared>>)
    %barrier3A_44 = arith.constant 0 : index
    tpu.barrier barrier_id(%barrier3A_44)
    %mul3A_45 = arith.constant 640 : i32
    %mul3A_46 = arith.muli %arg1, %mul3A_45 : i32
    %mul3A_47 = arith.constant 640 : i32
    %mul3A_48 = arith.muli %arg1, %mul3A_47 : i32
    "tpu.region"() ({
      %run_scoped3A = tpu.sem_alloc : memref<!tpu.dma_semaphore, #tpu.memory_space<semaphore_mem>>
      %dma_start3A_49 = arith.constant 0 : i32
      %dma_start3A_50 = tpu.memref_slice %arg6[%arg0, %mul3A_48, %dma_start3A_49] : memref<2x10240x64xf32, #tpu.memory_space<hbm>> -> memref<1x640x64xf32, #tpu.memory_space<hbm>>
      %dma_start3A_51 = tpu.memref_squeeze %dma_start3A_50 : memref<1x640x64xf32, #tpu.memory_space<hbm>> -> memref<640x64xf32, #tpu.memory_space<hbm>>
      %dma_start3A_52 = arith.constant 0 : i32
      %dma_start3A_53 = tpu.memref_slice %arg21[%mul3A_46, %dma_start3A_52] : memref<10240x64xf32, #tpu.memory_space<vmem_shared>> -> memref<640x64xf32, #tpu.memory_space<vmem_shared>>
      tpu.enqueue_dma source(%dma_start3A_53 : memref<640x64xf32, #tpu.memory_space<vmem_shared>>) target(%dma_start3A_51 : memref<640x64xf32, #tpu.memory_space<hbm>>) target_semaphore(%run_scoped3A : memref<!tpu.dma_semaphore, #tpu.memory_space<semaphore_mem>>)
      %dma_wait3A_54 = arith.constant 0 : i32
      %dma_wait3A_55 = tpu.memref_slice %arg6[%arg0, %mul3A_48, %dma_wait3A_54] : memref<2x10240x64xf32, #tpu.memory_space<hbm>> -> memref<1x640x64xf32, #tpu.memory_space<hbm>>
      %dma_wait3A_56 = tpu.memref_squeeze %dma_wait3A_55 : memref<1x640x64xf32, #tpu.memory_space<hbm>> -> memref<640x64xf32, #tpu.memory_space<hbm>>
      %dma_wait3A_57 = arith.constant 0 : i32
      %dma_wait3A_58 = tpu.memref_slice %arg21[%mul3A_46, %dma_wait3A_57] : memref<10240x64xf32, #tpu.memory_space<vmem_shared>> -> memref<640x64xf32, #tpu.memory_space<vmem_shared>>
      tpu.wait_dma2 semaphore(%run_scoped3A : memref<!tpu.dma_semaphore, #tpu.memory_space<semaphore_mem>>) src(%dma_wait3A_58 : memref<640x64xf32, #tpu.memory_space<vmem_shared>>) dst(%dma_wait3A_56 : memref<640x64xf32, #tpu.memory_space<hbm>>)
      tpu.yield
    }) : () -> ()
    return
  }
}

#map = affine_map<(d0, d1) -> (0, 0, 0)>
#map1 = affine_map<(d0, d1) -> (0, 0)>
module attributes {stable_mosaic.version = 14 : i64} {
  func.func @_sc_agg_body(%arg0: i32, %arg1: i32, %arg2: memref<2x10000x64xf32, #tpu.memory_space<hbm>>, %arg3: memref<16x160x125xi32, #tpu.memory_space<hbm>>, %arg4: memref<16x160x125xi32, #tpu.memory_space<hbm>>, %arg5: memref<640x64xf32, #tpu.memory_space<hbm>>, %arg6: memref<2x10240x64xf32, #tpu.memory_space<hbm>>, %arg7: memref<160x125xi32, #tpu.memory_space<vmem>>, %arg8: memref<160x125xi32, #tpu.memory_space<vmem>>, %arg9: memref<125x64xf32, #tpu.memory_space<vmem>>, %arg10: memref<125x64xf32, #tpu.memory_space<vmem>>, %arg11: memref<125x64xf32, #tpu.memory_space<vmem>>, %arg12: memref<125x64xf32, #tpu.memory_space<vmem>>, %arg13: memref<!tpu.dma_semaphore, #tpu.memory_space<semaphore_mem>>, %arg14: memref<!tpu.dma_semaphore, #tpu.memory_space<semaphore_mem>>, %arg15: memref<!tpu.dma_semaphore, #tpu.memory_space<semaphore_mem>>, %arg16: memref<!tpu.dma_semaphore, #tpu.memory_space<semaphore_mem>>, %arg17: memref<!tpu.dma_semaphore, #tpu.memory_space<semaphore_mem>>, %arg18: memref<!tpu.dma_semaphore, #tpu.memory_space<semaphore_mem>>, %arg19: memref<!tpu.dma_semaphore, #tpu.memory_space<semaphore_mem>>, %arg20: memref<!tpu.dma_semaphore, #tpu.memory_space<semaphore_mem>>, %arg21: memref<10240x64xf32, #tpu.memory_space<vmem_shared>>) attributes {dimension_semantics = [#tpu.dimension_semantics<core_parallel>, #tpu.dimension_semantics<subcore_parallel>], iteration_bounds = array<i64: 2, 16>, scalar_prefetch = 0 : i64, scratch_operands = 15 : i64, tpu.core_type = #tpu.core_type<sc_vector_subcore>, window_params = [{transform_indices = #map}, {transform_indices = #map}, {transform_indices = #map}, {transform_indices = #map1}, {transform_indices = #map}]} {
    %mul3A = arith.constant 640 : i32
    %mul3A_0 = arith.muli %arg1, %mul3A : i32
    "tpu.region"() ({
      %run_scoped3A = tpu.sem_alloc : memref<!tpu.dma_semaphore, #tpu.memory_space<semaphore_mem>>
      %dma_start3A_49 = arith.constant 0 : i32
      %dma_start3A_50 = tpu.memref_slice %arg21[%mul3A_0, %dma_start3A_49] : memref<10240x64xf32, #tpu.memory_space<vmem_shared>> -> memref<640x64xf32, #tpu.memory_space<vmem_shared>>
      tpu.enqueue_dma source(%arg5 : memref<640x64xf32, #tpu.memory_space<hbm>>) target(%dma_start3A_50 : memref<640x64xf32, #tpu.memory_space<vmem_shared>>) target_semaphore(%run_scoped3A : memref<!tpu.dma_semaphore, #tpu.memory_space<semaphore_mem>>)
      %dma_wait3A_51 = arith.constant 0 : i32
      %dma_wait3A_52 = tpu.memref_slice %arg21[%mul3A_0, %dma_wait3A_51] : memref<10240x64xf32, #tpu.memory_space<vmem_shared>> -> memref<640x64xf32, #tpu.memory_space<vmem_shared>>
      tpu.wait_dma2 semaphore(%run_scoped3A : memref<!tpu.dma_semaphore, #tpu.memory_space<semaphore_mem>>) src(%arg5 : memref<640x64xf32, #tpu.memory_space<hbm>>) dst(%dma_wait3A_52 : memref<640x64xf32, #tpu.memory_space<vmem_shared>>)
      tpu.yield
    }) : () -> ()
    "tpu.region"() ({
      %run_scoped3A = tpu.sem_alloc : memref<!tpu.dma_semaphore, #tpu.memory_space<semaphore_mem>>
      %dma_start3A_49 = arith.constant 0 : i32
      %dma_start3A_50 = arith.constant 0 : i32
      %dma_start3A_51 = tpu.memref_slice %arg3[%arg1, %dma_start3A_49, %dma_start3A_50] : memref<16x160x125xi32, #tpu.memory_space<hbm>> -> memref<1x160x125xi32, #tpu.memory_space<hbm>>
      %dma_start3A_52 = tpu.memref_squeeze %dma_start3A_51 : memref<1x160x125xi32, #tpu.memory_space<hbm>> -> memref<160x125xi32, #tpu.memory_space<hbm>>
      %dma_start3A_53 = arith.constant 0 : i32
      %dma_start3A_54 = arith.constant 0 : i32
      %dma_start3A_55 = tpu.memref_slice %arg3[%arg1, %dma_start3A_53, %dma_start3A_54] : memref<16x160x125xi32, #tpu.memory_space<hbm>> -> memref<1x160x125xi32, #tpu.memory_space<hbm>>
      %dma_start3A_56 = tpu.memref_squeeze %dma_start3A_55 : memref<1x160x125xi32, #tpu.memory_space<hbm>> -> memref<160x125xi32, #tpu.memory_space<hbm>>
      tpu.enqueue_dma source(%dma_start3A_56 : memref<160x125xi32, #tpu.memory_space<hbm>>) target(%arg7 : memref<160x125xi32, #tpu.memory_space<vmem>>) target_semaphore(%run_scoped3A : memref<!tpu.dma_semaphore, #tpu.memory_space<semaphore_mem>>)
      %dma_wait3A_57 = arith.constant 0 : i32
      %dma_wait3A_58 = arith.constant 0 : i32
      %dma_wait3A_59 = tpu.memref_slice %arg3[%arg1, %dma_wait3A_57, %dma_wait3A_58] : memref<16x160x125xi32, #tpu.memory_space<hbm>> -> memref<1x160x125xi32, #tpu.memory_space<hbm>>
      %dma_wait3A_60 = tpu.memref_squeeze %dma_wait3A_59 : memref<1x160x125xi32, #tpu.memory_space<hbm>> -> memref<160x125xi32, #tpu.memory_space<hbm>>
      %dma_wait3A_61 = arith.constant 0 : i32
      %dma_wait3A_62 = arith.constant 0 : i32
      %dma_wait3A_63 = tpu.memref_slice %arg3[%arg1, %dma_wait3A_61, %dma_wait3A_62] : memref<16x160x125xi32, #tpu.memory_space<hbm>> -> memref<1x160x125xi32, #tpu.memory_space<hbm>>
      %dma_wait3A_64 = tpu.memref_squeeze %dma_wait3A_63 : memref<1x160x125xi32, #tpu.memory_space<hbm>> -> memref<160x125xi32, #tpu.memory_space<hbm>>
      tpu.wait_dma2 semaphore(%run_scoped3A : memref<!tpu.dma_semaphore, #tpu.memory_space<semaphore_mem>>) src(%dma_wait3A_64 : memref<160x125xi32, #tpu.memory_space<hbm>>) dst(%arg7 : memref<160x125xi32, #tpu.memory_space<vmem>>)
      tpu.yield
    }) : () -> ()
    "tpu.region"() ({
      %run_scoped3A = tpu.sem_alloc : memref<!tpu.dma_semaphore, #tpu.memory_space<semaphore_mem>>
      %dma_start3A_49 = arith.constant 0 : i32
      %dma_start3A_50 = arith.constant 0 : i32
      %dma_start3A_51 = tpu.memref_slice %arg4[%arg1, %dma_start3A_49, %dma_start3A_50] : memref<16x160x125xi32, #tpu.memory_space<hbm>> -> memref<1x160x125xi32, #tpu.memory_space<hbm>>
      %dma_start3A_52 = tpu.memref_squeeze %dma_start3A_51 : memref<1x160x125xi32, #tpu.memory_space<hbm>> -> memref<160x125xi32, #tpu.memory_space<hbm>>
      %dma_start3A_53 = arith.constant 0 : i32
      %dma_start3A_54 = arith.constant 0 : i32
      %dma_start3A_55 = tpu.memref_slice %arg4[%arg1, %dma_start3A_53, %dma_start3A_54] : memref<16x160x125xi32, #tpu.memory_space<hbm>> -> memref<1x160x125xi32, #tpu.memory_space<hbm>>
      %dma_start3A_56 = tpu.memref_squeeze %dma_start3A_55 : memref<1x160x125xi32, #tpu.memory_space<hbm>> -> memref<160x125xi32, #tpu.memory_space<hbm>>
      tpu.enqueue_dma source(%dma_start3A_56 : memref<160x125xi32, #tpu.memory_space<hbm>>) target(%arg8 : memref<160x125xi32, #tpu.memory_space<vmem>>) target_semaphore(%run_scoped3A : memref<!tpu.dma_semaphore, #tpu.memory_space<semaphore_mem>>)
      %dma_wait3A_57 = arith.constant 0 : i32
      %dma_wait3A_58 = arith.constant 0 : i32
      %dma_wait3A_59 = tpu.memref_slice %arg4[%arg1, %dma_wait3A_57, %dma_wait3A_58] : memref<16x160x125xi32, #tpu.memory_space<hbm>> -> memref<1x160x125xi32, #tpu.memory_space<hbm>>
      %dma_wait3A_60 = tpu.memref_squeeze %dma_wait3A_59 : memref<1x160x125xi32, #tpu.memory_space<hbm>> -> memref<160x125xi32, #tpu.memory_space<hbm>>
      %dma_wait3A_61 = arith.constant 0 : i32
      %dma_wait3A_62 = arith.constant 0 : i32
      %dma_wait3A_63 = tpu.memref_slice %arg4[%arg1, %dma_wait3A_61, %dma_wait3A_62] : memref<16x160x125xi32, #tpu.memory_space<hbm>> -> memref<1x160x125xi32, #tpu.memory_space<hbm>>
      %dma_wait3A_64 = tpu.memref_squeeze %dma_wait3A_63 : memref<1x160x125xi32, #tpu.memory_space<hbm>> -> memref<160x125xi32, #tpu.memory_space<hbm>>
      tpu.wait_dma2 semaphore(%run_scoped3A : memref<!tpu.dma_semaphore, #tpu.memory_space<semaphore_mem>>) src(%dma_wait3A_64 : memref<160x125xi32, #tpu.memory_space<hbm>>) dst(%arg8 : memref<160x125xi32, #tpu.memory_space<vmem>>)
      tpu.yield
    }) : () -> ()
    %barrier3A = arith.constant 0 : index
    tpu.barrier barrier_id(%barrier3A)
    %dma_start3A = arith.constant 0 : i32
    %dma_start3A_1 = arith.constant 0 : i32
    %dma_start3A_2 = tpu.memref_slice %arg7[%dma_start3A, %dma_start3A_1] : memref<160x125xi32, #tpu.memory_space<vmem>> -> memref<1x125xi32, #tpu.memory_space<vmem>>
    %dma_start3A_3 = tpu.memref_squeeze %dma_start3A_2 : memref<1x125xi32, #tpu.memory_space<vmem>> -> memref<125xi32, #tpu.memory_space<vmem>>
    %dma_start3A_4 = arith.constant 0 : i32
    %dma_start3A_5 = arith.constant 0 : i32
    %dma_start3A_6 = tpu.memref_slice %arg2[%arg0, %dma_start3A_4, %dma_start3A_5] : memref<2x10000x64xf32, #tpu.memory_space<hbm>> -> memref<1x10000x64xf32, #tpu.memory_space<hbm>>
    %dma_start3A_7 = tpu.memref_squeeze %dma_start3A_6 : memref<1x10000x64xf32, #tpu.memory_space<hbm>> -> memref<10000x64xf32, #tpu.memory_space<hbm>>
    %dma_start3A_8 = arith.constant 0 : i32
    %dma_start3A_9 = arith.constant 0 : i32
    %dma_start3A_10 = tpu.memref_slice %dma_start3A_7[%dma_start3A_8, %dma_start3A_9] : memref<10000x64xf32, #tpu.memory_space<hbm>> -> memref<10000x64xf32, #tpu.memory_space<hbm>>
    tpu.enqueue_indirect_dma source(%dma_start3A_10 : memref<10000x64xf32, #tpu.memory_space<hbm>>) target(%arg9 : memref<125x64xf32, #tpu.memory_space<vmem>>) offsets(%dma_start3A_3 : memref<125xi32, #tpu.memory_space<vmem>>) semaphore(%arg13 : memref<!tpu.dma_semaphore, #tpu.memory_space<semaphore_mem>>)
    %dma_start3A_11 = arith.constant 1 : i32
    %dma_start3A_12 = arith.constant 0 : i32
    %dma_start3A_13 = tpu.memref_slice %arg7[%dma_start3A_11, %dma_start3A_12] : memref<160x125xi32, #tpu.memory_space<vmem>> -> memref<1x125xi32, #tpu.memory_space<vmem>>
    %dma_start3A_14 = tpu.memref_squeeze %dma_start3A_13 : memref<1x125xi32, #tpu.memory_space<vmem>> -> memref<125xi32, #tpu.memory_space<vmem>>
    %dma_start3A_15 = arith.constant 0 : i32
    %dma_start3A_16 = arith.constant 0 : i32
    %dma_start3A_17 = tpu.memref_slice %arg2[%arg0, %dma_start3A_15, %dma_start3A_16] : memref<2x10000x64xf32, #tpu.memory_space<hbm>> -> memref<1x10000x64xf32, #tpu.memory_space<hbm>>
    %dma_start3A_18 = tpu.memref_squeeze %dma_start3A_17 : memref<1x10000x64xf32, #tpu.memory_space<hbm>> -> memref<10000x64xf32, #tpu.memory_space<hbm>>
    %dma_start3A_19 = arith.constant 0 : i32
    %dma_start3A_20 = arith.constant 0 : i32
    %dma_start3A_21 = tpu.memref_slice %dma_start3A_18[%dma_start3A_19, %dma_start3A_20] : memref<10000x64xf32, #tpu.memory_space<hbm>> -> memref<10000x64xf32, #tpu.memory_space<hbm>>
    tpu.enqueue_indirect_dma source(%dma_start3A_21 : memref<10000x64xf32, #tpu.memory_space<hbm>>) target(%arg10 : memref<125x64xf32, #tpu.memory_space<vmem>>) offsets(%dma_start3A_14 : memref<125xi32, #tpu.memory_space<vmem>>) semaphore(%arg14 : memref<!tpu.dma_semaphore, #tpu.memory_space<semaphore_mem>>)
    %dma_start3A_22 = arith.constant 2 : i32
    %dma_start3A_23 = arith.constant 0 : i32
    %dma_start3A_24 = tpu.memref_slice %arg7[%dma_start3A_22, %dma_start3A_23] : memref<160x125xi32, #tpu.memory_space<vmem>> -> memref<1x125xi32, #tpu.memory_space<vmem>>
    %dma_start3A_25 = tpu.memref_squeeze %dma_start3A_24 : memref<1x125xi32, #tpu.memory_space<vmem>> -> memref<125xi32, #tpu.memory_space<vmem>>
    %dma_start3A_26 = arith.constant 0 : i32
    %dma_start3A_27 = arith.constant 0 : i32
    %dma_start3A_28 = tpu.memref_slice %arg2[%arg0, %dma_start3A_26, %dma_start3A_27] : memref<2x10000x64xf32, #tpu.memory_space<hbm>> -> memref<1x10000x64xf32, #tpu.memory_space<hbm>>
    %dma_start3A_29 = tpu.memref_squeeze %dma_start3A_28 : memref<1x10000x64xf32, #tpu.memory_space<hbm>> -> memref<10000x64xf32, #tpu.memory_space<hbm>>
    %dma_start3A_30 = arith.constant 0 : i32
    %dma_start3A_31 = arith.constant 0 : i32
    %dma_start3A_32 = tpu.memref_slice %dma_start3A_29[%dma_start3A_30, %dma_start3A_31] : memref<10000x64xf32, #tpu.memory_space<hbm>> -> memref<10000x64xf32, #tpu.memory_space<hbm>>
    tpu.enqueue_indirect_dma source(%dma_start3A_32 : memref<10000x64xf32, #tpu.memory_space<hbm>>) target(%arg11 : memref<125x64xf32, #tpu.memory_space<vmem>>) offsets(%dma_start3A_25 : memref<125xi32, #tpu.memory_space<vmem>>) semaphore(%arg15 : memref<!tpu.dma_semaphore, #tpu.memory_space<semaphore_mem>>)
    %scan3A = arith.constant 0 : i32
    %scan3A_33 = arith.constant 0 : i32
    %scan3A_34 = arith.constant 40 : i32
    %scan3A_35 = arith.addi %scan3A_33, %scan3A_34 : i32
    %scan3A_36 = arith.constant 1 : i32
    scf.for %scan3A_49 = %scan3A_33 to %scan3A_35 step %scan3A_36  : i32 {
      %mul3A_50 = arith.constant 4 : i32
      %mul3A_51 = arith.muli %scan3A_49, %mul3A_50 : i32
      %add3A = arith.constant 0 : i32
      %add3A_52 = arith.addi %mul3A_51, %add3A : i32
      %ge3A = arith.constant 1 : i32
      %ge3A_53 = arith.cmpi sge, %add3A_52, %ge3A : i32
      %convert_element_type3A = arith.extui %ge3A_53 : i1 to i32
      %cond3A = arith.constant 0 : i32
      %cond3A_54 = arith.cmpi ne, %convert_element_type3A, %cond3A : i32
      scf.if %cond3A_54 {
        %sub3A = arith.constant 1 : i32
        %sub3A_173 = arith.subi %add3A_52, %sub3A : i32
        %dma_wait3A_174 = arith.constant 0 : i32
        %dma_wait3A_175 = tpu.memref_slice %arg8[%sub3A_173, %dma_wait3A_174] : memref<160x125xi32, #tpu.memory_space<vmem>> -> memref<1x125xi32, #tpu.memory_space<vmem>>
        %dma_wait3A_176 = tpu.memref_squeeze %dma_wait3A_175 : memref<1x125xi32, #tpu.memory_space<vmem>> -> memref<125xi32, #tpu.memory_space<vmem>>
        %dma_wait3A_177 = arith.constant 0 : i32
        %dma_wait3A_178 = arith.constant 0 : i32
        %dma_wait3A_179 = tpu.memref_slice %arg21[%dma_wait3A_177, %dma_wait3A_178] : memref<10240x64xf32, #tpu.memory_space<vmem_shared>> -> memref<10240x64xf32, #tpu.memory_space<vmem_shared>>
        tpu.wait_indirect_dma semaphore(%arg20 : memref<!tpu.dma_semaphore, #tpu.memory_space<semaphore_mem>>) src(%arg12 : memref<125x64xf32, #tpu.memory_space<vmem>>) dst(%dma_wait3A_179 : memref<10240x64xf32, #tpu.memory_space<vmem_shared>>)
      } else {
      }
      %add3A_55 = arith.constant 3 : i32
      %add3A_56 = arith.addi %add3A_52, %add3A_55 : i32
      %lt3A = arith.constant 160 : i32
      %lt3A_57 = arith.cmpi slt, %add3A_56, %lt3A : i32
      %convert_element_type3A_58 = arith.extui %lt3A_57 : i1 to i32
      %cond3A_59 = arith.constant 0 : i32
      %cond3A_60 = arith.cmpi ne, %convert_element_type3A_58, %cond3A_59 : i32
      scf.if %cond3A_60 {
        %add3A_173 = arith.constant 3 : i32
        %add3A_174 = arith.addi %add3A_52, %add3A_173 : i32
        %dma_start3A_175 = arith.constant 0 : i32
        %dma_start3A_176 = tpu.memref_slice %arg7[%add3A_174, %dma_start3A_175] : memref<160x125xi32, #tpu.memory_space<vmem>> -> memref<1x125xi32, #tpu.memory_space<vmem>>
        %dma_start3A_177 = tpu.memref_squeeze %dma_start3A_176 : memref<1x125xi32, #tpu.memory_space<vmem>> -> memref<125xi32, #tpu.memory_space<vmem>>
        %dma_start3A_178 = arith.constant 0 : i32
        %dma_start3A_179 = arith.constant 0 : i32
        %dma_start3A_180 = tpu.memref_slice %arg2[%arg0, %dma_start3A_178, %dma_start3A_179] : memref<2x10000x64xf32, #tpu.memory_space<hbm>> -> memref<1x10000x64xf32, #tpu.memory_space<hbm>>
        %dma_start3A_181 = tpu.memref_squeeze %dma_start3A_180 : memref<1x10000x64xf32, #tpu.memory_space<hbm>> -> memref<10000x64xf32, #tpu.memory_space<hbm>>
        %dma_start3A_182 = arith.constant 0 : i32
        %dma_start3A_183 = arith.constant 0 : i32
        %dma_start3A_184 = tpu.memref_slice %dma_start3A_181[%dma_start3A_182, %dma_start3A_183] : memref<10000x64xf32, #tpu.memory_space<hbm>> -> memref<10000x64xf32, #tpu.memory_space<hbm>>
        tpu.enqueue_indirect_dma source(%dma_start3A_184 : memref<10000x64xf32, #tpu.memory_space<hbm>>) target(%arg12 : memref<125x64xf32, #tpu.memory_space<vmem>>) offsets(%dma_start3A_177 : memref<125xi32, #tpu.memory_space<vmem>>) semaphore(%arg16 : memref<!tpu.dma_semaphore, #tpu.memory_space<semaphore_mem>>)
      } else {
      }
      %dma_wait3A_61 = arith.constant 0 : i32
      %dma_wait3A_62 = tpu.memref_slice %arg7[%add3A_52, %dma_wait3A_61] : memref<160x125xi32, #tpu.memory_space<vmem>> -> memref<1x125xi32, #tpu.memory_space<vmem>>
      %dma_wait3A_63 = tpu.memref_squeeze %dma_wait3A_62 : memref<1x125xi32, #tpu.memory_space<vmem>> -> memref<125xi32, #tpu.memory_space<vmem>>
      %dma_wait3A_64 = arith.constant 0 : i32
      %dma_wait3A_65 = arith.constant 0 : i32
      %dma_wait3A_66 = tpu.memref_slice %arg2[%arg0, %dma_wait3A_64, %dma_wait3A_65] : memref<2x10000x64xf32, #tpu.memory_space<hbm>> -> memref<1x10000x64xf32, #tpu.memory_space<hbm>>
      %dma_wait3A_67 = tpu.memref_squeeze %dma_wait3A_66 : memref<1x10000x64xf32, #tpu.memory_space<hbm>> -> memref<10000x64xf32, #tpu.memory_space<hbm>>
      %dma_wait3A_68 = arith.constant 0 : i32
      %dma_wait3A_69 = arith.constant 0 : i32
      %dma_wait3A_70 = tpu.memref_slice %dma_wait3A_67[%dma_wait3A_68, %dma_wait3A_69] : memref<10000x64xf32, #tpu.memory_space<hbm>> -> memref<10000x64xf32, #tpu.memory_space<hbm>>
      tpu.wait_indirect_dma semaphore(%arg13 : memref<!tpu.dma_semaphore, #tpu.memory_space<semaphore_mem>>) src(%dma_wait3A_70 : memref<10000x64xf32, #tpu.memory_space<hbm>>) dst(%arg9 : memref<125x64xf32, #tpu.memory_space<vmem>>)
      %dma_start3A_71 = arith.constant 0 : i32
      %dma_start3A_72 = tpu.memref_slice %arg8[%add3A_52, %dma_start3A_71] : memref<160x125xi32, #tpu.memory_space<vmem>> -> memref<1x125xi32, #tpu.memory_space<vmem>>
      %dma_start3A_73 = tpu.memref_squeeze %dma_start3A_72 : memref<1x125xi32, #tpu.memory_space<vmem>> -> memref<125xi32, #tpu.memory_space<vmem>>
      %dma_start3A_74 = arith.constant 0 : i32
      %dma_start3A_75 = arith.constant 0 : i32
      %dma_start3A_76 = tpu.memref_slice %arg21[%dma_start3A_74, %dma_start3A_75] : memref<10240x64xf32, #tpu.memory_space<vmem_shared>> -> memref<10240x64xf32, #tpu.memory_space<vmem_shared>>
      tpu.enqueue_indirect_dma source(%arg9 : memref<125x64xf32, #tpu.memory_space<vmem>>) target(%dma_start3A_76 : memref<10240x64xf32, #tpu.memory_space<vmem_shared>>) offsets(%dma_start3A_73 : memref<125xi32, #tpu.memory_space<vmem>>) semaphore(%arg17 : memref<!tpu.dma_semaphore, #tpu.memory_space<semaphore_mem>>) {add = true}
      %mul3A_77 = arith.constant 4 : i32
      %mul3A_78 = arith.muli %scan3A_49, %mul3A_77 : i32
      %add3A_79 = arith.constant 1 : i32
      %add3A_80 = arith.addi %mul3A_78, %add3A_79 : i32
      %ge3A_81 = arith.constant 1 : i32
      %ge3A_82 = arith.cmpi sge, %add3A_80, %ge3A_81 : i32
      %convert_element_type3A_83 = arith.extui %ge3A_82 : i1 to i32
      %cond3A_84 = arith.constant 0 : i32
      %cond3A_85 = arith.cmpi ne, %convert_element_type3A_83, %cond3A_84 : i32
      scf.if %cond3A_85 {
        %sub3A = arith.constant 1 : i32
        %sub3A_173 = arith.subi %add3A_80, %sub3A : i32
        %dma_wait3A_174 = arith.constant 0 : i32
        %dma_wait3A_175 = tpu.memref_slice %arg8[%sub3A_173, %dma_wait3A_174] : memref<160x125xi32, #tpu.memory_space<vmem>> -> memref<1x125xi32, #tpu.memory_space<vmem>>
        %dma_wait3A_176 = tpu.memref_squeeze %dma_wait3A_175 : memref<1x125xi32, #tpu.memory_space<vmem>> -> memref<125xi32, #tpu.memory_space<vmem>>
        %dma_wait3A_177 = arith.constant 0 : i32
        %dma_wait3A_178 = arith.constant 0 : i32
        %dma_wait3A_179 = tpu.memref_slice %arg21[%dma_wait3A_177, %dma_wait3A_178] : memref<10240x64xf32, #tpu.memory_space<vmem_shared>> -> memref<10240x64xf32, #tpu.memory_space<vmem_shared>>
        tpu.wait_indirect_dma semaphore(%arg17 : memref<!tpu.dma_semaphore, #tpu.memory_space<semaphore_mem>>) src(%arg9 : memref<125x64xf32, #tpu.memory_space<vmem>>) dst(%dma_wait3A_179 : memref<10240x64xf32, #tpu.memory_space<vmem_shared>>)
      } else {
      }
      %add3A_86 = arith.constant 3 : i32
      %add3A_87 = arith.addi %add3A_80, %add3A_86 : i32
      %lt3A_88 = arith.constant 160 : i32
      %lt3A_89 = arith.cmpi slt, %add3A_87, %lt3A_88 : i32
      %convert_element_type3A_90 = arith.extui %lt3A_89 : i1 to i32
      %cond3A_91 = arith.constant 0 : i32
      %cond3A_92 = arith.cmpi ne, %convert_element_type3A_90, %cond3A_91 : i32
      scf.if %cond3A_92 {
        %add3A_173 = arith.constant 3 : i32
        %add3A_174 = arith.addi %add3A_80, %add3A_173 : i32
        %dma_start3A_175 = arith.constant 0 : i32
        %dma_start3A_176 = tpu.memref_slice %arg7[%add3A_174, %dma_start3A_175] : memref<160x125xi32, #tpu.memory_space<vmem>> -> memref<1x125xi32, #tpu.memory_space<vmem>>
        %dma_start3A_177 = tpu.memref_squeeze %dma_start3A_176 : memref<1x125xi32, #tpu.memory_space<vmem>> -> memref<125xi32, #tpu.memory_space<vmem>>
        %dma_start3A_178 = arith.constant 0 : i32
        %dma_start3A_179 = arith.constant 0 : i32
        %dma_start3A_180 = tpu.memref_slice %arg2[%arg0, %dma_start3A_178, %dma_start3A_179] : memref<2x10000x64xf32, #tpu.memory_space<hbm>> -> memref<1x10000x64xf32, #tpu.memory_space<hbm>>
        %dma_start3A_181 = tpu.memref_squeeze %dma_start3A_180 : memref<1x10000x64xf32, #tpu.memory_space<hbm>> -> memref<10000x64xf32, #tpu.memory_space<hbm>>
        %dma_start3A_182 = arith.constant 0 : i32
        %dma_start3A_183 = arith.constant 0 : i32
        %dma_start3A_184 = tpu.memref_slice %dma_start3A_181[%dma_start3A_182, %dma_start3A_183] : memref<10000x64xf32, #tpu.memory_space<hbm>> -> memref<10000x64xf32, #tpu.memory_space<hbm>>
        tpu.enqueue_indirect_dma source(%dma_start3A_184 : memref<10000x64xf32, #tpu.memory_space<hbm>>) target(%arg9 : memref<125x64xf32, #tpu.memory_space<vmem>>) offsets(%dma_start3A_177 : memref<125xi32, #tpu.memory_space<vmem>>) semaphore(%arg13 : memref<!tpu.dma_semaphore, #tpu.memory_space<semaphore_mem>>)
      } else {
      }
      %dma_wait3A_93 = arith.constant 0 : i32
      %dma_wait3A_94 = tpu.memref_slice %arg7[%add3A_80, %dma_wait3A_93] : memref<160x125xi32, #tpu.memory_space<vmem>> -> memref<1x125xi32, #tpu.memory_space<vmem>>
      %dma_wait3A_95 = tpu.memref_squeeze %dma_wait3A_94 : memref<1x125xi32, #tpu.memory_space<vmem>> -> memref<125xi32, #tpu.memory_space<vmem>>
      %dma_wait3A_96 = arith.constant 0 : i32
      %dma_wait3A_97 = arith.constant 0 : i32
      %dma_wait3A_98 = tpu.memref_slice %arg2[%arg0, %dma_wait3A_96, %dma_wait3A_97] : memref<2x10000x64xf32, #tpu.memory_space<hbm>> -> memref<1x10000x64xf32, #tpu.memory_space<hbm>>
      %dma_wait3A_99 = tpu.memref_squeeze %dma_wait3A_98 : memref<1x10000x64xf32, #tpu.memory_space<hbm>> -> memref<10000x64xf32, #tpu.memory_space<hbm>>
      %dma_wait3A_100 = arith.constant 0 : i32
      %dma_wait3A_101 = arith.constant 0 : i32
      %dma_wait3A_102 = tpu.memref_slice %dma_wait3A_99[%dma_wait3A_100, %dma_wait3A_101] : memref<10000x64xf32, #tpu.memory_space<hbm>> -> memref<10000x64xf32, #tpu.memory_space<hbm>>
      tpu.wait_indirect_dma semaphore(%arg14 : memref<!tpu.dma_semaphore, #tpu.memory_space<semaphore_mem>>) src(%dma_wait3A_102 : memref<10000x64xf32, #tpu.memory_space<hbm>>) dst(%arg10 : memref<125x64xf32, #tpu.memory_space<vmem>>)
      %dma_start3A_103 = arith.constant 0 : i32
      %dma_start3A_104 = tpu.memref_slice %arg8[%add3A_80, %dma_start3A_103] : memref<160x125xi32, #tpu.memory_space<vmem>> -> memref<1x125xi32, #tpu.memory_space<vmem>>
      %dma_start3A_105 = tpu.memref_squeeze %dma_start3A_104 : memref<1x125xi32, #tpu.memory_space<vmem>> -> memref<125xi32, #tpu.memory_space<vmem>>
      %dma_start3A_106 = arith.constant 0 : i32
      %dma_start3A_107 = arith.constant 0 : i32
      %dma_start3A_108 = tpu.memref_slice %arg21[%dma_start3A_106, %dma_start3A_107] : memref<10240x64xf32, #tpu.memory_space<vmem_shared>> -> memref<10240x64xf32, #tpu.memory_space<vmem_shared>>
      tpu.enqueue_indirect_dma source(%arg10 : memref<125x64xf32, #tpu.memory_space<vmem>>) target(%dma_start3A_108 : memref<10240x64xf32, #tpu.memory_space<vmem_shared>>) offsets(%dma_start3A_105 : memref<125xi32, #tpu.memory_space<vmem>>) semaphore(%arg18 : memref<!tpu.dma_semaphore, #tpu.memory_space<semaphore_mem>>) {add = true}
      %mul3A_109 = arith.constant 4 : i32
      %mul3A_110 = arith.muli %scan3A_49, %mul3A_109 : i32
      %add3A_111 = arith.constant 2 : i32
      %add3A_112 = arith.addi %mul3A_110, %add3A_111 : i32
      %ge3A_113 = arith.constant 1 : i32
      %ge3A_114 = arith.cmpi sge, %add3A_112, %ge3A_113 : i32
      %convert_element_type3A_115 = arith.extui %ge3A_114 : i1 to i32
      %cond3A_116 = arith.constant 0 : i32
      %cond3A_117 = arith.cmpi ne, %convert_element_type3A_115, %cond3A_116 : i32
      scf.if %cond3A_117 {
        %sub3A = arith.constant 1 : i32
        %sub3A_173 = arith.subi %add3A_112, %sub3A : i32
        %dma_wait3A_174 = arith.constant 0 : i32
        %dma_wait3A_175 = tpu.memref_slice %arg8[%sub3A_173, %dma_wait3A_174] : memref<160x125xi32, #tpu.memory_space<vmem>> -> memref<1x125xi32, #tpu.memory_space<vmem>>
        %dma_wait3A_176 = tpu.memref_squeeze %dma_wait3A_175 : memref<1x125xi32, #tpu.memory_space<vmem>> -> memref<125xi32, #tpu.memory_space<vmem>>
        %dma_wait3A_177 = arith.constant 0 : i32
        %dma_wait3A_178 = arith.constant 0 : i32
        %dma_wait3A_179 = tpu.memref_slice %arg21[%dma_wait3A_177, %dma_wait3A_178] : memref<10240x64xf32, #tpu.memory_space<vmem_shared>> -> memref<10240x64xf32, #tpu.memory_space<vmem_shared>>
        tpu.wait_indirect_dma semaphore(%arg18 : memref<!tpu.dma_semaphore, #tpu.memory_space<semaphore_mem>>) src(%arg10 : memref<125x64xf32, #tpu.memory_space<vmem>>) dst(%dma_wait3A_179 : memref<10240x64xf32, #tpu.memory_space<vmem_shared>>)
      } else {
      }
      %add3A_118 = arith.constant 3 : i32
      %add3A_119 = arith.addi %add3A_112, %add3A_118 : i32
      %lt3A_120 = arith.constant 160 : i32
      %lt3A_121 = arith.cmpi slt, %add3A_119, %lt3A_120 : i32
      %convert_element_type3A_122 = arith.extui %lt3A_121 : i1 to i32
      %cond3A_123 = arith.constant 0 : i32
      %cond3A_124 = arith.cmpi ne, %convert_element_type3A_122, %cond3A_123 : i32
      scf.if %cond3A_124 {
        %add3A_173 = arith.constant 3 : i32
        %add3A_174 = arith.addi %add3A_112, %add3A_173 : i32
        %dma_start3A_175 = arith.constant 0 : i32
        %dma_start3A_176 = tpu.memref_slice %arg7[%add3A_174, %dma_start3A_175] : memref<160x125xi32, #tpu.memory_space<vmem>> -> memref<1x125xi32, #tpu.memory_space<vmem>>
        %dma_start3A_177 = tpu.memref_squeeze %dma_start3A_176 : memref<1x125xi32, #tpu.memory_space<vmem>> -> memref<125xi32, #tpu.memory_space<vmem>>
        %dma_start3A_178 = arith.constant 0 : i32
        %dma_start3A_179 = arith.constant 0 : i32
        %dma_start3A_180 = tpu.memref_slice %arg2[%arg0, %dma_start3A_178, %dma_start3A_179] : memref<2x10000x64xf32, #tpu.memory_space<hbm>> -> memref<1x10000x64xf32, #tpu.memory_space<hbm>>
        %dma_start3A_181 = tpu.memref_squeeze %dma_start3A_180 : memref<1x10000x64xf32, #tpu.memory_space<hbm>> -> memref<10000x64xf32, #tpu.memory_space<hbm>>
        %dma_start3A_182 = arith.constant 0 : i32
        %dma_start3A_183 = arith.constant 0 : i32
        %dma_start3A_184 = tpu.memref_slice %dma_start3A_181[%dma_start3A_182, %dma_start3A_183] : memref<10000x64xf32, #tpu.memory_space<hbm>> -> memref<10000x64xf32, #tpu.memory_space<hbm>>
        tpu.enqueue_indirect_dma source(%dma_start3A_184 : memref<10000x64xf32, #tpu.memory_space<hbm>>) target(%arg10 : memref<125x64xf32, #tpu.memory_space<vmem>>) offsets(%dma_start3A_177 : memref<125xi32, #tpu.memory_space<vmem>>) semaphore(%arg14 : memref<!tpu.dma_semaphore, #tpu.memory_space<semaphore_mem>>)
      } else {
      }
      %dma_wait3A_125 = arith.constant 0 : i32
      %dma_wait3A_126 = tpu.memref_slice %arg7[%add3A_112, %dma_wait3A_125] : memref<160x125xi32, #tpu.memory_space<vmem>> -> memref<1x125xi32, #tpu.memory_space<vmem>>
      %dma_wait3A_127 = tpu.memref_squeeze %dma_wait3A_126 : memref<1x125xi32, #tpu.memory_space<vmem>> -> memref<125xi32, #tpu.memory_space<vmem>>
      %dma_wait3A_128 = arith.constant 0 : i32
      %dma_wait3A_129 = arith.constant 0 : i32
      %dma_wait3A_130 = tpu.memref_slice %arg2[%arg0, %dma_wait3A_128, %dma_wait3A_129] : memref<2x10000x64xf32, #tpu.memory_space<hbm>> -> memref<1x10000x64xf32, #tpu.memory_space<hbm>>
      %dma_wait3A_131 = tpu.memref_squeeze %dma_wait3A_130 : memref<1x10000x64xf32, #tpu.memory_space<hbm>> -> memref<10000x64xf32, #tpu.memory_space<hbm>>
      %dma_wait3A_132 = arith.constant 0 : i32
      %dma_wait3A_133 = arith.constant 0 : i32
      %dma_wait3A_134 = tpu.memref_slice %dma_wait3A_131[%dma_wait3A_132, %dma_wait3A_133] : memref<10000x64xf32, #tpu.memory_space<hbm>> -> memref<10000x64xf32, #tpu.memory_space<hbm>>
      tpu.wait_indirect_dma semaphore(%arg15 : memref<!tpu.dma_semaphore, #tpu.memory_space<semaphore_mem>>) src(%dma_wait3A_134 : memref<10000x64xf32, #tpu.memory_space<hbm>>) dst(%arg11 : memref<125x64xf32, #tpu.memory_space<vmem>>)
      %dma_start3A_135 = arith.constant 0 : i32
      %dma_start3A_136 = tpu.memref_slice %arg8[%add3A_112, %dma_start3A_135] : memref<160x125xi32, #tpu.memory_space<vmem>> -> memref<1x125xi32, #tpu.memory_space<vmem>>
      %dma_start3A_137 = tpu.memref_squeeze %dma_start3A_136 : memref<1x125xi32, #tpu.memory_space<vmem>> -> memref<125xi32, #tpu.memory_space<vmem>>
      %dma_start3A_138 = arith.constant 0 : i32
      %dma_start3A_139 = arith.constant 0 : i32
      %dma_start3A_140 = tpu.memref_slice %arg21[%dma_start3A_138, %dma_start3A_139] : memref<10240x64xf32, #tpu.memory_space<vmem_shared>> -> memref<10240x64xf32, #tpu.memory_space<vmem_shared>>
      tpu.enqueue_indirect_dma source(%arg11 : memref<125x64xf32, #tpu.memory_space<vmem>>) target(%dma_start3A_140 : memref<10240x64xf32, #tpu.memory_space<vmem_shared>>) offsets(%dma_start3A_137 : memref<125xi32, #tpu.memory_space<vmem>>) semaphore(%arg19 : memref<!tpu.dma_semaphore, #tpu.memory_space<semaphore_mem>>) {add = true}
      %mul3A_141 = arith.constant 4 : i32
      %mul3A_142 = arith.muli %scan3A_49, %mul3A_141 : i32
      %add3A_143 = arith.constant 3 : i32
      %add3A_144 = arith.addi %mul3A_142, %add3A_143 : i32
      %ge3A_145 = arith.constant 1 : i32
      %ge3A_146 = arith.cmpi sge, %add3A_144, %ge3A_145 : i32
      %convert_element_type3A_147 = arith.extui %ge3A_146 : i1 to i32
      %cond3A_148 = arith.constant 0 : i32
      %cond3A_149 = arith.cmpi ne, %convert_element_type3A_147, %cond3A_148 : i32
      scf.if %cond3A_149 {
        %sub3A = arith.constant 1 : i32
        %sub3A_173 = arith.subi %add3A_144, %sub3A : i32
        %dma_wait3A_174 = arith.constant 0 : i32
        %dma_wait3A_175 = tpu.memref_slice %arg8[%sub3A_173, %dma_wait3A_174] : memref<160x125xi32, #tpu.memory_space<vmem>> -> memref<1x125xi32, #tpu.memory_space<vmem>>
        %dma_wait3A_176 = tpu.memref_squeeze %dma_wait3A_175 : memref<1x125xi32, #tpu.memory_space<vmem>> -> memref<125xi32, #tpu.memory_space<vmem>>
        %dma_wait3A_177 = arith.constant 0 : i32
        %dma_wait3A_178 = arith.constant 0 : i32
        %dma_wait3A_179 = tpu.memref_slice %arg21[%dma_wait3A_177, %dma_wait3A_178] : memref<10240x64xf32, #tpu.memory_space<vmem_shared>> -> memref<10240x64xf32, #tpu.memory_space<vmem_shared>>
        tpu.wait_indirect_dma semaphore(%arg19 : memref<!tpu.dma_semaphore, #tpu.memory_space<semaphore_mem>>) src(%arg11 : memref<125x64xf32, #tpu.memory_space<vmem>>) dst(%dma_wait3A_179 : memref<10240x64xf32, #tpu.memory_space<vmem_shared>>)
      } else {
      }
      %add3A_150 = arith.constant 3 : i32
      %add3A_151 = arith.addi %add3A_144, %add3A_150 : i32
      %lt3A_152 = arith.constant 160 : i32
      %lt3A_153 = arith.cmpi slt, %add3A_151, %lt3A_152 : i32
      %convert_element_type3A_154 = arith.extui %lt3A_153 : i1 to i32
      %cond3A_155 = arith.constant 0 : i32
      %cond3A_156 = arith.cmpi ne, %convert_element_type3A_154, %cond3A_155 : i32
      scf.if %cond3A_156 {
        %add3A_173 = arith.constant 3 : i32
        %add3A_174 = arith.addi %add3A_144, %add3A_173 : i32
        %dma_start3A_175 = arith.constant 0 : i32
        %dma_start3A_176 = tpu.memref_slice %arg7[%add3A_174, %dma_start3A_175] : memref<160x125xi32, #tpu.memory_space<vmem>> -> memref<1x125xi32, #tpu.memory_space<vmem>>
        %dma_start3A_177 = tpu.memref_squeeze %dma_start3A_176 : memref<1x125xi32, #tpu.memory_space<vmem>> -> memref<125xi32, #tpu.memory_space<vmem>>
        %dma_start3A_178 = arith.constant 0 : i32
        %dma_start3A_179 = arith.constant 0 : i32
        %dma_start3A_180 = tpu.memref_slice %arg2[%arg0, %dma_start3A_178, %dma_start3A_179] : memref<2x10000x64xf32, #tpu.memory_space<hbm>> -> memref<1x10000x64xf32, #tpu.memory_space<hbm>>
        %dma_start3A_181 = tpu.memref_squeeze %dma_start3A_180 : memref<1x10000x64xf32, #tpu.memory_space<hbm>> -> memref<10000x64xf32, #tpu.memory_space<hbm>>
        %dma_start3A_182 = arith.constant 0 : i32
        %dma_start3A_183 = arith.constant 0 : i32
        %dma_start3A_184 = tpu.memref_slice %dma_start3A_181[%dma_start3A_182, %dma_start3A_183] : memref<10000x64xf32, #tpu.memory_space<hbm>> -> memref<10000x64xf32, #tpu.memory_space<hbm>>
        tpu.enqueue_indirect_dma source(%dma_start3A_184 : memref<10000x64xf32, #tpu.memory_space<hbm>>) target(%arg11 : memref<125x64xf32, #tpu.memory_space<vmem>>) offsets(%dma_start3A_177 : memref<125xi32, #tpu.memory_space<vmem>>) semaphore(%arg15 : memref<!tpu.dma_semaphore, #tpu.memory_space<semaphore_mem>>)
      } else {
      }
      %dma_wait3A_157 = arith.constant 0 : i32
      %dma_wait3A_158 = tpu.memref_slice %arg7[%add3A_144, %dma_wait3A_157] : memref<160x125xi32, #tpu.memory_space<vmem>> -> memref<1x125xi32, #tpu.memory_space<vmem>>
      %dma_wait3A_159 = tpu.memref_squeeze %dma_wait3A_158 : memref<1x125xi32, #tpu.memory_space<vmem>> -> memref<125xi32, #tpu.memory_space<vmem>>
      %dma_wait3A_160 = arith.constant 0 : i32
      %dma_wait3A_161 = arith.constant 0 : i32
      %dma_wait3A_162 = tpu.memref_slice %arg2[%arg0, %dma_wait3A_160, %dma_wait3A_161] : memref<2x10000x64xf32, #tpu.memory_space<hbm>> -> memref<1x10000x64xf32, #tpu.memory_space<hbm>>
      %dma_wait3A_163 = tpu.memref_squeeze %dma_wait3A_162 : memref<1x10000x64xf32, #tpu.memory_space<hbm>> -> memref<10000x64xf32, #tpu.memory_space<hbm>>
      %dma_wait3A_164 = arith.constant 0 : i32
      %dma_wait3A_165 = arith.constant 0 : i32
      %dma_wait3A_166 = tpu.memref_slice %dma_wait3A_163[%dma_wait3A_164, %dma_wait3A_165] : memref<10000x64xf32, #tpu.memory_space<hbm>> -> memref<10000x64xf32, #tpu.memory_space<hbm>>
      tpu.wait_indirect_dma semaphore(%arg16 : memref<!tpu.dma_semaphore, #tpu.memory_space<semaphore_mem>>) src(%dma_wait3A_166 : memref<10000x64xf32, #tpu.memory_space<hbm>>) dst(%arg12 : memref<125x64xf32, #tpu.memory_space<vmem>>)
      %dma_start3A_167 = arith.constant 0 : i32
      %dma_start3A_168 = tpu.memref_slice %arg8[%add3A_144, %dma_start3A_167] : memref<160x125xi32, #tpu.memory_space<vmem>> -> memref<1x125xi32, #tpu.memory_space<vmem>>
      %dma_start3A_169 = tpu.memref_squeeze %dma_start3A_168 : memref<1x125xi32, #tpu.memory_space<vmem>> -> memref<125xi32, #tpu.memory_space<vmem>>
      %dma_start3A_170 = arith.constant 0 : i32
      %dma_start3A_171 = arith.constant 0 : i32
      %dma_start3A_172 = tpu.memref_slice %arg21[%dma_start3A_170, %dma_start3A_171] : memref<10240x64xf32, #tpu.memory_space<vmem_shared>> -> memref<10240x64xf32, #tpu.memory_space<vmem_shared>>
      tpu.enqueue_indirect_dma source(%arg12 : memref<125x64xf32, #tpu.memory_space<vmem>>) target(%dma_start3A_172 : memref<10240x64xf32, #tpu.memory_space<vmem_shared>>) offsets(%dma_start3A_169 : memref<125xi32, #tpu.memory_space<vmem>>) semaphore(%arg20 : memref<!tpu.dma_semaphore, #tpu.memory_space<semaphore_mem>>) {add = true}
    }
    %scan3A_37 = arith.constant 40 : i32
    %dma_wait3A = arith.constant 159 : i32
    %dma_wait3A_38 = arith.constant 0 : i32
    %dma_wait3A_39 = tpu.memref_slice %arg8[%dma_wait3A, %dma_wait3A_38] : memref<160x125xi32, #tpu.memory_space<vmem>> -> memref<1x125xi32, #tpu.memory_space<vmem>>
    %dma_wait3A_40 = tpu.memref_squeeze %dma_wait3A_39 : memref<1x125xi32, #tpu.memory_space<vmem>> -> memref<125xi32, #tpu.memory_space<vmem>>
    %dma_wait3A_41 = arith.constant 0 : i32
    %dma_wait3A_42 = arith.constant 0 : i32
    %dma_wait3A_43 = tpu.memref_slice %arg21[%dma_wait3A_41, %dma_wait3A_42] : memref<10240x64xf32, #tpu.memory_space<vmem_shared>> -> memref<10240x64xf32, #tpu.memory_space<vmem_shared>>
    tpu.wait_indirect_dma semaphore(%arg20 : memref<!tpu.dma_semaphore, #tpu.memory_space<semaphore_mem>>) src(%arg12 : memref<125x64xf32, #tpu.memory_space<vmem>>) dst(%dma_wait3A_43 : memref<10240x64xf32, #tpu.memory_space<vmem_shared>>)
    %barrier3A_44 = arith.constant 0 : index
    tpu.barrier barrier_id(%barrier3A_44)
    %mul3A_45 = arith.constant 640 : i32
    %mul3A_46 = arith.muli %arg1, %mul3A_45 : i32
    %mul3A_47 = arith.constant 640 : i32
    %mul3A_48 = arith.muli %arg1, %mul3A_47 : i32
    "tpu.region"() ({
      %run_scoped3A = tpu.sem_alloc : memref<!tpu.dma_semaphore, #tpu.memory_space<semaphore_mem>>
      %dma_start3A_49 = arith.constant 0 : i32
      %dma_start3A_50 = tpu.memref_slice %arg6[%arg0, %mul3A_48, %dma_start3A_49] : memref<2x10240x64xf32, #tpu.memory_space<hbm>> -> memref<1x640x64xf32, #tpu.memory_space<hbm>>
      %dma_start3A_51 = tpu.memref_squeeze %dma_start3A_50 : memref<1x640x64xf32, #tpu.memory_space<hbm>> -> memref<640x64xf32, #tpu.memory_space<hbm>>
      %dma_start3A_52 = arith.constant 0 : i32
      %dma_start3A_53 = tpu.memref_slice %arg21[%mul3A_46, %dma_start3A_52] : memref<10240x64xf32, #tpu.memory_space<vmem_shared>> -> memref<640x64xf32, #tpu.memory_space<vmem_shared>>
      tpu.enqueue_dma source(%dma_start3A_53 : memref<640x64xf32, #tpu.memory_space<vmem_shared>>) target(%dma_start3A_51 : memref<640x64xf32, #tpu.memory_space<hbm>>) target_semaphore(%run_scoped3A : memref<!tpu.dma_semaphore, #tpu.memory_space<semaphore_mem>>)
      %dma_wait3A_54 = arith.constant 0 : i32
      %dma_wait3A_55 = tpu.memref_slice %arg6[%arg0, %mul3A_48, %dma_wait3A_54] : memref<2x10240x64xf32, #tpu.memory_space<hbm>> -> memref<1x640x64xf32, #tpu.memory_space<hbm>>
      %dma_wait3A_56 = tpu.memref_squeeze %dma_wait3A_55 : memref<1x640x64xf32, #tpu.memory_space<hbm>> -> memref<640x64xf32, #tpu.memory_space<hbm>>
      %dma_wait3A_57 = arith.constant 0 : i32
      %dma_wait3A_58 = tpu.memref_slice %arg21[%mul3A_46, %dma_wait3A_57] : memref<10240x64xf32, #tpu.memory_space<vmem_shared>> -> memref<640x64xf32, #tpu.memory_space<vmem_shared>>
      tpu.wait_dma2 semaphore(%run_scoped3A : memref<!tpu.dma_semaphore, #tpu.memory_space<semaphore_mem>>) src(%dma_wait3A_58 : memref<640x64xf32, #tpu.memory_space<vmem_shared>>) dst(%dma_wait3A_56 : memref<640x64xf32, #tpu.memory_space<hbm>>)
      tpu.yield
    }) : () -> ()
    return
  }
}

#map = affine_map<(d0, d1) -> (0, 0, 0)>
#map1 = affine_map<(d0, d1) -> (0, 0)>
module attributes {stable_mosaic.version = 14 : i64} {
  func.func @_sc_agg_body(%arg0: i32, %arg1: i32, %arg2: memref<2x10000x64xf32, #tpu.memory_space<hbm>>, %arg3: memref<16x160x125xi32, #tpu.memory_space<hbm>>, %arg4: memref<16x160x125xi32, #tpu.memory_space<hbm>>, %arg5: memref<640x64xf32, #tpu.memory_space<hbm>>, %arg6: memref<2x10240x64xf32, #tpu.memory_space<hbm>>, %arg7: memref<160x125xi32, #tpu.memory_space<vmem>>, %arg8: memref<160x125xi32, #tpu.memory_space<vmem>>, %arg9: memref<125x64xf32, #tpu.memory_space<vmem>>, %arg10: memref<125x64xf32, #tpu.memory_space<vmem>>, %arg11: memref<125x64xf32, #tpu.memory_space<vmem>>, %arg12: memref<125x64xf32, #tpu.memory_space<vmem>>, %arg13: memref<!tpu.dma_semaphore, #tpu.memory_space<semaphore_mem>>, %arg14: memref<!tpu.dma_semaphore, #tpu.memory_space<semaphore_mem>>, %arg15: memref<!tpu.dma_semaphore, #tpu.memory_space<semaphore_mem>>, %arg16: memref<!tpu.dma_semaphore, #tpu.memory_space<semaphore_mem>>, %arg17: memref<!tpu.dma_semaphore, #tpu.memory_space<semaphore_mem>>, %arg18: memref<!tpu.dma_semaphore, #tpu.memory_space<semaphore_mem>>, %arg19: memref<!tpu.dma_semaphore, #tpu.memory_space<semaphore_mem>>, %arg20: memref<!tpu.dma_semaphore, #tpu.memory_space<semaphore_mem>>, %arg21: memref<10240x64xf32, #tpu.memory_space<vmem_shared>>) attributes {dimension_semantics = [#tpu.dimension_semantics<core_parallel>, #tpu.dimension_semantics<subcore_parallel>], iteration_bounds = array<i64: 2, 16>, scalar_prefetch = 0 : i64, scratch_operands = 15 : i64, tpu.core_type = #tpu.core_type<sc_vector_subcore>, window_params = [{transform_indices = #map}, {transform_indices = #map}, {transform_indices = #map}, {transform_indices = #map1}, {transform_indices = #map}]} {
    %mul3A = arith.constant 640 : i32
    %mul3A_0 = arith.muli %arg1, %mul3A : i32
    "tpu.region"() ({
      %run_scoped3A = tpu.sem_alloc : memref<!tpu.dma_semaphore, #tpu.memory_space<semaphore_mem>>
      %dma_start3A_49 = arith.constant 0 : i32
      %dma_start3A_50 = tpu.memref_slice %arg21[%mul3A_0, %dma_start3A_49] : memref<10240x64xf32, #tpu.memory_space<vmem_shared>> -> memref<640x64xf32, #tpu.memory_space<vmem_shared>>
      tpu.enqueue_dma source(%arg5 : memref<640x64xf32, #tpu.memory_space<hbm>>) target(%dma_start3A_50 : memref<640x64xf32, #tpu.memory_space<vmem_shared>>) target_semaphore(%run_scoped3A : memref<!tpu.dma_semaphore, #tpu.memory_space<semaphore_mem>>)
      %dma_wait3A_51 = arith.constant 0 : i32
      %dma_wait3A_52 = tpu.memref_slice %arg21[%mul3A_0, %dma_wait3A_51] : memref<10240x64xf32, #tpu.memory_space<vmem_shared>> -> memref<640x64xf32, #tpu.memory_space<vmem_shared>>
      tpu.wait_dma2 semaphore(%run_scoped3A : memref<!tpu.dma_semaphore, #tpu.memory_space<semaphore_mem>>) src(%arg5 : memref<640x64xf32, #tpu.memory_space<hbm>>) dst(%dma_wait3A_52 : memref<640x64xf32, #tpu.memory_space<vmem_shared>>)
      tpu.yield
    }) : () -> ()
    "tpu.region"() ({
      %run_scoped3A = tpu.sem_alloc : memref<!tpu.dma_semaphore, #tpu.memory_space<semaphore_mem>>
      %dma_start3A_49 = arith.constant 0 : i32
      %dma_start3A_50 = arith.constant 0 : i32
      %dma_start3A_51 = tpu.memref_slice %arg3[%arg1, %dma_start3A_49, %dma_start3A_50] : memref<16x160x125xi32, #tpu.memory_space<hbm>> -> memref<1x160x125xi32, #tpu.memory_space<hbm>>
      %dma_start3A_52 = tpu.memref_squeeze %dma_start3A_51 : memref<1x160x125xi32, #tpu.memory_space<hbm>> -> memref<160x125xi32, #tpu.memory_space<hbm>>
      %dma_start3A_53 = arith.constant 0 : i32
      %dma_start3A_54 = arith.constant 0 : i32
      %dma_start3A_55 = tpu.memref_slice %arg3[%arg1, %dma_start3A_53, %dma_start3A_54] : memref<16x160x125xi32, #tpu.memory_space<hbm>> -> memref<1x160x125xi32, #tpu.memory_space<hbm>>
      %dma_start3A_56 = tpu.memref_squeeze %dma_start3A_55 : memref<1x160x125xi32, #tpu.memory_space<hbm>> -> memref<160x125xi32, #tpu.memory_space<hbm>>
      tpu.enqueue_dma source(%dma_start3A_56 : memref<160x125xi32, #tpu.memory_space<hbm>>) target(%arg7 : memref<160x125xi32, #tpu.memory_space<vmem>>) target_semaphore(%run_scoped3A : memref<!tpu.dma_semaphore, #tpu.memory_space<semaphore_mem>>)
      %dma_wait3A_57 = arith.constant 0 : i32
      %dma_wait3A_58 = arith.constant 0 : i32
      %dma_wait3A_59 = tpu.memref_slice %arg3[%arg1, %dma_wait3A_57, %dma_wait3A_58] : memref<16x160x125xi32, #tpu.memory_space<hbm>> -> memref<1x160x125xi32, #tpu.memory_space<hbm>>
      %dma_wait3A_60 = tpu.memref_squeeze %dma_wait3A_59 : memref<1x160x125xi32, #tpu.memory_space<hbm>> -> memref<160x125xi32, #tpu.memory_space<hbm>>
      %dma_wait3A_61 = arith.constant 0 : i32
      %dma_wait3A_62 = arith.constant 0 : i32
      %dma_wait3A_63 = tpu.memref_slice %arg3[%arg1, %dma_wait3A_61, %dma_wait3A_62] : memref<16x160x125xi32, #tpu.memory_space<hbm>> -> memref<1x160x125xi32, #tpu.memory_space<hbm>>
      %dma_wait3A_64 = tpu.memref_squeeze %dma_wait3A_63 : memref<1x160x125xi32, #tpu.memory_space<hbm>> -> memref<160x125xi32, #tpu.memory_space<hbm>>
      tpu.wait_dma2 semaphore(%run_scoped3A : memref<!tpu.dma_semaphore, #tpu.memory_space<semaphore_mem>>) src(%dma_wait3A_64 : memref<160x125xi32, #tpu.memory_space<hbm>>) dst(%arg7 : memref<160x125xi32, #tpu.memory_space<vmem>>)
      tpu.yield
    }) : () -> ()
    "tpu.region"() ({
      %run_scoped3A = tpu.sem_alloc : memref<!tpu.dma_semaphore, #tpu.memory_space<semaphore_mem>>
      %dma_start3A_49 = arith.constant 0 : i32
      %dma_start3A_50 = arith.constant 0 : i32
      %dma_start3A_51 = tpu.memref_slice %arg4[%arg1, %dma_start3A_49, %dma_start3A_50] : memref<16x160x125xi32, #tpu.memory_space<hbm>> -> memref<1x160x125xi32, #tpu.memory_space<hbm>>
      %dma_start3A_52 = tpu.memref_squeeze %dma_start3A_51 : memref<1x160x125xi32, #tpu.memory_space<hbm>> -> memref<160x125xi32, #tpu.memory_space<hbm>>
      %dma_start3A_53 = arith.constant 0 : i32
      %dma_start3A_54 = arith.constant 0 : i32
      %dma_start3A_55 = tpu.memref_slice %arg4[%arg1, %dma_start3A_53, %dma_start3A_54] : memref<16x160x125xi32, #tpu.memory_space<hbm>> -> memref<1x160x125xi32, #tpu.memory_space<hbm>>
      %dma_start3A_56 = tpu.memref_squeeze %dma_start3A_55 : memref<1x160x125xi32, #tpu.memory_space<hbm>> -> memref<160x125xi32, #tpu.memory_space<hbm>>
      tpu.enqueue_dma source(%dma_start3A_56 : memref<160x125xi32, #tpu.memory_space<hbm>>) target(%arg8 : memref<160x125xi32, #tpu.memory_space<vmem>>) target_semaphore(%run_scoped3A : memref<!tpu.dma_semaphore, #tpu.memory_space<semaphore_mem>>)
      %dma_wait3A_57 = arith.constant 0 : i32
      %dma_wait3A_58 = arith.constant 0 : i32
      %dma_wait3A_59 = tpu.memref_slice %arg4[%arg1, %dma_wait3A_57, %dma_wait3A_58] : memref<16x160x125xi32, #tpu.memory_space<hbm>> -> memref<1x160x125xi32, #tpu.memory_space<hbm>>
      %dma_wait3A_60 = tpu.memref_squeeze %dma_wait3A_59 : memref<1x160x125xi32, #tpu.memory_space<hbm>> -> memref<160x125xi32, #tpu.memory_space<hbm>>
      %dma_wait3A_61 = arith.constant 0 : i32
      %dma_wait3A_62 = arith.constant 0 : i32
      %dma_wait3A_63 = tpu.memref_slice %arg4[%arg1, %dma_wait3A_61, %dma_wait3A_62] : memref<16x160x125xi32, #tpu.memory_space<hbm>> -> memref<1x160x125xi32, #tpu.memory_space<hbm>>
      %dma_wait3A_64 = tpu.memref_squeeze %dma_wait3A_63 : memref<1x160x125xi32, #tpu.memory_space<hbm>> -> memref<160x125xi32, #tpu.memory_space<hbm>>
      tpu.wait_dma2 semaphore(%run_scoped3A : memref<!tpu.dma_semaphore, #tpu.memory_space<semaphore_mem>>) src(%dma_wait3A_64 : memref<160x125xi32, #tpu.memory_space<hbm>>) dst(%arg8 : memref<160x125xi32, #tpu.memory_space<vmem>>)
      tpu.yield
    }) : () -> ()
    %barrier3A = arith.constant 0 : index
    tpu.barrier barrier_id(%barrier3A)
    %dma_start3A = arith.constant 0 : i32
    %dma_start3A_1 = arith.constant 0 : i32
    %dma_start3A_2 = tpu.memref_slice %arg7[%dma_start3A, %dma_start3A_1] : memref<160x125xi32, #tpu.memory_space<vmem>> -> memref<1x125xi32, #tpu.memory_space<vmem>>
    %dma_start3A_3 = tpu.memref_squeeze %dma_start3A_2 : memref<1x125xi32, #tpu.memory_space<vmem>> -> memref<125xi32, #tpu.memory_space<vmem>>
    %dma_start3A_4 = arith.constant 0 : i32
    %dma_start3A_5 = arith.constant 0 : i32
    %dma_start3A_6 = tpu.memref_slice %arg2[%arg0, %dma_start3A_4, %dma_start3A_5] : memref<2x10000x64xf32, #tpu.memory_space<hbm>> -> memref<1x10000x64xf32, #tpu.memory_space<hbm>>
    %dma_start3A_7 = tpu.memref_squeeze %dma_start3A_6 : memref<1x10000x64xf32, #tpu.memory_space<hbm>> -> memref<10000x64xf32, #tpu.memory_space<hbm>>
    %dma_start3A_8 = arith.constant 0 : i32
    %dma_start3A_9 = arith.constant 0 : i32
    %dma_start3A_10 = tpu.memref_slice %dma_start3A_7[%dma_start3A_8, %dma_start3A_9] : memref<10000x64xf32, #tpu.memory_space<hbm>> -> memref<10000x64xf32, #tpu.memory_space<hbm>>
    tpu.enqueue_indirect_dma source(%dma_start3A_10 : memref<10000x64xf32, #tpu.memory_space<hbm>>) target(%arg9 : memref<125x64xf32, #tpu.memory_space<vmem>>) offsets(%dma_start3A_3 : memref<125xi32, #tpu.memory_space<vmem>>) semaphore(%arg13 : memref<!tpu.dma_semaphore, #tpu.memory_space<semaphore_mem>>)
    %dma_start3A_11 = arith.constant 1 : i32
    %dma_start3A_12 = arith.constant 0 : i32
    %dma_start3A_13 = tpu.memref_slice %arg7[%dma_start3A_11, %dma_start3A_12] : memref<160x125xi32, #tpu.memory_space<vmem>> -> memref<1x125xi32, #tpu.memory_space<vmem>>
    %dma_start3A_14 = tpu.memref_squeeze %dma_start3A_13 : memref<1x125xi32, #tpu.memory_space<vmem>> -> memref<125xi32, #tpu.memory_space<vmem>>
    %dma_start3A_15 = arith.constant 0 : i32
    %dma_start3A_16 = arith.constant 0 : i32
    %dma_start3A_17 = tpu.memref_slice %arg2[%arg0, %dma_start3A_15, %dma_start3A_16] : memref<2x10000x64xf32, #tpu.memory_space<hbm>> -> memref<1x10000x64xf32, #tpu.memory_space<hbm>>
    %dma_start3A_18 = tpu.memref_squeeze %dma_start3A_17 : memref<1x10000x64xf32, #tpu.memory_space<hbm>> -> memref<10000x64xf32, #tpu.memory_space<hbm>>
    %dma_start3A_19 = arith.constant 0 : i32
    %dma_start3A_20 = arith.constant 0 : i32
    %dma_start3A_21 = tpu.memref_slice %dma_start3A_18[%dma_start3A_19, %dma_start3A_20] : memref<10000x64xf32, #tpu.memory_space<hbm>> -> memref<10000x64xf32, #tpu.memory_space<hbm>>
    tpu.enqueue_indirect_dma source(%dma_start3A_21 : memref<10000x64xf32, #tpu.memory_space<hbm>>) target(%arg10 : memref<125x64xf32, #tpu.memory_space<vmem>>) offsets(%dma_start3A_14 : memref<125xi32, #tpu.memory_space<vmem>>) semaphore(%arg14 : memref<!tpu.dma_semaphore, #tpu.memory_space<semaphore_mem>>)
    %dma_start3A_22 = arith.constant 2 : i32
    %dma_start3A_23 = arith.constant 0 : i32
    %dma_start3A_24 = tpu.memref_slice %arg7[%dma_start3A_22, %dma_start3A_23] : memref<160x125xi32, #tpu.memory_space<vmem>> -> memref<1x125xi32, #tpu.memory_space<vmem>>
    %dma_start3A_25 = tpu.memref_squeeze %dma_start3A_24 : memref<1x125xi32, #tpu.memory_space<vmem>> -> memref<125xi32, #tpu.memory_space<vmem>>
    %dma_start3A_26 = arith.constant 0 : i32
    %dma_start3A_27 = arith.constant 0 : i32
    %dma_start3A_28 = tpu.memref_slice %arg2[%arg0, %dma_start3A_26, %dma_start3A_27] : memref<2x10000x64xf32, #tpu.memory_space<hbm>> -> memref<1x10000x64xf32, #tpu.memory_space<hbm>>
    %dma_start3A_29 = tpu.memref_squeeze %dma_start3A_28 : memref<1x10000x64xf32, #tpu.memory_space<hbm>> -> memref<10000x64xf32, #tpu.memory_space<hbm>>
    %dma_start3A_30 = arith.constant 0 : i32
    %dma_start3A_31 = arith.constant 0 : i32
    %dma_start3A_32 = tpu.memref_slice %dma_start3A_29[%dma_start3A_30, %dma_start3A_31] : memref<10000x64xf32, #tpu.memory_space<hbm>> -> memref<10000x64xf32, #tpu.memory_space<hbm>>
    tpu.enqueue_indirect_dma source(%dma_start3A_32 : memref<10000x64xf32, #tpu.memory_space<hbm>>) target(%arg11 : memref<125x64xf32, #tpu.memory_space<vmem>>) offsets(%dma_start3A_25 : memref<125xi32, #tpu.memory_space<vmem>>) semaphore(%arg15 : memref<!tpu.dma_semaphore, #tpu.memory_space<semaphore_mem>>)
    %scan3A = arith.constant 0 : i32
    %scan3A_33 = arith.constant 0 : i32
    %scan3A_34 = arith.constant 40 : i32
    %scan3A_35 = arith.addi %scan3A_33, %scan3A_34 : i32
    %scan3A_36 = arith.constant 1 : i32
    scf.for %scan3A_49 = %scan3A_33 to %scan3A_35 step %scan3A_36  : i32 {
      %mul3A_50 = arith.constant 4 : i32
      %mul3A_51 = arith.muli %scan3A_49, %mul3A_50 : i32
      %add3A = arith.constant 0 : i32
      %add3A_52 = arith.addi %mul3A_51, %add3A : i32
      %ge3A = arith.constant 1 : i32
      %ge3A_53 = arith.cmpi sge, %add3A_52, %ge3A : i32
      %convert_element_type3A = arith.extui %ge3A_53 : i1 to i32
      %cond3A = arith.constant 0 : i32
      %cond3A_54 = arith.cmpi ne, %convert_element_type3A, %cond3A : i32
      scf.if %cond3A_54 {
        %sub3A = arith.constant 1 : i32
        %sub3A_173 = arith.subi %add3A_52, %sub3A : i32
        %dma_wait3A_174 = arith.constant 0 : i32
        %dma_wait3A_175 = tpu.memref_slice %arg8[%sub3A_173, %dma_wait3A_174] : memref<160x125xi32, #tpu.memory_space<vmem>> -> memref<1x125xi32, #tpu.memory_space<vmem>>
        %dma_wait3A_176 = tpu.memref_squeeze %dma_wait3A_175 : memref<1x125xi32, #tpu.memory_space<vmem>> -> memref<125xi32, #tpu.memory_space<vmem>>
        %dma_wait3A_177 = arith.constant 0 : i32
        %dma_wait3A_178 = arith.constant 0 : i32
        %dma_wait3A_179 = tpu.memref_slice %arg21[%dma_wait3A_177, %dma_wait3A_178] : memref<10240x64xf32, #tpu.memory_space<vmem_shared>> -> memref<10240x64xf32, #tpu.memory_space<vmem_shared>>
        tpu.wait_indirect_dma semaphore(%arg20 : memref<!tpu.dma_semaphore, #tpu.memory_space<semaphore_mem>>) src(%arg12 : memref<125x64xf32, #tpu.memory_space<vmem>>) dst(%dma_wait3A_179 : memref<10240x64xf32, #tpu.memory_space<vmem_shared>>)
      } else {
      }
      %add3A_55 = arith.constant 3 : i32
      %add3A_56 = arith.addi %add3A_52, %add3A_55 : i32
      %lt3A = arith.constant 160 : i32
      %lt3A_57 = arith.cmpi slt, %add3A_56, %lt3A : i32
      %convert_element_type3A_58 = arith.extui %lt3A_57 : i1 to i32
      %cond3A_59 = arith.constant 0 : i32
      %cond3A_60 = arith.cmpi ne, %convert_element_type3A_58, %cond3A_59 : i32
      scf.if %cond3A_60 {
        %add3A_173 = arith.constant 3 : i32
        %add3A_174 = arith.addi %add3A_52, %add3A_173 : i32
        %dma_start3A_175 = arith.constant 0 : i32
        %dma_start3A_176 = tpu.memref_slice %arg7[%add3A_174, %dma_start3A_175] : memref<160x125xi32, #tpu.memory_space<vmem>> -> memref<1x125xi32, #tpu.memory_space<vmem>>
        %dma_start3A_177 = tpu.memref_squeeze %dma_start3A_176 : memref<1x125xi32, #tpu.memory_space<vmem>> -> memref<125xi32, #tpu.memory_space<vmem>>
        %dma_start3A_178 = arith.constant 0 : i32
        %dma_start3A_179 = arith.constant 0 : i32
        %dma_start3A_180 = tpu.memref_slice %arg2[%arg0, %dma_start3A_178, %dma_start3A_179] : memref<2x10000x64xf32, #tpu.memory_space<hbm>> -> memref<1x10000x64xf32, #tpu.memory_space<hbm>>
        %dma_start3A_181 = tpu.memref_squeeze %dma_start3A_180 : memref<1x10000x64xf32, #tpu.memory_space<hbm>> -> memref<10000x64xf32, #tpu.memory_space<hbm>>
        %dma_start3A_182 = arith.constant 0 : i32
        %dma_start3A_183 = arith.constant 0 : i32
        %dma_start3A_184 = tpu.memref_slice %dma_start3A_181[%dma_start3A_182, %dma_start3A_183] : memref<10000x64xf32, #tpu.memory_space<hbm>> -> memref<10000x64xf32, #tpu.memory_space<hbm>>
        tpu.enqueue_indirect_dma source(%dma_start3A_184 : memref<10000x64xf32, #tpu.memory_space<hbm>>) target(%arg12 : memref<125x64xf32, #tpu.memory_space<vmem>>) offsets(%dma_start3A_177 : memref<125xi32, #tpu.memory_space<vmem>>) semaphore(%arg16 : memref<!tpu.dma_semaphore, #tpu.memory_space<semaphore_mem>>)
      } else {
      }
      %dma_wait3A_61 = arith.constant 0 : i32
      %dma_wait3A_62 = tpu.memref_slice %arg7[%add3A_52, %dma_wait3A_61] : memref<160x125xi32, #tpu.memory_space<vmem>> -> memref<1x125xi32, #tpu.memory_space<vmem>>
      %dma_wait3A_63 = tpu.memref_squeeze %dma_wait3A_62 : memref<1x125xi32, #tpu.memory_space<vmem>> -> memref<125xi32, #tpu.memory_space<vmem>>
      %dma_wait3A_64 = arith.constant 0 : i32
      %dma_wait3A_65 = arith.constant 0 : i32
      %dma_wait3A_66 = tpu.memref_slice %arg2[%arg0, %dma_wait3A_64, %dma_wait3A_65] : memref<2x10000x64xf32, #tpu.memory_space<hbm>> -> memref<1x10000x64xf32, #tpu.memory_space<hbm>>
      %dma_wait3A_67 = tpu.memref_squeeze %dma_wait3A_66 : memref<1x10000x64xf32, #tpu.memory_space<hbm>> -> memref<10000x64xf32, #tpu.memory_space<hbm>>
      %dma_wait3A_68 = arith.constant 0 : i32
      %dma_wait3A_69 = arith.constant 0 : i32
      %dma_wait3A_70 = tpu.memref_slice %dma_wait3A_67[%dma_wait3A_68, %dma_wait3A_69] : memref<10000x64xf32, #tpu.memory_space<hbm>> -> memref<10000x64xf32, #tpu.memory_space<hbm>>
      tpu.wait_indirect_dma semaphore(%arg13 : memref<!tpu.dma_semaphore, #tpu.memory_space<semaphore_mem>>) src(%dma_wait3A_70 : memref<10000x64xf32, #tpu.memory_space<hbm>>) dst(%arg9 : memref<125x64xf32, #tpu.memory_space<vmem>>)
      %dma_start3A_71 = arith.constant 0 : i32
      %dma_start3A_72 = tpu.memref_slice %arg8[%add3A_52, %dma_start3A_71] : memref<160x125xi32, #tpu.memory_space<vmem>> -> memref<1x125xi32, #tpu.memory_space<vmem>>
      %dma_start3A_73 = tpu.memref_squeeze %dma_start3A_72 : memref<1x125xi32, #tpu.memory_space<vmem>> -> memref<125xi32, #tpu.memory_space<vmem>>
      %dma_start3A_74 = arith.constant 0 : i32
      %dma_start3A_75 = arith.constant 0 : i32
      %dma_start3A_76 = tpu.memref_slice %arg21[%dma_start3A_74, %dma_start3A_75] : memref<10240x64xf32, #tpu.memory_space<vmem_shared>> -> memref<10240x64xf32, #tpu.memory_space<vmem_shared>>
      tpu.enqueue_indirect_dma source(%arg9 : memref<125x64xf32, #tpu.memory_space<vmem>>) target(%dma_start3A_76 : memref<10240x64xf32, #tpu.memory_space<vmem_shared>>) offsets(%dma_start3A_73 : memref<125xi32, #tpu.memory_space<vmem>>) semaphore(%arg17 : memref<!tpu.dma_semaphore, #tpu.memory_space<semaphore_mem>>) {add = true}
      %mul3A_77 = arith.constant 4 : i32
      %mul3A_78 = arith.muli %scan3A_49, %mul3A_77 : i32
      %add3A_79 = arith.constant 1 : i32
      %add3A_80 = arith.addi %mul3A_78, %add3A_79 : i32
      %ge3A_81 = arith.constant 1 : i32
      %ge3A_82 = arith.cmpi sge, %add3A_80, %ge3A_81 : i32
      %convert_element_type3A_83 = arith.extui %ge3A_82 : i1 to i32
      %cond3A_84 = arith.constant 0 : i32
      %cond3A_85 = arith.cmpi ne, %convert_element_type3A_83, %cond3A_84 : i32
      scf.if %cond3A_85 {
        %sub3A = arith.constant 1 : i32
        %sub3A_173 = arith.subi %add3A_80, %sub3A : i32
        %dma_wait3A_174 = arith.constant 0 : i32
        %dma_wait3A_175 = tpu.memref_slice %arg8[%sub3A_173, %dma_wait3A_174] : memref<160x125xi32, #tpu.memory_space<vmem>> -> memref<1x125xi32, #tpu.memory_space<vmem>>
        %dma_wait3A_176 = tpu.memref_squeeze %dma_wait3A_175 : memref<1x125xi32, #tpu.memory_space<vmem>> -> memref<125xi32, #tpu.memory_space<vmem>>
        %dma_wait3A_177 = arith.constant 0 : i32
        %dma_wait3A_178 = arith.constant 0 : i32
        %dma_wait3A_179 = tpu.memref_slice %arg21[%dma_wait3A_177, %dma_wait3A_178] : memref<10240x64xf32, #tpu.memory_space<vmem_shared>> -> memref<10240x64xf32, #tpu.memory_space<vmem_shared>>
        tpu.wait_indirect_dma semaphore(%arg17 : memref<!tpu.dma_semaphore, #tpu.memory_space<semaphore_mem>>) src(%arg9 : memref<125x64xf32, #tpu.memory_space<vmem>>) dst(%dma_wait3A_179 : memref<10240x64xf32, #tpu.memory_space<vmem_shared>>)
      } else {
      }
      %add3A_86 = arith.constant 3 : i32
      %add3A_87 = arith.addi %add3A_80, %add3A_86 : i32
      %lt3A_88 = arith.constant 160 : i32
      %lt3A_89 = arith.cmpi slt, %add3A_87, %lt3A_88 : i32
      %convert_element_type3A_90 = arith.extui %lt3A_89 : i1 to i32
      %cond3A_91 = arith.constant 0 : i32
      %cond3A_92 = arith.cmpi ne, %convert_element_type3A_90, %cond3A_91 : i32
      scf.if %cond3A_92 {
        %add3A_173 = arith.constant 3 : i32
        %add3A_174 = arith.addi %add3A_80, %add3A_173 : i32
        %dma_start3A_175 = arith.constant 0 : i32
        %dma_start3A_176 = tpu.memref_slice %arg7[%add3A_174, %dma_start3A_175] : memref<160x125xi32, #tpu.memory_space<vmem>> -> memref<1x125xi32, #tpu.memory_space<vmem>>
        %dma_start3A_177 = tpu.memref_squeeze %dma_start3A_176 : memref<1x125xi32, #tpu.memory_space<vmem>> -> memref<125xi32, #tpu.memory_space<vmem>>
        %dma_start3A_178 = arith.constant 0 : i32
        %dma_start3A_179 = arith.constant 0 : i32
        %dma_start3A_180 = tpu.memref_slice %arg2[%arg0, %dma_start3A_178, %dma_start3A_179] : memref<2x10000x64xf32, #tpu.memory_space<hbm>> -> memref<1x10000x64xf32, #tpu.memory_space<hbm>>
        %dma_start3A_181 = tpu.memref_squeeze %dma_start3A_180 : memref<1x10000x64xf32, #tpu.memory_space<hbm>> -> memref<10000x64xf32, #tpu.memory_space<hbm>>
        %dma_start3A_182 = arith.constant 0 : i32
        %dma_start3A_183 = arith.constant 0 : i32
        %dma_start3A_184 = tpu.memref_slice %dma_start3A_181[%dma_start3A_182, %dma_start3A_183] : memref<10000x64xf32, #tpu.memory_space<hbm>> -> memref<10000x64xf32, #tpu.memory_space<hbm>>
        tpu.enqueue_indirect_dma source(%dma_start3A_184 : memref<10000x64xf32, #tpu.memory_space<hbm>>) target(%arg9 : memref<125x64xf32, #tpu.memory_space<vmem>>) offsets(%dma_start3A_177 : memref<125xi32, #tpu.memory_space<vmem>>) semaphore(%arg13 : memref<!tpu.dma_semaphore, #tpu.memory_space<semaphore_mem>>)
      } else {
      }
      %dma_wait3A_93 = arith.constant 0 : i32
      %dma_wait3A_94 = tpu.memref_slice %arg7[%add3A_80, %dma_wait3A_93] : memref<160x125xi32, #tpu.memory_space<vmem>> -> memref<1x125xi32, #tpu.memory_space<vmem>>
      %dma_wait3A_95 = tpu.memref_squeeze %dma_wait3A_94 : memref<1x125xi32, #tpu.memory_space<vmem>> -> memref<125xi32, #tpu.memory_space<vmem>>
      %dma_wait3A_96 = arith.constant 0 : i32
      %dma_wait3A_97 = arith.constant 0 : i32
      %dma_wait3A_98 = tpu.memref_slice %arg2[%arg0, %dma_wait3A_96, %dma_wait3A_97] : memref<2x10000x64xf32, #tpu.memory_space<hbm>> -> memref<1x10000x64xf32, #tpu.memory_space<hbm>>
      %dma_wait3A_99 = tpu.memref_squeeze %dma_wait3A_98 : memref<1x10000x64xf32, #tpu.memory_space<hbm>> -> memref<10000x64xf32, #tpu.memory_space<hbm>>
      %dma_wait3A_100 = arith.constant 0 : i32
      %dma_wait3A_101 = arith.constant 0 : i32
      %dma_wait3A_102 = tpu.memref_slice %dma_wait3A_99[%dma_wait3A_100, %dma_wait3A_101] : memref<10000x64xf32, #tpu.memory_space<hbm>> -> memref<10000x64xf32, #tpu.memory_space<hbm>>
      tpu.wait_indirect_dma semaphore(%arg14 : memref<!tpu.dma_semaphore, #tpu.memory_space<semaphore_mem>>) src(%dma_wait3A_102 : memref<10000x64xf32, #tpu.memory_space<hbm>>) dst(%arg10 : memref<125x64xf32, #tpu.memory_space<vmem>>)
      %dma_start3A_103 = arith.constant 0 : i32
      %dma_start3A_104 = tpu.memref_slice %arg8[%add3A_80, %dma_start3A_103] : memref<160x125xi32, #tpu.memory_space<vmem>> -> memref<1x125xi32, #tpu.memory_space<vmem>>
      %dma_start3A_105 = tpu.memref_squeeze %dma_start3A_104 : memref<1x125xi32, #tpu.memory_space<vmem>> -> memref<125xi32, #tpu.memory_space<vmem>>
      %dma_start3A_106 = arith.constant 0 : i32
      %dma_start3A_107 = arith.constant 0 : i32
      %dma_start3A_108 = tpu.memref_slice %arg21[%dma_start3A_106, %dma_start3A_107] : memref<10240x64xf32, #tpu.memory_space<vmem_shared>> -> memref<10240x64xf32, #tpu.memory_space<vmem_shared>>
      tpu.enqueue_indirect_dma source(%arg10 : memref<125x64xf32, #tpu.memory_space<vmem>>) target(%dma_start3A_108 : memref<10240x64xf32, #tpu.memory_space<vmem_shared>>) offsets(%dma_start3A_105 : memref<125xi32, #tpu.memory_space<vmem>>) semaphore(%arg18 : memref<!tpu.dma_semaphore, #tpu.memory_space<semaphore_mem>>) {add = true}
      %mul3A_109 = arith.constant 4 : i32
      %mul3A_110 = arith.muli %scan3A_49, %mul3A_109 : i32
      %add3A_111 = arith.constant 2 : i32
      %add3A_112 = arith.addi %mul3A_110, %add3A_111 : i32
      %ge3A_113 = arith.constant 1 : i32
      %ge3A_114 = arith.cmpi sge, %add3A_112, %ge3A_113 : i32
      %convert_element_type3A_115 = arith.extui %ge3A_114 : i1 to i32
      %cond3A_116 = arith.constant 0 : i32
      %cond3A_117 = arith.cmpi ne, %convert_element_type3A_115, %cond3A_116 : i32
      scf.if %cond3A_117 {
        %sub3A = arith.constant 1 : i32
        %sub3A_173 = arith.subi %add3A_112, %sub3A : i32
        %dma_wait3A_174 = arith.constant 0 : i32
        %dma_wait3A_175 = tpu.memref_slice %arg8[%sub3A_173, %dma_wait3A_174] : memref<160x125xi32, #tpu.memory_space<vmem>> -> memref<1x125xi32, #tpu.memory_space<vmem>>
        %dma_wait3A_176 = tpu.memref_squeeze %dma_wait3A_175 : memref<1x125xi32, #tpu.memory_space<vmem>> -> memref<125xi32, #tpu.memory_space<vmem>>
        %dma_wait3A_177 = arith.constant 0 : i32
        %dma_wait3A_178 = arith.constant 0 : i32
        %dma_wait3A_179 = tpu.memref_slice %arg21[%dma_wait3A_177, %dma_wait3A_178] : memref<10240x64xf32, #tpu.memory_space<vmem_shared>> -> memref<10240x64xf32, #tpu.memory_space<vmem_shared>>
        tpu.wait_indirect_dma semaphore(%arg18 : memref<!tpu.dma_semaphore, #tpu.memory_space<semaphore_mem>>) src(%arg10 : memref<125x64xf32, #tpu.memory_space<vmem>>) dst(%dma_wait3A_179 : memref<10240x64xf32, #tpu.memory_space<vmem_shared>>)
      } else {
      }
      %add3A_118 = arith.constant 3 : i32
      %add3A_119 = arith.addi %add3A_112, %add3A_118 : i32
      %lt3A_120 = arith.constant 160 : i32
      %lt3A_121 = arith.cmpi slt, %add3A_119, %lt3A_120 : i32
      %convert_element_type3A_122 = arith.extui %lt3A_121 : i1 to i32
      %cond3A_123 = arith.constant 0 : i32
      %cond3A_124 = arith.cmpi ne, %convert_element_type3A_122, %cond3A_123 : i32
      scf.if %cond3A_124 {
        %add3A_173 = arith.constant 3 : i32
        %add3A_174 = arith.addi %add3A_112, %add3A_173 : i32
        %dma_start3A_175 = arith.constant 0 : i32
        %dma_start3A_176 = tpu.memref_slice %arg7[%add3A_174, %dma_start3A_175] : memref<160x125xi32, #tpu.memory_space<vmem>> -> memref<1x125xi32, #tpu.memory_space<vmem>>
        %dma_start3A_177 = tpu.memref_squeeze %dma_start3A_176 : memref<1x125xi32, #tpu.memory_space<vmem>> -> memref<125xi32, #tpu.memory_space<vmem>>
        %dma_start3A_178 = arith.constant 0 : i32
        %dma_start3A_179 = arith.constant 0 : i32
        %dma_start3A_180 = tpu.memref_slice %arg2[%arg0, %dma_start3A_178, %dma_start3A_179] : memref<2x10000x64xf32, #tpu.memory_space<hbm>> -> memref<1x10000x64xf32, #tpu.memory_space<hbm>>
        %dma_start3A_181 = tpu.memref_squeeze %dma_start3A_180 : memref<1x10000x64xf32, #tpu.memory_space<hbm>> -> memref<10000x64xf32, #tpu.memory_space<hbm>>
        %dma_start3A_182 = arith.constant 0 : i32
        %dma_start3A_183 = arith.constant 0 : i32
        %dma_start3A_184 = tpu.memref_slice %dma_start3A_181[%dma_start3A_182, %dma_start3A_183] : memref<10000x64xf32, #tpu.memory_space<hbm>> -> memref<10000x64xf32, #tpu.memory_space<hbm>>
        tpu.enqueue_indirect_dma source(%dma_start3A_184 : memref<10000x64xf32, #tpu.memory_space<hbm>>) target(%arg10 : memref<125x64xf32, #tpu.memory_space<vmem>>) offsets(%dma_start3A_177 : memref<125xi32, #tpu.memory_space<vmem>>) semaphore(%arg14 : memref<!tpu.dma_semaphore, #tpu.memory_space<semaphore_mem>>)
      } else {
      }
      %dma_wait3A_125 = arith.constant 0 : i32
      %dma_wait3A_126 = tpu.memref_slice %arg7[%add3A_112, %dma_wait3A_125] : memref<160x125xi32, #tpu.memory_space<vmem>> -> memref<1x125xi32, #tpu.memory_space<vmem>>
      %dma_wait3A_127 = tpu.memref_squeeze %dma_wait3A_126 : memref<1x125xi32, #tpu.memory_space<vmem>> -> memref<125xi32, #tpu.memory_space<vmem>>
      %dma_wait3A_128 = arith.constant 0 : i32
      %dma_wait3A_129 = arith.constant 0 : i32
      %dma_wait3A_130 = tpu.memref_slice %arg2[%arg0, %dma_wait3A_128, %dma_wait3A_129] : memref<2x10000x64xf32, #tpu.memory_space<hbm>> -> memref<1x10000x64xf32, #tpu.memory_space<hbm>>
      %dma_wait3A_131 = tpu.memref_squeeze %dma_wait3A_130 : memref<1x10000x64xf32, #tpu.memory_space<hbm>> -> memref<10000x64xf32, #tpu.memory_space<hbm>>
      %dma_wait3A_132 = arith.constant 0 : i32
      %dma_wait3A_133 = arith.constant 0 : i32
      %dma_wait3A_134 = tpu.memref_slice %dma_wait3A_131[%dma_wait3A_132, %dma_wait3A_133] : memref<10000x64xf32, #tpu.memory_space<hbm>> -> memref<10000x64xf32, #tpu.memory_space<hbm>>
      tpu.wait_indirect_dma semaphore(%arg15 : memref<!tpu.dma_semaphore, #tpu.memory_space<semaphore_mem>>) src(%dma_wait3A_134 : memref<10000x64xf32, #tpu.memory_space<hbm>>) dst(%arg11 : memref<125x64xf32, #tpu.memory_space<vmem>>)
      %dma_start3A_135 = arith.constant 0 : i32
      %dma_start3A_136 = tpu.memref_slice %arg8[%add3A_112, %dma_start3A_135] : memref<160x125xi32, #tpu.memory_space<vmem>> -> memref<1x125xi32, #tpu.memory_space<vmem>>
      %dma_start3A_137 = tpu.memref_squeeze %dma_start3A_136 : memref<1x125xi32, #tpu.memory_space<vmem>> -> memref<125xi32, #tpu.memory_space<vmem>>
      %dma_start3A_138 = arith.constant 0 : i32
      %dma_start3A_139 = arith.constant 0 : i32
      %dma_start3A_140 = tpu.memref_slice %arg21[%dma_start3A_138, %dma_start3A_139] : memref<10240x64xf32, #tpu.memory_space<vmem_shared>> -> memref<10240x64xf32, #tpu.memory_space<vmem_shared>>
      tpu.enqueue_indirect_dma source(%arg11 : memref<125x64xf32, #tpu.memory_space<vmem>>) target(%dma_start3A_140 : memref<10240x64xf32, #tpu.memory_space<vmem_shared>>) offsets(%dma_start3A_137 : memref<125xi32, #tpu.memory_space<vmem>>) semaphore(%arg19 : memref<!tpu.dma_semaphore, #tpu.memory_space<semaphore_mem>>) {add = true}
      %mul3A_141 = arith.constant 4 : i32
      %mul3A_142 = arith.muli %scan3A_49, %mul3A_141 : i32
      %add3A_143 = arith.constant 3 : i32
      %add3A_144 = arith.addi %mul3A_142, %add3A_143 : i32
      %ge3A_145 = arith.constant 1 : i32
      %ge3A_146 = arith.cmpi sge, %add3A_144, %ge3A_145 : i32
      %convert_element_type3A_147 = arith.extui %ge3A_146 : i1 to i32
      %cond3A_148 = arith.constant 0 : i32
      %cond3A_149 = arith.cmpi ne, %convert_element_type3A_147, %cond3A_148 : i32
      scf.if %cond3A_149 {
        %sub3A = arith.constant 1 : i32
        %sub3A_173 = arith.subi %add3A_144, %sub3A : i32
        %dma_wait3A_174 = arith.constant 0 : i32
        %dma_wait3A_175 = tpu.memref_slice %arg8[%sub3A_173, %dma_wait3A_174] : memref<160x125xi32, #tpu.memory_space<vmem>> -> memref<1x125xi32, #tpu.memory_space<vmem>>
        %dma_wait3A_176 = tpu.memref_squeeze %dma_wait3A_175 : memref<1x125xi32, #tpu.memory_space<vmem>> -> memref<125xi32, #tpu.memory_space<vmem>>
        %dma_wait3A_177 = arith.constant 0 : i32
        %dma_wait3A_178 = arith.constant 0 : i32
        %dma_wait3A_179 = tpu.memref_slice %arg21[%dma_wait3A_177, %dma_wait3A_178] : memref<10240x64xf32, #tpu.memory_space<vmem_shared>> -> memref<10240x64xf32, #tpu.memory_space<vmem_shared>>
        tpu.wait_indirect_dma semaphore(%arg19 : memref<!tpu.dma_semaphore, #tpu.memory_space<semaphore_mem>>) src(%arg11 : memref<125x64xf32, #tpu.memory_space<vmem>>) dst(%dma_wait3A_179 : memref<10240x64xf32, #tpu.memory_space<vmem_shared>>)
      } else {
      }
      %add3A_150 = arith.constant 3 : i32
      %add3A_151 = arith.addi %add3A_144, %add3A_150 : i32
      %lt3A_152 = arith.constant 160 : i32
      %lt3A_153 = arith.cmpi slt, %add3A_151, %lt3A_152 : i32
      %convert_element_type3A_154 = arith.extui %lt3A_153 : i1 to i32
      %cond3A_155 = arith.constant 0 : i32
      %cond3A_156 = arith.cmpi ne, %convert_element_type3A_154, %cond3A_155 : i32
      scf.if %cond3A_156 {
        %add3A_173 = arith.constant 3 : i32
        %add3A_174 = arith.addi %add3A_144, %add3A_173 : i32
        %dma_start3A_175 = arith.constant 0 : i32
        %dma_start3A_176 = tpu.memref_slice %arg7[%add3A_174, %dma_start3A_175] : memref<160x125xi32, #tpu.memory_space<vmem>> -> memref<1x125xi32, #tpu.memory_space<vmem>>
        %dma_start3A_177 = tpu.memref_squeeze %dma_start3A_176 : memref<1x125xi32, #tpu.memory_space<vmem>> -> memref<125xi32, #tpu.memory_space<vmem>>
        %dma_start3A_178 = arith.constant 0 : i32
        %dma_start3A_179 = arith.constant 0 : i32
        %dma_start3A_180 = tpu.memref_slice %arg2[%arg0, %dma_start3A_178, %dma_start3A_179] : memref<2x10000x64xf32, #tpu.memory_space<hbm>> -> memref<1x10000x64xf32, #tpu.memory_space<hbm>>
        %dma_start3A_181 = tpu.memref_squeeze %dma_start3A_180 : memref<1x10000x64xf32, #tpu.memory_space<hbm>> -> memref<10000x64xf32, #tpu.memory_space<hbm>>
        %dma_start3A_182 = arith.constant 0 : i32
        %dma_start3A_183 = arith.constant 0 : i32
        %dma_start3A_184 = tpu.memref_slice %dma_start3A_181[%dma_start3A_182, %dma_start3A_183] : memref<10000x64xf32, #tpu.memory_space<hbm>> -> memref<10000x64xf32, #tpu.memory_space<hbm>>
        tpu.enqueue_indirect_dma source(%dma_start3A_184 : memref<10000x64xf32, #tpu.memory_space<hbm>>) target(%arg11 : memref<125x64xf32, #tpu.memory_space<vmem>>) offsets(%dma_start3A_177 : memref<125xi32, #tpu.memory_space<vmem>>) semaphore(%arg15 : memref<!tpu.dma_semaphore, #tpu.memory_space<semaphore_mem>>)
      } else {
      }
      %dma_wait3A_157 = arith.constant 0 : i32
      %dma_wait3A_158 = tpu.memref_slice %arg7[%add3A_144, %dma_wait3A_157] : memref<160x125xi32, #tpu.memory_space<vmem>> -> memref<1x125xi32, #tpu.memory_space<vmem>>
      %dma_wait3A_159 = tpu.memref_squeeze %dma_wait3A_158 : memref<1x125xi32, #tpu.memory_space<vmem>> -> memref<125xi32, #tpu.memory_space<vmem>>
      %dma_wait3A_160 = arith.constant 0 : i32
      %dma_wait3A_161 = arith.constant 0 : i32
      %dma_wait3A_162 = tpu.memref_slice %arg2[%arg0, %dma_wait3A_160, %dma_wait3A_161] : memref<2x10000x64xf32, #tpu.memory_space<hbm>> -> memref<1x10000x64xf32, #tpu.memory_space<hbm>>
      %dma_wait3A_163 = tpu.memref_squeeze %dma_wait3A_162 : memref<1x10000x64xf32, #tpu.memory_space<hbm>> -> memref<10000x64xf32, #tpu.memory_space<hbm>>
      %dma_wait3A_164 = arith.constant 0 : i32
      %dma_wait3A_165 = arith.constant 0 : i32
      %dma_wait3A_166 = tpu.memref_slice %dma_wait3A_163[%dma_wait3A_164, %dma_wait3A_165] : memref<10000x64xf32, #tpu.memory_space<hbm>> -> memref<10000x64xf32, #tpu.memory_space<hbm>>
      tpu.wait_indirect_dma semaphore(%arg16 : memref<!tpu.dma_semaphore, #tpu.memory_space<semaphore_mem>>) src(%dma_wait3A_166 : memref<10000x64xf32, #tpu.memory_space<hbm>>) dst(%arg12 : memref<125x64xf32, #tpu.memory_space<vmem>>)
      %dma_start3A_167 = arith.constant 0 : i32
      %dma_start3A_168 = tpu.memref_slice %arg8[%add3A_144, %dma_start3A_167] : memref<160x125xi32, #tpu.memory_space<vmem>> -> memref<1x125xi32, #tpu.memory_space<vmem>>
      %dma_start3A_169 = tpu.memref_squeeze %dma_start3A_168 : memref<1x125xi32, #tpu.memory_space<vmem>> -> memref<125xi32, #tpu.memory_space<vmem>>
      %dma_start3A_170 = arith.constant 0 : i32
      %dma_start3A_171 = arith.constant 0 : i32
      %dma_start3A_172 = tpu.memref_slice %arg21[%dma_start3A_170, %dma_start3A_171] : memref<10240x64xf32, #tpu.memory_space<vmem_shared>> -> memref<10240x64xf32, #tpu.memory_space<vmem_shared>>
      tpu.enqueue_indirect_dma source(%arg12 : memref<125x64xf32, #tpu.memory_space<vmem>>) target(%dma_start3A_172 : memref<10240x64xf32, #tpu.memory_space<vmem_shared>>) offsets(%dma_start3A_169 : memref<125xi32, #tpu.memory_space<vmem>>) semaphore(%arg20 : memref<!tpu.dma_semaphore, #tpu.memory_space<semaphore_mem>>) {add = true}
    }
    %scan3A_37 = arith.constant 40 : i32
    %dma_wait3A = arith.constant 159 : i32
    %dma_wait3A_38 = arith.constant 0 : i32
    %dma_wait3A_39 = tpu.memref_slice %arg8[%dma_wait3A, %dma_wait3A_38] : memref<160x125xi32, #tpu.memory_space<vmem>> -> memref<1x125xi32, #tpu.memory_space<vmem>>
    %dma_wait3A_40 = tpu.memref_squeeze %dma_wait3A_39 : memref<1x125xi32, #tpu.memory_space<vmem>> -> memref<125xi32, #tpu.memory_space<vmem>>
    %dma_wait3A_41 = arith.constant 0 : i32
    %dma_wait3A_42 = arith.constant 0 : i32
    %dma_wait3A_43 = tpu.memref_slice %arg21[%dma_wait3A_41, %dma_wait3A_42] : memref<10240x64xf32, #tpu.memory_space<vmem_shared>> -> memref<10240x64xf32, #tpu.memory_space<vmem_shared>>
    tpu.wait_indirect_dma semaphore(%arg20 : memref<!tpu.dma_semaphore, #tpu.memory_space<semaphore_mem>>) src(%arg12 : memref<125x64xf32, #tpu.memory_space<vmem>>) dst(%dma_wait3A_43 : memref<10240x64xf32, #tpu.memory_space<vmem_shared>>)
    %barrier3A_44 = arith.constant 0 : index
    tpu.barrier barrier_id(%barrier3A_44)
    %mul3A_45 = arith.constant 640 : i32
    %mul3A_46 = arith.muli %arg1, %mul3A_45 : i32
    %mul3A_47 = arith.constant 640 : i32
    %mul3A_48 = arith.muli %arg1, %mul3A_47 : i32
    "tpu.region"() ({
      %run_scoped3A = tpu.sem_alloc : memref<!tpu.dma_semaphore, #tpu.memory_space<semaphore_mem>>
      %dma_start3A_49 = arith.constant 0 : i32
      %dma_start3A_50 = tpu.memref_slice %arg6[%arg0, %mul3A_48, %dma_start3A_49] : memref<2x10240x64xf32, #tpu.memory_space<hbm>> -> memref<1x640x64xf32, #tpu.memory_space<hbm>>
      %dma_start3A_51 = tpu.memref_squeeze %dma_start3A_50 : memref<1x640x64xf32, #tpu.memory_space<hbm>> -> memref<640x64xf32, #tpu.memory_space<hbm>>
      %dma_start3A_52 = arith.constant 0 : i32
      %dma_start3A_53 = tpu.memref_slice %arg21[%mul3A_46, %dma_start3A_52] : memref<10240x64xf32, #tpu.memory_space<vmem_shared>> -> memref<640x64xf32, #tpu.memory_space<vmem_shared>>
      tpu.enqueue_dma source(%dma_start3A_53 : memref<640x64xf32, #tpu.memory_space<vmem_shared>>) target(%dma_start3A_51 : memref<640x64xf32, #tpu.memory_space<hbm>>) target_semaphore(%run_scoped3A : memref<!tpu.dma_semaphore, #tpu.memory_space<semaphore_mem>>)
      %dma_wait3A_54 = arith.constant 0 : i32
      %dma_wait3A_55 = tpu.memref_slice %arg6[%arg0, %mul3A_48, %dma_wait3A_54] : memref<2x10240x64xf32, #tpu.memory_space<hbm>> -> memref<1x640x64xf32, #tpu.memory_space<hbm>>
      %dma_wait3A_56 = tpu.memref_squeeze %dma_wait3A_55 : memref<1x640x64xf32, #tpu.memory_space<hbm>> -> memref<640x64xf32, #tpu.memory_space<hbm>>
      %dma_wait3A_57 = arith.constant 0 : i32
      %dma_wait3A_58 = tpu.memref_slice %arg21[%mul3A_46, %dma_wait3A_57] : memref<10240x64xf32, #tpu.memory_space<vmem_shared>> -> memref<640x64xf32, #tpu.memory_space<vmem_shared>>
      tpu.wait_dma2 semaphore(%run_scoped3A : memref<!tpu.dma_semaphore, #tpu.memory_space<semaphore_mem>>) src(%dma_wait3A_58 : memref<640x64xf32, #tpu.memory_space<vmem_shared>>) dst(%dma_wait3A_56 : memref<640x64xf32, #tpu.memory_space<hbm>>)
      tpu.yield
    }) : () -> ()
    return
  }
}

module attributes {stable_mosaic.version = 14 : i64} {
  func.func @_k0_body(%arg0: memref<10000x128xf32, #tpu.memory_space<vmem>>, %arg1: memref<8x10000xf32, #tpu.memory_space<vmem>>, %arg2: memref<1x128xf32, #tpu.memory_space<vmem>>, %arg3: memref<1x128xf32, #tpu.memory_space<vmem>>, %arg4: memref<1x128xf32, #tpu.memory_space<vmem>>, %arg5: memref<2x10000x64xf32, #tpu.memory_space<vmem>>) attributes {dimension_semantics = [], scalar_prefetch = 0 : i64, scratch_operands = 0 : i64, tpu.core_type = #tpu.core_type<tc>} {
    %get3A = arith.constant 0 : index
    %get3A_0 = arith.constant 0 : index
    %get3A_1 = vector.load %arg0[%get3A, %get3A_0] : memref<10000x128xf32, #tpu.memory_space<vmem>>, vector<10000x128xf32>
    %get3A_2 = arith.constant 0 : index
    %get3A_3 = arith.constant 0 : index
    %get3A_4 = vector.load %arg1[%get3A_2, %get3A_3] : memref<8x10000xf32, #tpu.memory_space<vmem>>, vector<8x10000xf32>
    %get3A_5 = arith.constant 0 : index
    %get3A_6 = arith.constant 0 : index
    %get3A_7 = vector.load %arg2[%get3A_5, %get3A_6] : memref<1x128xf32, #tpu.memory_space<vmem>>, vector<1x128xf32>
    %get3A_8 = arith.constant 0 : index
    %get3A_9 = arith.constant 0 : index
    %get3A_10 = vector.load %arg3[%get3A_8, %get3A_9] : memref<1x128xf32, #tpu.memory_space<vmem>>, vector<1x128xf32>
    %get3A_11 = arith.constant 0 : index
    %get3A_12 = arith.constant 0 : index
    %get3A_13 = vector.load %arg4[%get3A_11, %get3A_12] : memref<1x128xf32, #tpu.memory_space<vmem>>, vector<1x128xf32>
    %reduce_sum3A = arith.constant dense<0.000000e+00> : vector<8xf32>
    %reduce_sum3A_14 = vector.multi_reduction <add>, %get3A_4, %reduce_sum3A [1] : vector<8x10000xf32> to vector<8xf32>
    %max3A = arith.constant 1.000000e+00 : f32
    %max3A_15 = vector.broadcast %max3A : f32 to vector<8xf32>
    %max3A_16 = arith.maximumf %reduce_sum3A_14, %max3A_15 : vector<8xf32>
    %broadcast_in_dim3A = vector.shape_cast %max3A_16 : vector<8xf32> to vector<8x1xf32>
    %dot_general3A = arith.constant dense<0.000000e+00> : vector<8x128xf32>
    %dot_general3A_17 = tpu.matmul %get3A_4, %get3A_1, %dot_general3A {dimension_numbers = #tpu.dot_dimension_numbers<[1], [0], [0], [1], [0, 0, 1, 1], [], []>, transpose_lhs_hint = false} : vector<8x10000xf32>, vector<10000x128xf32>, vector<8x128xf32> -> vector<8x128xf32>
    %div3A = vector.broadcast %broadcast_in_dim3A : vector<8x1xf32> to vector<8x128xf32>
    %div3A_18 = arith.divf %dot_general3A_17, %div3A : vector<8x128xf32>
    %dot_general3A_19 = arith.constant dense<0.000000e+00> : vector<10000x128xf32>
    %dot_general3A_20 = tpu.matmul %get3A_4, %div3A_18, %dot_general3A_19 {dimension_numbers = #tpu.dot_dimension_numbers<[0], [0], [1], [1], [0, 1, 1, 1], [], []>, transpose_lhs_hint = false} : vector<8x10000xf32>, vector<8x128xf32>, vector<10000x128xf32> -> vector<10000x128xf32>
    %mul3A = vector.broadcast %get3A_13 : vector<1x128xf32> to vector<10000x128xf32>
    %mul3A_21 = arith.mulf %mul3A, %dot_general3A_20 : vector<10000x128xf32>
    %sub3A = arith.subf %get3A_1, %mul3A_21 : vector<10000x128xf32>
    %mul3A_22 = arith.mulf %sub3A, %sub3A : vector<10000x128xf32>
    %dot_general3A_23 = arith.constant dense<0.000000e+00> : vector<8x128xf32>
    %dot_general3A_24 = tpu.matmul %get3A_4, %mul3A_22, %dot_general3A_23 {dimension_numbers = #tpu.dot_dimension_numbers<[1], [0], [0], [1], [0, 0, 1, 1], [], []>, transpose_lhs_hint = false} : vector<8x10000xf32>, vector<10000x128xf32>, vector<8x128xf32> -> vector<8x128xf32>
    %div3A_25 = vector.broadcast %broadcast_in_dim3A : vector<8x1xf32> to vector<8x128xf32>
    %div3A_26 = arith.divf %dot_general3A_24, %div3A_25 : vector<8x128xf32>
    %add3A = arith.constant 9.99999974E-6 : f32
    %add3A_27 = vector.broadcast %add3A : f32 to vector<8x128xf32>
    %add3A_28 = arith.addf %div3A_26, %add3A_27 : vector<8x128xf32>
    %sqrt3A = math.sqrt %add3A_28 : vector<8x128xf32>
    %div3A_29 = vector.broadcast %get3A_7 : vector<1x128xf32> to vector<8x128xf32>
    %div3A_30 = arith.divf %div3A_29, %sqrt3A : vector<8x128xf32>
    %dot_general3A_31 = arith.constant dense<0.000000e+00> : vector<10000x128xf32>
    %dot_general3A_32 = tpu.matmul %get3A_4, %div3A_30, %dot_general3A_31 {dimension_numbers = #tpu.dot_dimension_numbers<[0], [0], [1], [1], [0, 1, 1, 1], [], []>, transpose_lhs_hint = false} : vector<8x10000xf32>, vector<8x128xf32>, vector<10000x128xf32> -> vector<10000x128xf32>
    %mul3A_33 = arith.mulf %sub3A, %dot_general3A_32 : vector<10000x128xf32>
    %add3A_34 = vector.broadcast %get3A_10 : vector<1x128xf32> to vector<10000x128xf32>
    %add3A_35 = arith.addf %mul3A_33, %add3A_34 : vector<10000x128xf32>
    %slice3A = vector.extract_strided_slice %add3A_35 {offsets = [0, 0], sizes = [10000, 64], strides = [1, 1]} : vector<10000x128xf32> to vector<10000x64xf32>
    %slice3A_36 = vector.extract_strided_slice %add3A_35 {offsets = [0, 64], sizes = [10000, 64], strides = [1, 1]} : vector<10000x128xf32> to vector<10000x64xf32>
    %stack3A = vector.shape_cast %slice3A : vector<10000x64xf32> to vector<1x10000x64xf32>
    %stack3A_37 = vector.shape_cast %slice3A_36 : vector<10000x64xf32> to vector<1x10000x64xf32>
    %stack3A_38 = tpu.concatenate %stack3A, %stack3A_37 in 0 : vector<1x10000x64xf32>, vector<1x10000x64xf32> -> vector<2x10000x64xf32>
    %swap3A = arith.constant 0 : index
    %swap3A_39 = arith.constant 0 : index
    %swap3A_40 = arith.constant 0 : index
    %swap3A_41 = vector.load %arg5[%swap3A, %swap3A_39, %swap3A_40] : memref<2x10000x64xf32, #tpu.memory_space<vmem>>, vector<2x10000x64xf32>
    tpu.vector_store %arg5[%swap3A, %swap3A_39, %swap3A_40], %stack3A_38 {strides = array<i32>} : memref<2x10000x64xf32, #tpu.memory_space<vmem>>, vector<2x10000x64xf32>,
    return
  }
}

module attributes {stable_mosaic.version = 14 : i64} {
  func.func @_mid_body(%arg0: memref<2x10000x64xf32, #tpu.memory_space<vmem>>, %arg1: memref<2x10240x64xf32, #tpu.memory_space<vmem>>, %arg2: memref<128x128xf32, #tpu.memory_space<vmem>>, %arg3: memref<1x128xf32, #tpu.memory_space<vmem>>, %arg4: memref<128x128xf32, #tpu.memory_space<vmem>>, %arg5: memref<8x10000xf32, #tpu.memory_space<vmem>>, %arg6: memref<1x128xf32, #tpu.memory_space<vmem>>, %arg7: memref<1x128xf32, #tpu.memory_space<vmem>>, %arg8: memref<1x128xf32, #tpu.memory_space<vmem>>, %arg9: memref<2x10000x64xf32, #tpu.memory_space<vmem>>) attributes {dimension_semantics = [], scalar_prefetch = 0 : i64, scratch_operands = 0 : i64, tpu.core_type = #tpu.core_type<tc>} {
    %get3A = arith.constant 0 : index
    %get3A_0 = arith.constant 0 : index
    %get3A_1 = arith.constant 0 : index
    %get3A_2 = vector.load %arg1[%get3A, %get3A_0, %get3A_1] : memref<2x10240x64xf32, #tpu.memory_space<vmem>>, vector<2x10240x64xf32>
    %slice3A = vector.extract_strided_slice %get3A_2 {offsets = [0, 0, 0], sizes = [1, 10000, 64], strides = [1, 1, 1]} : vector<2x10240x64xf32> to vector<1x10000x64xf32>
    %squeeze3A = vector.shape_cast %slice3A : vector<1x10000x64xf32> to vector<10000x64xf32>
    %slice3A_3 = vector.extract_strided_slice %get3A_2 {offsets = [1, 0, 0], sizes = [1, 10000, 64], strides = [1, 1, 1]} : vector<2x10240x64xf32> to vector<1x10000x64xf32>
    %squeeze3A_4 = vector.shape_cast %slice3A_3 : vector<1x10000x64xf32> to vector<10000x64xf32>
    %concatenate3A = tpu.concatenate %squeeze3A, %squeeze3A_4 in 1 : vector<10000x64xf32>, vector<10000x64xf32> -> vector<10000x128xf32>
    %get3A_5 = arith.constant 0 : index
    %get3A_6 = arith.constant 0 : index
    %get3A_7 = arith.constant 0 : index
    %get3A_8 = vector.load %arg0[%get3A_5, %get3A_6, %get3A_7] : memref<2x10000x64xf32, #tpu.memory_space<vmem>>, vector<2x10000x64xf32>
    %slice3A_9 = vector.extract_strided_slice %get3A_8 {offsets = [0, 0, 0], sizes = [1, 10000, 64], strides = [1, 1, 1]} : vector<2x10000x64xf32> to vector<1x10000x64xf32>
    %squeeze3A_10 = vector.shape_cast %slice3A_9 : vector<1x10000x64xf32> to vector<10000x64xf32>
    %slice3A_11 = vector.extract_strided_slice %get3A_8 {offsets = [1, 0, 0], sizes = [1, 10000, 64], strides = [1, 1, 1]} : vector<2x10000x64xf32> to vector<1x10000x64xf32>
    %squeeze3A_12 = vector.shape_cast %slice3A_11 : vector<1x10000x64xf32> to vector<10000x64xf32>
    %concatenate3A_13 = tpu.concatenate %squeeze3A_10, %squeeze3A_12 in 1 : vector<10000x64xf32>, vector<10000x64xf32> -> vector<10000x128xf32>
    %get3A_14 = arith.constant 0 : index
    %get3A_15 = arith.constant 0 : index
    %get3A_16 = vector.load %arg2[%get3A_14, %get3A_15] : memref<128x128xf32, #tpu.memory_space<vmem>>, vector<128x128xf32>
    %dot_general3A = arith.constant dense<0.000000e+00> : vector<10000x128xf32>
    %dot_general3A_17 = tpu.matmul %concatenate3A, %get3A_16, %dot_general3A {dimension_numbers = #tpu.dot_dimension_numbers<[1], [1], [0], [0], [0, 0, 1, 0], [], []>, transpose_lhs_hint = false} : vector<10000x128xf32>, vector<128x128xf32>, vector<10000x128xf32> -> vector<10000x128xf32>
    %get3A_18 = arith.constant 0 : index
    %get3A_19 = arith.constant 0 : index
    %get3A_20 = vector.load %arg4[%get3A_18, %get3A_19] : memref<128x128xf32, #tpu.memory_space<vmem>>, vector<128x128xf32>
    %dot_general3A_21 = arith.constant dense<0.000000e+00> : vector<10000x128xf32>
    %dot_general3A_22 = tpu.matmul %concatenate3A_13, %get3A_20, %dot_general3A_21 {dimension_numbers = #tpu.dot_dimension_numbers<[1], [1], [0], [0], [0, 0, 1, 0], [], []>, transpose_lhs_hint = false} : vector<10000x128xf32>, vector<128x128xf32>, vector<10000x128xf32> -> vector<10000x128xf32>
    %add3A = arith.addf %dot_general3A_17, %dot_general3A_22 : vector<10000x128xf32>
    %get3A_23 = arith.constant 0 : index
    %get3A_24 = arith.constant 0 : index
    %get3A_25 = vector.load %arg3[%get3A_23, %get3A_24] : memref<1x128xf32, #tpu.memory_space<vmem>>, vector<1x128xf32>
    %add3A_26 = vector.broadcast %get3A_25 : vector<1x128xf32> to vector<10000x128xf32>
    %add3A_27 = arith.addf %add3A, %add3A_26 : vector<10000x128xf32>
    %max3A = arith.constant 0.000000e+00 : f32
    %max3A_28 = vector.broadcast %max3A : f32 to vector<10000x128xf32>
    %max3A_29 = arith.maximumf %add3A_27, %max3A_28 : vector<10000x128xf32>
    %get3A_30 = arith.constant 0 : index
    %get3A_31 = arith.constant 0 : index
    %get3A_32 = vector.load %arg5[%get3A_30, %get3A_31] : memref<8x10000xf32, #tpu.memory_space<vmem>>, vector<8x10000xf32>
    %get3A_33 = arith.constant 0 : index
    %get3A_34 = arith.constant 0 : index
    %get3A_35 = vector.load %arg6[%get3A_33, %get3A_34] : memref<1x128xf32, #tpu.memory_space<vmem>>, vector<1x128xf32>
    %get3A_36 = arith.constant 0 : index
    %get3A_37 = arith.constant 0 : index
    %get3A_38 = vector.load %arg7[%get3A_36, %get3A_37] : memref<1x128xf32, #tpu.memory_space<vmem>>, vector<1x128xf32>
    %get3A_39 = arith.constant 0 : index
    %get3A_40 = arith.constant 0 : index
    %get3A_41 = vector.load %arg8[%get3A_39, %get3A_40] : memref<1x128xf32, #tpu.memory_space<vmem>>, vector<1x128xf32>
    %reduce_sum3A = arith.constant dense<0.000000e+00> : vector<8xf32>
    %reduce_sum3A_42 = vector.multi_reduction <add>, %get3A_32, %reduce_sum3A [1] : vector<8x10000xf32> to vector<8xf32>
    %max3A_43 = arith.constant 1.000000e+00 : f32
    %max3A_44 = vector.broadcast %max3A_43 : f32 to vector<8xf32>
    %max3A_45 = arith.maximumf %reduce_sum3A_42, %max3A_44 : vector<8xf32>
    %broadcast_in_dim3A = vector.shape_cast %max3A_45 : vector<8xf32> to vector<8x1xf32>
    %dot_general3A_46 = arith.constant dense<0.000000e+00> : vector<8x128xf32>
    %dot_general3A_47 = tpu.matmul %get3A_32, %max3A_29, %dot_general3A_46 {dimension_numbers = #tpu.dot_dimension_numbers<[1], [0], [0], [1], [0, 0, 1, 1], [], []>, transpose_lhs_hint = false} : vector<8x10000xf32>, vector<10000x128xf32>, vector<8x128xf32> -> vector<8x128xf32>
    %div3A = vector.broadcast %broadcast_in_dim3A : vector<8x1xf32> to vector<8x128xf32>
    %div3A_48 = arith.divf %dot_general3A_47, %div3A : vector<8x128xf32>
    %dot_general3A_49 = arith.constant dense<0.000000e+00> : vector<10000x128xf32>
    %dot_general3A_50 = tpu.matmul %get3A_32, %div3A_48, %dot_general3A_49 {dimension_numbers = #tpu.dot_dimension_numbers<[0], [0], [1], [1], [0, 1, 1, 1], [], []>, transpose_lhs_hint = false} : vector<8x10000xf32>, vector<8x128xf32>, vector<10000x128xf32> -> vector<10000x128xf32>
    %mul3A = vector.broadcast %get3A_41 : vector<1x128xf32> to vector<10000x128xf32>
    %mul3A_51 = arith.mulf %mul3A, %dot_general3A_50 : vector<10000x128xf32>
    %sub3A = arith.subf %max3A_29, %mul3A_51 : vector<10000x128xf32>
    %mul3A_52 = arith.mulf %sub3A, %sub3A : vector<10000x128xf32>
    %dot_general3A_53 = arith.constant dense<0.000000e+00> : vector<8x128xf32>
    %dot_general3A_54 = tpu.matmul %get3A_32, %mul3A_52, %dot_general3A_53 {dimension_numbers = #tpu.dot_dimension_numbers<[1], [0], [0], [1], [0, 0, 1, 1], [], []>, transpose_lhs_hint = false} : vector<8x10000xf32>, vector<10000x128xf32>, vector<8x128xf32> -> vector<8x128xf32>
    %div3A_55 = vector.broadcast %broadcast_in_dim3A : vector<8x1xf32> to vector<8x128xf32>
    %div3A_56 = arith.divf %dot_general3A_54, %div3A_55 : vector<8x128xf32>
    %add3A_57 = arith.constant 9.99999974E-6 : f32
    %add3A_58 = vector.broadcast %add3A_57 : f32 to vector<8x128xf32>
    %add3A_59 = arith.addf %div3A_56, %add3A_58 : vector<8x128xf32>
    %sqrt3A = math.sqrt %add3A_59 : vector<8x128xf32>
    %div3A_60 = vector.broadcast %get3A_35 : vector<1x128xf32> to vector<8x128xf32>
    %div3A_61 = arith.divf %div3A_60, %sqrt3A : vector<8x128xf32>
    %dot_general3A_62 = arith.constant dense<0.000000e+00> : vector<10000x128xf32>
    %dot_general3A_63 = tpu.matmul %get3A_32, %div3A_61, %dot_general3A_62 {dimension_numbers = #tpu.dot_dimension_numbers<[0], [0], [1], [1], [0, 1, 1, 1], [], []>, transpose_lhs_hint = false} : vector<8x10000xf32>, vector<8x128xf32>, vector<10000x128xf32> -> vector<10000x128xf32>
    %mul3A_64 = arith.mulf %sub3A, %dot_general3A_63 : vector<10000x128xf32>
    %add3A_65 = vector.broadcast %get3A_38 : vector<1x128xf32> to vector<10000x128xf32>
    %add3A_66 = arith.addf %mul3A_64, %add3A_65 : vector<10000x128xf32>
    %slice3A_67 = vector.extract_strided_slice %add3A_66 {offsets = [0, 0], sizes = [10000, 64], strides = [1, 1]} : vector<10000x128xf32> to vector<10000x64xf32>
    %slice3A_68 = vector.extract_strided_slice %add3A_66 {offsets = [0, 64], sizes = [10000, 64], strides = [1, 1]} : vector<10000x128xf32> to vector<10000x64xf32>
    %stack3A = vector.shape_cast %slice3A_67 : vector<10000x64xf32> to vector<1x10000x64xf32>
    %stack3A_69 = vector.shape_cast %slice3A_68 : vector<10000x64xf32> to vector<1x10000x64xf32>
    %stack3A_70 = tpu.concatenate %stack3A, %stack3A_69 in 0 : vector<1x10000x64xf32>, vector<1x10000x64xf32> -> vector<2x10000x64xf32>
    %swap3A = arith.constant 0 : index
    %swap3A_71 = arith.constant 0 : index
    %swap3A_72 = arith.constant 0 : index
    %swap3A_73 = vector.load %arg9[%swap3A, %swap3A_71, %swap3A_72] : memref<2x10000x64xf32, #tpu.memory_space<vmem>>, vector<2x10000x64xf32>
    tpu.vector_store %arg9[%swap3A, %swap3A_71, %swap3A_72], %stack3A_70 {strides = array<i32>} : memref<2x10000x64xf32, #tpu.memory_space<vmem>>, vector<2x10000x64xf32>,
    return
  }
}

module attributes {stable_mosaic.version = 14 : i64} {
  func.func @_k3_body(%arg0: memref<2x10000x64xf32, #tpu.memory_space<vmem>>, %arg1: memref<2x10240x64xf32, #tpu.memory_space<vmem>>, %arg2: memref<128x128xf32, #tpu.memory_space<vmem>>, %arg3: memref<1x128xf32, #tpu.memory_space<vmem>>, %arg4: memref<128x128xf32, #tpu.memory_space<vmem>>, %arg5: memref<8x10000xf32, #tpu.memory_space<vmem>>, %arg6: memref<128x128xf32, #tpu.memory_space<vmem>>, %arg7: memref<1x128xf32, #tpu.memory_space<vmem>>, %arg8: memref<10x128xf32, #tpu.memory_space<vmem>>, %arg9: memref<1x10xf32, #tpu.memory_space<vmem>>, %arg10: memref<8x10xf32, #tpu.memory_space<vmem>>) attributes {dimension_semantics = [], scalar_prefetch = 0 : i64, scratch_operands = 0 : i64, tpu.core_type = #tpu.core_type<tc>} {
    %get3A = arith.constant 0 : index
    %get3A_0 = arith.constant 0 : index
    %get3A_1 = arith.constant 0 : index
    %get3A_2 = vector.load %arg1[%get3A, %get3A_0, %get3A_1] : memref<2x10240x64xf32, #tpu.memory_space<vmem>>, vector<2x10240x64xf32>
    %slice3A = vector.extract_strided_slice %get3A_2 {offsets = [0, 0, 0], sizes = [1, 10000, 64], strides = [1, 1, 1]} : vector<2x10240x64xf32> to vector<1x10000x64xf32>
    %squeeze3A = vector.shape_cast %slice3A : vector<1x10000x64xf32> to vector<10000x64xf32>
    %slice3A_3 = vector.extract_strided_slice %get3A_2 {offsets = [1, 0, 0], sizes = [1, 10000, 64], strides = [1, 1, 1]} : vector<2x10240x64xf32> to vector<1x10000x64xf32>
    %squeeze3A_4 = vector.shape_cast %slice3A_3 : vector<1x10000x64xf32> to vector<10000x64xf32>
    %concatenate3A = tpu.concatenate %squeeze3A, %squeeze3A_4 in 1 : vector<10000x64xf32>, vector<10000x64xf32> -> vector<10000x128xf32>
    %get3A_5 = arith.constant 0 : index
    %get3A_6 = arith.constant 0 : index
    %get3A_7 = arith.constant 0 : index
    %get3A_8 = vector.load %arg0[%get3A_5, %get3A_6, %get3A_7] : memref<2x10000x64xf32, #tpu.memory_space<vmem>>, vector<2x10000x64xf32>
    %slice3A_9 = vector.extract_strided_slice %get3A_8 {offsets = [0, 0, 0], sizes = [1, 10000, 64], strides = [1, 1, 1]} : vector<2x10000x64xf32> to vector<1x10000x64xf32>
    %squeeze3A_10 = vector.shape_cast %slice3A_9 : vector<1x10000x64xf32> to vector<10000x64xf32>
    %slice3A_11 = vector.extract_strided_slice %get3A_8 {offsets = [1, 0, 0], sizes = [1, 10000, 64], strides = [1, 1, 1]} : vector<2x10000x64xf32> to vector<1x10000x64xf32>
    %squeeze3A_12 = vector.shape_cast %slice3A_11 : vector<1x10000x64xf32> to vector<10000x64xf32>
    %concatenate3A_13 = tpu.concatenate %squeeze3A_10, %squeeze3A_12 in 1 : vector<10000x64xf32>, vector<10000x64xf32> -> vector<10000x128xf32>
    %get3A_14 = arith.constant 0 : index
    %get3A_15 = arith.constant 0 : index
    %get3A_16 = vector.load %arg2[%get3A_14, %get3A_15] : memref<128x128xf32, #tpu.memory_space<vmem>>, vector<128x128xf32>
    %dot_general3A = arith.constant dense<0.000000e+00> : vector<10000x128xf32>
    %dot_general3A_17 = tpu.matmul %concatenate3A, %get3A_16, %dot_general3A {dimension_numbers = #tpu.dot_dimension_numbers<[1], [1], [0], [0], [0, 0, 1, 0], [], []>, transpose_lhs_hint = false} : vector<10000x128xf32>, vector<128x128xf32>, vector<10000x128xf32> -> vector<10000x128xf32>
    %get3A_18 = arith.constant 0 : index
    %get3A_19 = arith.constant 0 : index
    %get3A_20 = vector.load %arg4[%get3A_18, %get3A_19] : memref<128x128xf32, #tpu.memory_space<vmem>>, vector<128x128xf32>
    %dot_general3A_21 = arith.constant dense<0.000000e+00> : vector<10000x128xf32>
    %dot_general3A_22 = tpu.matmul %concatenate3A_13, %get3A_20, %dot_general3A_21 {dimension_numbers = #tpu.dot_dimension_numbers<[1], [1], [0], [0], [0, 0, 1, 0], [], []>, transpose_lhs_hint = false} : vector<10000x128xf32>, vector<128x128xf32>, vector<10000x128xf32> -> vector<10000x128xf32>
    %add3A = arith.addf %dot_general3A_17, %dot_general3A_22 : vector<10000x128xf32>
    %get3A_23 = arith.constant 0 : index
    %get3A_24 = arith.constant 0 : index
    %get3A_25 = vector.load %arg3[%get3A_23, %get3A_24] : memref<1x128xf32, #tpu.memory_space<vmem>>, vector<1x128xf32>
    %add3A_26 = vector.broadcast %get3A_25 : vector<1x128xf32> to vector<10000x128xf32>
    %add3A_27 = arith.addf %add3A, %add3A_26 : vector<10000x128xf32>
    %max3A = arith.constant 0.000000e+00 : f32
    %max3A_28 = vector.broadcast %max3A : f32 to vector<10000x128xf32>
    %max3A_29 = arith.maximumf %add3A_27, %max3A_28 : vector<10000x128xf32>
    %get3A_30 = arith.constant 0 : index
    %get3A_31 = arith.constant 0 : index
    %get3A_32 = vector.load %arg5[%get3A_30, %get3A_31] : memref<8x10000xf32, #tpu.memory_space<vmem>>, vector<8x10000xf32>
    %reduce_sum3A = arith.constant dense<0.000000e+00> : vector<8xf32>
    %reduce_sum3A_33 = vector.multi_reduction <add>, %get3A_32, %reduce_sum3A [1] : vector<8x10000xf32> to vector<8xf32>
    %max3A_34 = arith.constant 1.000000e+00 : f32
    %max3A_35 = vector.broadcast %max3A_34 : f32 to vector<8xf32>
    %max3A_36 = arith.maximumf %reduce_sum3A_33, %max3A_35 : vector<8xf32>
    %broadcast_in_dim3A = vector.shape_cast %max3A_36 : vector<8xf32> to vector<8x1xf32>
    %dot_general3A_37 = arith.constant dense<0.000000e+00> : vector<8x128xf32>
    %dot_general3A_38 = tpu.matmul %get3A_32, %max3A_29, %dot_general3A_37 {dimension_numbers = #tpu.dot_dimension_numbers<[1], [0], [0], [1], [0, 0, 1, 1], [], []>, transpose_lhs_hint = false} : vector<8x10000xf32>, vector<10000x128xf32>, vector<8x128xf32> -> vector<8x128xf32>
    %div3A = vector.broadcast %broadcast_in_dim3A : vector<8x1xf32> to vector<8x128xf32>
    %div3A_39 = arith.divf %dot_general3A_38, %div3A : vector<8x128xf32>
    %get3A_40 = arith.constant 0 : index
    %get3A_41 = arith.constant 0 : index
    %get3A_42 = vector.load %arg6[%get3A_40, %get3A_41] : memref<128x128xf32, #tpu.memory_space<vmem>>, vector<128x128xf32>
    %dot_general3A_43 = arith.constant dense<0.000000e+00> : vector<8x128xf32>
    %dot_general3A_44 = tpu.matmul %div3A_39, %get3A_42, %dot_general3A_43 {dimension_numbers = #tpu.dot_dimension_numbers<[1], [1], [0], [0], [0, 0, 1, 0], [], []>, transpose_lhs_hint = false} : vector<8x128xf32>, vector<128x128xf32>, vector<8x128xf32> -> vector<8x128xf32>
    %get3A_45 = arith.constant 0 : index
    %get3A_46 = arith.constant 0 : index
    %get3A_47 = vector.load %arg7[%get3A_45, %get3A_46] : memref<1x128xf32, #tpu.memory_space<vmem>>, vector<1x128xf32>
    %add3A_48 = vector.broadcast %get3A_47 : vector<1x128xf32> to vector<8x128xf32>
    %add3A_49 = arith.addf %dot_general3A_44, %add3A_48 : vector<8x128xf32>
    %max3A_50 = arith.constant 0.000000e+00 : f32
    %max3A_51 = vector.broadcast %max3A_50 : f32 to vector<8x128xf32>
    %max3A_52 = arith.maximumf %add3A_49, %max3A_51 : vector<8x128xf32>
    %get3A_53 = arith.constant 0 : index
    %get3A_54 = arith.constant 0 : index
    %get3A_55 = vector.load %arg8[%get3A_53, %get3A_54] : memref<10x128xf32, #tpu.memory_space<vmem>>, vector<10x128xf32>
    %dot_general3A_56 = arith.constant dense<0.000000e+00> : vector<8x10xf32>
    %dot_general3A_57 = tpu.matmul %max3A_52, %get3A_55, %dot_general3A_56 {dimension_numbers = #tpu.dot_dimension_numbers<[1], [1], [0], [0], [0, 0, 1, 0], [], []>, transpose_lhs_hint = false} : vector<8x128xf32>, vector<10x128xf32>, vector<8x10xf32> -> vector<8x10xf32>
    %get3A_58 = arith.constant 0 : index
    %get3A_59 = arith.constant 0 : index
    %get3A_60 = vector.load %arg9[%get3A_58, %get3A_59] : memref<1x10xf32, #tpu.memory_space<vmem>>, vector<1x10xf32>
    %add3A_61 = vector.broadcast %get3A_60 : vector<1x10xf32> to vector<8x10xf32>
    %add3A_62 = arith.addf %dot_general3A_57, %add3A_61 : vector<8x10xf32>
    %reduce_max3A = arith.constant dense<0xFF800000> : vector<8xf32>
    %reduce_max3A_63 = vector.multi_reduction <maximumf>, %add3A_62, %reduce_max3A [1] : vector<8x10xf32> to vector<8xf32>
    %broadcast_in_dim3A_64 = vector.shape_cast %reduce_max3A_63 : vector<8xf32> to vector<8x1xf32>
    %sub3A = vector.broadcast %broadcast_in_dim3A_64 : vector<8x1xf32> to vector<8x10xf32>
    %sub3A_65 = arith.subf %add3A_62, %sub3A : vector<8x10xf32>
    %exp3A = math.exp %sub3A_65 : vector<8x10xf32>
    %reduce_sum3A_66 = arith.constant dense<0.000000e+00> : vector<8xf32>
    %reduce_sum3A_67 = vector.multi_reduction <add>, %exp3A, %reduce_sum3A_66 [1] : vector<8x10xf32> to vector<8xf32>
    %broadcast_in_dim3A_68 = vector.shape_cast %reduce_sum3A_67 : vector<8xf32> to vector<8x1xf32>
    %div3A_69 = vector.broadcast %broadcast_in_dim3A_68 : vector<8x1xf32> to vector<8x10xf32>
    %div3A_70 = arith.divf %exp3A, %div3A_69 : vector<8x10xf32>
    %swap3A = arith.constant 0 : index
    %swap3A_71 = arith.constant 0 : index
    %swap3A_72 = vector.load %arg10[%swap3A, %swap3A_71] : memref<8x10xf32, #tpu.memory_space<vmem>>, vector<8x10xf32>
    tpu.vector_store %arg10[%swap3A, %swap3A_71], %div3A_70 {strides = array<i32>} : memref<8x10xf32, #tpu.memory_space<vmem>>, vector<8x10xf32>,
    return
  }
}

</mosaic_0001>

<sc_bundles>
// kernel: kernel.12.cloned.1.call-start
scs
__scs_entry_jumppad:
0x0: {  	(pc) =	sbr.rel $0x88, $3  }
0x1: {  	(tag) =	ssettag $0x0;
	lr =	simm.s32 $0x1  }
0x2: {  	[smem:$0x3F88] =	sst lr;
	_ =	strace $0xD0000000  }
0x3: {  	_ = 	snop  }
0x4: {  	_ = 	snop  }
0x5: {  	_ = 	snop  }
0x6: {  	_ = 	snop  }
0x7: {  	_ = 	snop  }
__scs_overlays_trampoline_lowered:
0x8: {  	[smem:$0x3F97] =	sst s0  }
0x9: {  	[smem:$0x3F98] =	sst s1  }
0xa: {  	[smem:$0x3F99] =	sst s2  }
0xb: {  	[smem:$0x3F9A] =	sst s3  }
0xc: {  	[smem:$0x3F9B] =	sst s4  }
0xd: {  	[smem:$0x3F9C] =	sst s5  }
0xe: {  	[smem:$0x3F9D] =	sst s6  }
0xf: {  	[smem:$0x3F9E] =	sst s7  }
0x10: {  	[smem:$0x3F9F] =	sst s8  }
0x11: {  	[smem:$0x3FA0] =	sst s9;
	s0 =	simm.s32 @!p0 $0x0  }
0x12: {  	s1 =	sld [smem:$0x3F86];
	s0 =	simm.s32 @p0 $0x1  }
0x13: {  	[smem:$0x3FA1] =	sst s0;
	s0 =	simm.s32 @!p1 $0x0  }
0x14: {  	s2 =	sld [smem:$0x3F85];
	s0 =	simm.s32 @p1 $0x1  }
0x15: {  	[smem:$0x3FA2] =	sst s0;
	s0 =	simm.s32 @!p2 $0x0  }
0x16: {  	s3 =	sld [smem:$0x3FDB];
	s0 =	simm.s32 @p2 $0x1  }
0x17: {  	s4 =	simm.s32 $0x1BF5;
	[smem:$0x3FA4] =	sst s0  }
0x18: {  	s0 =	sld [smem:$0x3F87];
	_ =	swait.ge [sflag:s4], $0x0  }
0x19: {  	s7 =	sld [smem:$0x3F88]  }
0x1a: {  	s8 =	sadd.s32 $0xFFFFE003, lr  }
0x1b: {  	s9 =	sadd.s32 $0xFFFFFEF7, lr;
	s5 =	simm.s32 $0xFFFFFFFF;
	p2 =	slt.u32 s8, $0xFFFFF086  }
0x1c: {  	p1 =	slt.u32 s9, $0xF7A;
	s5 =	simm.s32 @!p2 $0x0  }
0x1d: {  	s5 =	simm.s32 @p1 $0x1;
	p0 =	seq.s32 s7, s2  }
0x1e: {  	s7 =	smul.u32 @!p0 $0xF7A, s2;
	p2 =	seq.s32 @!p0 s5, $0x0  }
0x1f: {  	s9 =	smul.u32 $0xF7A, s1;
	s8 =	simm.s32 @!p0 $0x1BF5;
	p2 =	por !p2, p0  }
0x20: {  	[sflag:s8] =	ssyncset.s32 @!p0 $0xFFFFF086;
	s6 =	sadd.s32 @!p0 s3, s7;
	s7 =	simm.s32 @!p0 $0x108  }
0x21: {  	s3 =	sadd.s32 s3, s9;
	s6 =	sadd.s32 @!p0 $0x88, s6;
	s7 =	simm.s32 @p2 $0x1082  }
0x22: {  	[simem:s7], [sflag:s8] =	dma.local @!p0 [hbm:s6], $0xF7A  }
0x23: {  	s9 =	sor.u32 $0xD0000000, s2;
	s6 =	simm.s32 $0x108;
	_ =	swait.ge @!p0 [sflag:s8], $0x0  }
0x24: {  	s3 =	sadd.s32 $0x88, s3;
	s6 =	simm.s32 @!p1 $0x1082;
	[sflag:s4] =	ssyncset.s32 $0xFFFFF086  }
0x25: {  	[simem:s6], [sflag:s4] =	dma.local [hbm:s3], $0xF7A  }
0x26: {  	[smem:$0x3F88] =	sst s1;
	(tag) =	ssettag s2;
	_ =	strace s9  }
0x27: {  	s1 =	sld [smem:$0x3F98]  }
0x28: {  	s2 =	sld [smem:$0x3F99]  }
0x29: {  	s4 =	sld [smem:$0x3F9B]  }
0x2a: {  	p0 =	seq.s32 s5, $0x0;
	s5 =	sld [smem:$0x3F9C]  }
0x2b: {  	s6 =	sld [smem:$0x3F9D]  }
0x2c: {  	s7 =	sld [smem:$0x3F9E]  }
0x2d: {  	s3 =	simm.s32 $0x108;
	s8 =	sld [smem:$0x3F9F]  }
0x2e: {  	s3 =	simm.s32 @!p0 $0x1082;
	s9 =	sld [smem:$0x3FA0]  }
0x2f: {  	lr =	sadd.s32 s0, s3;
	s0 =	sld [smem:$0x3F97]  }
0x30: {  	s3 =	sld [smem:$0x3F9A]  }
0x31: {  	[smem:$0x3FA3] =	sst s10  }
0x32: {  	s10 =	sld [smem:$0x3FA1];
	_ =	sdelay $0x3  }
0x33: {  	p0 =	seq.s32 s10, $0x1;
	s10 =	sld [smem:$0x3FA3];
	_ =	sdelay $0x3  }
0x34: {  	[smem:$0x3FA3] =	sst s10  }
0x35: {  	s10 =	sld [smem:$0x3FA2];
	_ =	sdelay $0x3  }
0x36: {  	p1 =	seq.s32 s10, $0x1;
	s10 =	sld [smem:$0x3FA3];
	_ =	sdelay $0x3  }
0x37: {  	[smem:$0x3FA3] =	sst s10  }
0x38: {  	s10 =	sld [smem:$0x3FA4]  }
0x39: {  	_ = 	snop;
	(pc) =	sbr.ind lr, $3  }
0x3a: {  	_ = 	snop  }
0x3b: {  	_ = 	snop  }
0x3c: {  	p2 =	seq.s32 s10, $0x1;
	s10 =	sld [smem:$0x3FA3]  }
0x3d: {  	_ =	shalt  }
0x3e: {  	_ =	shalt  }
0x3f: {  	_ =	shalt  }
0x40: {  	_ =	shalt  }
0x41: {  	_ =	shalt  }
0x42: {  	_ =	shalt  }
0x43: {  	_ =	shalt  }
0x44: {  	_ =	shalt  }
0x45: {  	_ =	shalt  }
0x46: {  	_ =	shalt  }
0x47: {  	_ =	shalt  }
0x48: {  	_ =	shalt  }
0x49: {  	_ =	shalt  }
0x4a: {  	_ =	shalt  }
0x4b: {  	_ =	shalt  }
0x4c: {  	_ =	shalt  }
0x4d: {  	_ =	shalt  }
0x4e: {  	_ =	shalt  }
0x4f: {  	_ =	shalt  }
0x50: {  	_ =	shalt  }
0x51: {  	_ =	shalt  }
0x52: {  	_ =	shalt  }
0x53: {  	_ =	shalt  }
0x54: {  	_ =	shalt  }
0x55: {  	_ =	shalt  }
0x56: {  	_ =	shalt  }
0x57: {  	_ =	shalt  }
0x58: {  	_ =	shalt  }
0x59: {  	_ =	shalt  }
0x5a: {  	_ =	shalt  }
0x5b: {  	_ =	shalt  }
0x5c: {  	_ =	shalt  }
0x5d: {  	_ =	shalt  }
0x5e: {  	_ =	shalt  }
0x5f: {  	_ =	shalt  }
0x60: {  	_ =	shalt  }
0x61: {  	_ =	shalt  }
0x62: {  	_ =	shalt  }
0x63: {  	_ =	shalt  }
0x64: {  	_ =	shalt  }
0x65: {  	_ =	shalt  }
0x66: {  	_ =	shalt  }
0x67: {  	_ =	shalt  }
0x68: {  	_ =	shalt  }
0x69: {  	_ =	shalt  }
0x6a: {  	_ =	shalt  }
0x6b: {  	_ =	shalt  }
0x6c: {  	_ =	shalt  }
0x6d: {  	_ =	shalt  }
0x6e: {  	_ =	shalt  }
0x6f: {  	_ =	shalt  }
0x70: {  	_ =	shalt  }
0x71: {  	_ =	shalt  }
0x72: {  	_ =	shalt  }
0x73: {  	_ =	shalt  }
0x74: {  	_ =	shalt  }
0x75: {  	_ =	shalt  }
0x76: {  	_ =	shalt  }
0x77: {  	_ =	shalt  }
0x78: {  	_ =	shalt  }
0x79: {  	_ =	shalt  }
0x7a: {  	_ =	shalt  }
0x7b: {  	_ =	shalt  }
0x7c: {  	_ =	shalt  }
0x7d: {  	_ =	shalt  }
0x7e: {  	_ =	shalt  }
0x7f: {  	_ =	shalt  }
0x80: {  	_ =	shalt  }
0x81: {  	_ =	shalt  }
0x82: {  	_ =	shalt  }
0x83: {  	_ =	shalt  }
0x84: {  	_ =	shalt  }
0x85: {  	_ =	shalt  }
0x86: {  	_ =	shalt  }
0x87: {  	_ =	shalt  }
.Lfunc_end0:
.L_simem_size_0:
called_computation.1_lowered:
.L_overlay_start_0:
0x88: {  	s2 =	sld [smem:$0x3FD9]  }
0x89: {  	s3 =	sld [smem:$0x3FFE];
	_ =	sdelay $0x1  }
0x8a: {  	s1 =	srdreg.scid  }
0x8b: {  	s0 =	sand.u32 $0x1, s1  }
0x8c: {  	s16 =	sshll.u32 s0, $0xA;
	s2 =	sadd.s32 s3, s2  }
0x8d: {  	s2 =	sadd.s32 s2, s16  }
0x8e: {  	[smem:$0x3FAF] =	sst s2  }
0x8f: {  	_ = 	snop  }
0x90: {  	(tm) =	ssettm $0x1  }
0x91: {  	s17 =	sld [smem:$0x3FFB];
	_ =	sdelay $0x3  }
0x92: {  	_ =	strace s17  }
0x93: {  	s2 =	sld [smem:$0x3FFC];
	_ =	sdelay $0x3  }
0x94: {  	_ =	strace s2  }
0x95: {  	s2 =	sld [smem:$0x3FFD];
	_ =	sdelay $0x3  }
0x96: {  	_ =	strace s2  }
0x97: {  	_ =	strace $0x8FFFFFFF  }
0x98: {  	s18 =	sld [smem:$0x3FDB];
	_ =	sdelay $0x1  }
0x99: {  	s19 =	simm.s32 $_scs_section_size  }
0x9a: {  	s4 =	simm.s32 $_size__tile_overlayer_lowered;
	s5 =	simm.s32 $_tile_overlayer_lowered  }
0x9b: {  	s22 =	simm.s32 $0x1BFF;
	s21 =	sshll.u32 s5, $0x1;
	s2 =	sadd.s32 s19, s18  }
0x9c: {  	s6 =	simm.s32 $0x0;
	s20 =	sshll.u32 s4, $0x1;
	s4 =	sadd.s32 s21, s2  }
0x9d: {  	[timem:s6], [sflag:s22] =	dma.local [hbm:s4], s20  }
0x9e: {  	_ =	swait.ge [sflag:s22], s20  }
0x9f: {  	s3 =	ssub.s32 $0x0, s20;
	[sflag:s22] =	ssyncset.done $0x0  }
0xa0: {  	[sflag:s22] =	ssyncadd.s32 s3;
	_ =	sdelay $0x1  }
0xa1: {  	s23 =	simm.s32 $0x1B8B  }
0xa2: {  	_ =	swait.ge [sflag:s23], $0x1  }
0xa3: {  	[sflag:s23] =	ssyncset.done $0x0  }
0xa4: {  	s25 =	simm.s32 $0x1B8E;
	s24 =	sld [smem:$0x3FFE];
	[sflag:s23] =	ssyncadd.s32 $0xFFFFFFFF  }
0xa5: {  	s26 =	simm.s32 $execute0_lowered;
	[smem:$0x3FD2] =	sst s25  }
0xa6: {  	s4 =	sshll.u32 s26, $0x1;
	_ =	strace $0x80000049;
	[dreg:$0x1] =	wrdreg $0xFFFFFFFF  }
0xa7: {  	s28 =	simm.s32 $_size_execute0_lowered;
	s2 =	sadd.s32 s2, s4;
	[dreg:$0x0] =	wrdreg $0x0  }
0xa8: {  	s4 =	sshll.u32 s28, $0x1;
	[dreg:$0x2] =	wrdreg s2  }
0xa9: {  	[dreg:$0x3] =	wrdreg s4  }
0xaa: {  	[dreg:$0x4] =	wrdreg $0xC0  }
0xab: {  	_ =	task [dreg:s6], $0x5FFFF  }
0xac: {  	[dreg:$0x1] =	wrdreg $0xFFFFFFFF  }
0xad: {  	[dreg:$0x0] =	wrdreg $0x60  }
0xae: {  	[dreg:$0x2] =	wrdreg s24  }
0xaf: {  	[dreg:$0x3] =	wrdreg $0x11D000  }
0xb0: {  	[dreg:$0x4] =	wrdreg $0x9  }
0xb1: {  	_ =	task.clear_ibuf [dreg:s6], $0x5FFFF;
	_ =	strace $0x90000049  }
0xb2: {  	s29 =	simm.s32 $0x9;
	_ =	strace $0x8000004B  }
0xb3: {  	_ =	swait.ge [sflag:s29], $0x1  }
0xb4: {  	[sflag:s29] =	ssyncadd.s32 $0xFFFFFFFF  }
0xb5: {  	_ =	strace $0x9000004B  }
0xb6: {  	_ =	sfence  }
0xb7: {  	s30 =	sld [smem:$0x0];
	_ =	sdelay $0x2  }
0xb8: {  	s31 =	sshll.u32 s1, $0xD;
	s1 =	sshrl.u32 s1, $0x2  }
0xb9: {  	s3 =	sand.u32 $0x4000, s31;
	s1 =	sadd.s32 s1, s30  }
0xba: {  	s0 =	sor.u32 s3, s0;
	s1 =	sshll.u32 s1, $0x11  }
0xbb: {  	s0 =	sor.u32 s1, s0  }
0xbc: {  	s0 =	sadd.s32 $0x8F2B, s0  }
0xbd: {  	[sflag:s0] =	ssyncadd.remote.s32 $0x1  }
0xbe: {  	_ =	sfence.sel $0xFFFF  }
0xbf: {  	[dreg:$0x0] =	wrdreg $0xFFFFFFFF;
	(pc) =	sbr.abs _section_cstart, $3  }
0xc0: {  	[dreg:$0x1] =	wrdreg $0xFFFFFFFF  }
0xc1: {  	_ =	task.clear_ibuf [dreg:s6], $0x2FFFF;
	_ =	strace $0x9FFFFFFF  }
0xc2: {  	(tm) =	ssettm $0x7FFFFFFF  }
0xc3: {  	_ =	shalt  }
tec
execute0_lowered:
.L_overlay_start_1:
0x0: {  	(tag) =	ssettag $0x1  }
0x1: {  	s0 =	srdreg.scid  }
0x2: {  	s1 =	rddreg [dreg:$0x0];
	s10 =	stileid.u32  }
0x3: {  	s2 =	rddreg [dreg:$0x1];
	s3 =	simm.s32 $0x0;
	s12 =	simm.s32 $0x9  }
0x4: {  	s13 =	simm.s32 $0x5000;
	s14 =	simm.s32 $0x7D;
	s15 =	simm.s32 $0xA000  }
0x5: {  	s17 =	simm.s32 $0xBF40;
	s19 =	simm.s32 $0xDE80;
	s21 =	simm.s32 $0xFDC0  }
0x6: {  	s22 =	simm.s32 $0x1;
	s23 =	simm.s32 $0x5;
	s28 =	simm.s32 $0x6  }
0x7: {  	s30 =	simm.s32 $0x3;
	s16 =	simm.s32 $0x4;
	s5 =	smul.u32 $0xA00, s10  }
0x8: {  	s20 =	simm.s32 $0x8;
	s0 =	sand.u32 $0x1, s0;
	s6 =	smul.u32 $0xA000, s10  }
0x9: {  	s31 =	simm.s32 $0x9F00;
	s18 =	simm.s32 $0x0;
	s4 =	smul.u32 $0x13880, s0  }
0xa: {  	[smem:$0x7FF] =	sst s3;
	s29 =	sshll.u32 s10, $0x6;
	s7 =	smul.u32 $0xA0000, s0  }
0xb: {  	_ =	strace $0x8000004A;
	s0 =	ssub.s32 $0x2, s0;
	s9 =	sadd.s32 s5, s1  }
0xc: {  	s26 =	sshrl.u32 s0, $0x1;
	s11 =	sadd.s32 s6, s2;
	s8 =	sadd.s32 s4, s1  }
0xd: {  	s25 =	sadd.s32 s6, s7;
	s4 =	sadd.s32 $0x3EA00, s1;
	s0 =	ssub.s32 s0, s26  }
0xe: {  	s6 =	sadd.s32 $0xD800, s9;
	s7 =	sadd.s32 $0x3800, s9;
	s11 =	sshrl.u32 s11, $0x3  }
0xf: {  	s5 =	sshrl.u32 s25, $0x3;
	s8 =	sadd.s32 $0x17800, s8;
	s10 =	smax.u32 s0, $0x1  }
0x10: {  	s25 =	simm.s32 $0x2;
	s0 =	simm.s32 $0x9F80;
	s1 =	sadd.s32 s5, s1  }
0x11: {  	s5 =	sor.u32 $0x1C09, s29;
	s9 =	sadd.s32 $0x3FE00, s1;
	s1 =	simm.s32 $0x7  }
.LBB2_1:
0x12: {  	[spmem:s11], [sflag:s5] =	dma.local [hbm:s4], $0x1400  }
0x13: {  	_ =	swait.ge [sflag:s12], $0x1400  }
0x14: {  	[sflag:s12] =	ssyncset.done $0x0  }
0x15: {  	[sflag:s12] =	ssyncadd.s32 $0xFFFFEC00  }
0x16: {  	[tilespmem:s3], [sflag:$0x9] =	stream.linear.gather [hbm4b:s6+s3], $0x5000, $0x38;
	[tilespmem:$0x1BD00] =	vst v63  }
0x17: {  	_ =	swait.ge [sflag:s12], $0x5000  }
0x18: {  	[sflag:s12] =	ssyncset.done $0x0  }
0x19: {  	[sflag:s12] =	ssyncadd.s32 $0xFFFFB000  }
0x1a: {  	[tilespmem:s13], [sflag:$0x9] =	stream.linear.gather [hbm4b:s7+s3], $0x5000, $0x38;
	[tilespmem:$0x1BD00] =	vst v63  }
0x1b: {  	_ =	swait.ge [sflag:s12], $0x5000  }
0x1c: {  	[sflag:s12] =	ssyncset.done $0x0  }
0x1d: {  	[sflag:s12] =	ssyncadd.s32 $0xFFFFB000  }
0x1e: {  	[bflag:$0x0] =	sbarrier.arrive $0xFFFF  }
0x1f: {  	[tilespmem:s15], [sflag:$0x1] =	stream.indirect.gather [hbm4b:s8+s14], $0x40, s3, s14, $0xb8;
	[tilespmem:$0x1BD00] =	vst v63  }
0x20: {  	s24 =	simm.s32 $0x80  }
0x21: {  	[tilespmem:s17], [sflag:$0x2] =	stream.indirect.gather [hbm4b:s8+s14], $0x40, s24, s14, $0xb8;
	[tilespmem:$0x1BD00] =	vst v63  }
0x22: {  	s29 =	simm.s32 $0x100  }
0x23: {  	[tilespmem:s19], [sflag:$0x3] =	stream.indirect.gather [hbm4b:s8+s14], $0x40, s29, s14, $0xb8;
	[tilespmem:$0x1BD00] =	vst v63  }
0x24: {  	s26 =	simm.s32 $0x180  }
0x25: {  	[tilespmem:s21], [sflag:$0x4] =	stream.indirect.gather [hbm4b:s8+s14], $0x40, s26, s14, $0xb8;
	[tilespmem:$0x1BD00] =	vst v63  }
0x26: {  	_ =	swait.ge [sflag:s22], $0x1F40  }
0x27: {  	[sflag:s22] =	ssyncset.done $0x0  }
0x28: {  	[sflag:s22] =	ssyncadd.s32 $0xFFFFE0C0  }
0x29: {  	[spmem:s2] =	stream.indirect.scatter.add.f32 [tilespmem:s15], [sflag:$0x5], $0x40, s13, s14, $0xb8;
	[tilespmem:$0x1BD00] =	vst v63  }
0x2a: {  	_ =	swait.ge [sflag:s23], $0x1F40  }
0x2b: {  	[sflag:s23] =	ssyncset.done $0x0  }
0x2c: {  	s29 =	simm.s32 $0x200;
	[sflag:s23] =	ssyncadd.s32 $0xFFFFE0C0  }
0x2d: {  	[tilespmem:s15], [sflag:$0x1] =	stream.indirect.gather [hbm4b:s8+s14], $0x40, s29, s14, $0xb8;
	[tilespmem:$0x1BD00] =	vst v63  }
0x2e: {  	_ =	swait.ge [sflag:s25], $0x1F40  }
0x2f: {  	[sflag:s25] =	ssyncset.done $0x0  }
0x30: {  	s26 =	simm.s32 $0x5080;
	[sflag:s25] =	ssyncadd.s32 $0xFFFFE0C0  }
0x31: {  	[spmem:s2] =	stream.indirect.scatter.add.f32 [tilespmem:s17], [sflag:$0x6], $0x40, s26, s14, $0xb8;
	[tilespmem:$0x1BD00] =	vst v63  }
0x32: {  	_ =	swait.ge [sflag:s28], $0x1F40  }
0x33: {  	[sflag:s28] =	ssyncset.done $0x0  }
0x34: {  	s29 =	simm.s32 $0x280;
	[sflag:s28] =	ssyncadd.s32 $0xFFFFE0C0  }
0x35: {  	[tilespmem:s17], [sflag:$0x2] =	stream.indirect.gather [hbm4b:s8+s14], $0x40, s29, s14, $0xb8;
	[tilespmem:$0x1BD00] =	vst v63  }
0x36: {  	_ =	swait.ge [sflag:s30], $0x1F40  }
0x37: {  	[sflag:s30] =	ssyncset.done $0x0  }
0x38: {  	s26 =	simm.s32 $0x5100;
	[sflag:s30] =	ssyncadd.s32 $0xFFFFE0C0  }
0x39: {  	[spmem:s2] =	stream.indirect.scatter.add.f32 [tilespmem:s19], [sflag:$0x7], $0x40, s26, s14, $0xb8;
	[tilespmem:$0x1BD00] =	vst v63  }
0x3a: {  	_ =	swait.ge [sflag:s1], $0x1F40  }
0x3b: {  	[sflag:s1] =	ssyncset.done $0x0  }
0x3c: {  	s29 =	simm.s32 $0x300;
	[sflag:s1] =	ssyncadd.s32 $0xFFFFE0C0  }
0x3d: {  	[tilespmem:s19], [sflag:$0x3] =	stream.indirect.gather [hbm4b:s8+s14], $0x40, s29, s14, $0xb8;
	[tilespmem:$0x1BD00] =	vst v63  }
0x3e: {  	_ =	swait.ge [sflag:s16], $0x1F40  }
0x3f: {  	[sflag:s16] =	ssyncset.done $0x0  }
0x40: {  	s26 =	simm.s32 $0x5180;
	[sflag:s16] =	ssyncadd.s32 $0xFFFFE0C0  }
0x41: {  	[spmem:s2] =	stream.indirect.scatter.add.f32 [tilespmem:s21], [sflag:$0x8], $0x40, s26, s14, $0xb8;
	[tilespmem:$0x1BD00] =	vst v63  }
0x42: {  	_ =	swait.ge [sflag:s20], $0x1F40  }
0x43: {  	[sflag:s20] =	ssyncset.done $0x0  }
0x44: {  	s29 =	simm.s32 $0x380;
	[sflag:s20] =	ssyncadd.s32 $0xFFFFE0C0  }
0x45: {  	[tilespmem:s21], [sflag:$0x4] =	stream.indirect.gather [hbm4b:s8+s14], $0x40, s29, s14, $0xb8;
	[tilespmem:$0x1BD00] =	vst v63  }
0x46: {  	_ =	swait.ge [sflag:s22], $0x1F40  }
0x47: {  	[sflag:s22] =	ssyncset.done $0x0  }
0x48: {  	s26 =	simm.s32 $0x5200;
	[sflag:s22] =	ssyncadd.s32 $0xFFFFE0C0  }
0x49: {  	[spmem:s2] =	stream.indirect.scatter.add.f32 [tilespmem:s15], [sflag:$0x5], $0x40, s26, s14, $0xb8;
	[tilespmem:$0x1BD00] =	vst v63  }
0x4a: {  	_ =	swait.ge [sflag:s23], $0x1F40  }
0x4b: {  	[sflag:s23] =	ssyncset.done $0x0  }
0x4c: {  	s29 =	simm.s32 $0x400;
	[sflag:s23] =	ssyncadd.s32 $0xFFFFE0C0  }
0x4d: {  	[tilespmem:s15], [sflag:$0x1] =	stream.indirect.gather [hbm4b:s8+s14], $0x40, s29, s14, $0xb8;
	[tilespmem:$0x1BD00] =	vst v63  }
0x4e: {  	_ =	swait.ge [sflag:s25], $0x1F40  }
0x4f: {  	[sflag:s25] =	ssyncset.done $0x0  }
0x50: {  	s26 =	simm.s32 $0x5280;
	[sflag:s25] =	ssyncadd.s32 $0xFFFFE0C0  }
0x51: {  	[spmem:s2] =	stream.indirect.scatter.add.f32 [tilespmem:s17], [sflag:$0x6], $0x40, s26, s14, $0xb8;
	[tilespmem:$0x1BD00] =	vst v63  }
0x52: {  	_ =	swait.ge [sflag:s28], $0x1F40  }
0x53: {  	[sflag:s28] =	ssyncset.done $0x0  }
0x54: {  	s29 =	simm.s32 $0x480;
	[sflag:s28] =	ssyncadd.s32 $0xFFFFE0C0  }
0x55: {  	[tilespmem:s17], [sflag:$0x2] =	stream.indirect.gather [hbm4b:s8+s14], $0x40, s29, s14, $0xb8;
	[tilespmem:$0x1BD00] =	vst v63  }
0x56: {  	_ =	swait.ge [sflag:s30], $0x1F40  }
0x57: {  	[sflag:s30] =	ssyncset.done $0x0  }
0x58: {  	s26 =	simm.s32 $0x5300;
	[sflag:s30] =	ssyncadd.s32 $0xFFFFE0C0  }
0x59: {  	[spmem:s2] =	stream.indirect.scatter.add.f32 [tilespmem:s19], [sflag:$0x7], $0x40, s26, s14, $0xb8;
	[tilespmem:$0x1BD00] =	vst v63  }
0x5a: {  	_ =	swait.ge [sflag:s1], $0x1F40  }
0x5b: {  	[sflag:s1] =	ssyncset.done $0x0  }
0x5c: {  	s29 =	simm.s32 $0x500;
	[sflag:s1] =	ssyncadd.s32 $0xFFFFE0C0  }
0x5d: {  	[tilespmem:s19], [sflag:$0x3] =	stream.indirect.gather [hbm4b:s8+s14], $0x40, s29, s14, $0xb8;
	[tilespmem:$0x1BD00] =	vst v63  }
0x5e: {  	_ =	swait.ge [sflag:s16], $0x1F40  }
0x5f: {  	[sflag:s16] =	ssyncset.done $0x0  }
0x60: {  	s24 =	simm.s32 $0x800;
	s26 =	simm.s32 $0x5380;
	[sflag:s16] =	ssyncadd.s32 $0xFFFFE0C0  }
.LBB2_2:
0x61: {  	[spmem:s2] =	stream.indirect.scatter.add.f32 [tilespmem:s21], [sflag:$0x8], $0x40, s26, s14, $0xb8;
	[tilespmem:$0x1BD00] =	vst v63  }
0x62: {  	s26 =	smov.u32 s24  }
0x63: {  	p0 =	sne.s32 s24, $0x12800;
	s24 =	sadd.s32 $0x800, s24;
	_ =	swait.ge [sflag:s20], $0x1F40  }
0x64: {  	s26 =	sshra.s32 s26, $0x2;
	[sflag:s20] =	ssyncset.done $0x0  }
0x65: {  	s29 =	sadd.s32 $0x380, s26;
	[sflag:s20] =	ssyncadd.s32 $0xFFFFE0C0  }
0x66: {  	[tilespmem:s21], [sflag:$0x4] =	stream.indirect.gather [hbm4b:s8+s14], $0x40, s29, s14, $0xb8;
	[tilespmem:$0x1BD00] =	vst v63  }
0x67: {  	_ =	swait.ge [sflag:s22], $0x1F40  }
0x68: {  	[sflag:s22] =	ssyncset.done $0x0  }
0x69: {  	s29 =	sadd.s32 $0x5200, s26;
	[sflag:s22] =	ssyncadd.s32 $0xFFFFE0C0  }
0x6a: {  	[spmem:s2] =	stream.indirect.scatter.add.f32 [tilespmem:s15], [sflag:$0x5], $0x40, s29, s14, $0xb8;
	[tilespmem:$0x1BD00] =	vst v63  }
0x6b: {  	_ =	swait.ge [sflag:s23], $0x1F40  }
0x6c: {  	[sflag:s23] =	ssyncset.done $0x0  }
0x6d: {  	s29 =	sadd.s32 $0x400, s26;
	[sflag:s23] =	ssyncadd.s32 $0xFFFFE0C0  }
0x6e: {  	[tilespmem:s15], [sflag:$0x1] =	stream.indirect.gather [hbm4b:s8+s14], $0x40, s29, s14, $0xb8;
	[tilespmem:$0x1BD00] =	vst v63  }
0x6f: {  	_ =	swait.ge [sflag:s25], $0x1F40  }
0x70: {  	[sflag:s25] =	ssyncset.done $0x0  }
0x71: {  	s29 =	sadd.s32 $0x5280, s26;
	[sflag:s25] =	ssyncadd.s32 $0xFFFFE0C0  }
0x72: {  	[spmem:s2] =	stream.indirect.scatter.add.f32 [tilespmem:s17], [sflag:$0x6], $0x40, s29, s14, $0xb8;
	[tilespmem:$0x1BD00] =	vst v63  }
0x73: {  	_ =	swait.ge [sflag:s28], $0x1F40  }
0x74: {  	[sflag:s28] =	ssyncset.done $0x0  }
0x75: {  	s29 =	sadd.s32 $0x480, s26;
	[sflag:s28] =	ssyncadd.s32 $0xFFFFE0C0  }
0x76: {  	[tilespmem:s17], [sflag:$0x2] =	stream.indirect.gather [hbm4b:s8+s14], $0x40, s29, s14, $0xb8;
	[tilespmem:$0x1BD00] =	vst v63  }
0x77: {  	_ =	swait.ge [sflag:s30], $0x1F40  }
0x78: {  	[sflag:s30] =	ssyncset.done $0x0  }
0x79: {  	s29 =	sadd.s32 $0x5300, s26;
	[sflag:s30] =	ssyncadd.s32 $0xFFFFE0C0  }
0x7a: {  	[spmem:s2] =	stream.indirect.scatter.add.f32 [tilespmem:s19], [sflag:$0x7], $0x40, s29, s14, $0xb8;
	[tilespmem:$0x1BD00] =	vst v63  }
0x7b: {  	_ =	swait.ge [sflag:s1], $0x1F40  }
0x7c: {  	[sflag:s1] =	ssyncset.done $0x0  }
.Ltmp0:
0x7d: {  	s29 =	sadd.s32 $0x500, s26;
	[sflag:s1] =	ssyncadd.s32 $0xFFFFE0C0;
	(pc) =	sbr.rel @p0 .LBB2_2-.Ltmp0, $4  }
0x7e: {  	[tilespmem:s19], [sflag:$0x3] =	stream.indirect.gather [hbm4b:s8+s14], $0x40, s29, s14, $0xb8;
	[tilespmem:$0x1BD00] =	vst v63  }
0x7f: {  	_ =	swait.ge [sflag:s16], $0x1F40  }
0x80: {  	[sflag:s16] =	ssyncset.done $0x0  }
0x81: {  	s26 =	sadd.s32 $0x5380, s26;
	[sflag:s16] =	ssyncadd.s32 $0xFFFFE0C0  }
0x82: {  	[spmem:s2] =	stream.indirect.scatter.add.f32 [tilespmem:s21], [sflag:$0x8], $0x40, s26, s14, $0xb8;
	[tilespmem:$0x1BD00] =	vst v63  }
0x83: {  	_ =	swait.ge [sflag:s20], $0x1F40  }
0x84: {  	[sflag:s20] =	ssyncset.done $0x0  }
0x85: {  	s24 =	simm.s32 $0x4F80;
	[sflag:s20] =	ssyncadd.s32 $0xFFFFE0C0  }
0x86: {  	[tilespmem:s21], [sflag:$0x4] =	stream.indirect.gather [hbm4b:s8+s14], $0x40, s24, s14, $0xb8;
	[tilespmem:$0x1BD00] =	vst v63  }
0x87: {  	_ =	swait.ge [sflag:s22], $0x1F40  }
0x88: {  	[sflag:s22] =	ssyncset.done $0x0  }
0x89: {  	s26 =	simm.s32 $0x9E00;
	[sflag:s22] =	ssyncadd.s32 $0xFFFFE0C0  }
0x8a: {  	[spmem:s2] =	stream.indirect.scatter.add.f32 [tilespmem:s15], [sflag:$0x5], $0x40, s26, s14, $0xb8;
	[tilespmem:$0x1BD00] =	vst v63  }
0x8b: {  	_ =	swait.ge [sflag:s23], $0x1F40  }
0x8c: {  	[sflag:s23] =	ssyncset.done $0x0  }
0x8d: {  	[sflag:s23] =	ssyncadd.s32 $0xFFFFE0C0  }
0x8e: {  	_ =	swait.ge [sflag:s25], $0x1F40  }
0x8f: {  	[sflag:s25] =	ssyncset.done $0x0  }
0x90: {  	s29 =	simm.s32 $0x9E80;
	[sflag:s25] =	ssyncadd.s32 $0xFFFFE0C0  }
0x91: {  	[spmem:s2] =	stream.indirect.scatter.add.f32 [tilespmem:s17], [sflag:$0x6], $0x40, s29, s14, $0xb8;
	[tilespmem:$0x1BD00] =	vst v63  }
0x92: {  	_ =	swait.ge [sflag:s28], $0x1F40  }
0x93: {  	[sflag:s28] =	ssyncset.done $0x0  }
0x94: {  	[sflag:s28] =	ssyncadd.s32 $0xFFFFE0C0  }
0x95: {  	_ =	swait.ge [sflag:s30], $0x1F40  }
0x96: {  	[sflag:s30] =	ssyncset.done $0x0  }
0x97: {  	[sflag:s30] =	ssyncadd.s32 $0xFFFFE0C0  }
0x98: {  	[spmem:s2] =	stream.indirect.scatter.add.f32 [tilespmem:s19], [sflag:$0x7], $0x40, s31, s14, $0xb8;
	[tilespmem:$0x1BD00] =	vst v63  }
0x99: {  	_ =	swait.ge [sflag:s1], $0x1F40  }
0x9a: {  	[sflag:s1] =	ssyncset.done $0x0  }
0x9b: {  	[sflag:s1] =	ssyncadd.s32 $0xFFFFE0C0  }
0x9c: {  	_ =	swait.ge [sflag:s16], $0x1F40  }
0x9d: {  	[sflag:s16] =	ssyncset.done $0x0  }
0x9e: {  	[sflag:s16] =	ssyncadd.s32 $0xFFFFE0C0  }
0x9f: {  	[spmem:s2] =	stream.indirect.scatter.add.f32 [tilespmem:s21], [sflag:$0x8], $0x40, s0, s14, $0xb8;
	[tilespmem:$0x1BD00] =	vst v63  }
0xa0: {  	_ =	swait.ge [sflag:s20], $0x1F40  }
0xa1: {  	s18 =	sadd.s32 $0x1, s18;
	[sflag:s20] =	ssyncset.done $0x0  }
0xa2: {  	p0 =	sne.s32 s18, s10;
	[sflag:s20] =	ssyncadd.s32 $0xFFFFE0C0  }
.Ltmp1:
0xa3: {  	[bflag:$0x0] =	sbarrier.arrive $0xFFFF;
	(pc) =	sbr.rel @p0 .LBB2_1-.Ltmp1, $4  }
0xa4: {  	[hbm:s9], [sflag:s5] =	dma.local [spmem:s11], $0x1400  }
0xa5: {  	_ =	swait.ge [sflag:s12], $0x1400  }
0xa6: {  	[sflag:s12] =	ssyncset.done $0x0  }
0xa7: {  	[sflag:s12] =	ssyncadd.s32 $0xFFFFEC00  }
0xa8: {  	_ =	sfence.sel $0x180000  }
0xa9: {  	[bflag:$0x0] =	sbarrier.arrive $0xFFFF  }
0xaa: {  	_ =	strace $0x9000004A  }
0xab: {  	s0 =	stileid.u32;
	[bflag:$0x2] =	sbarrier.arrive $0xFFFF  }
0xac: {  	p0 =	sne.s32 s0, $0x0;
	s0 =	rddreg [dreg:$0x2]  }
0xad: {  	s0 =	sadd.s32 @!p0 $0x100000, s0  }
0xae: {  	[sflag:s0] =	ssyncadd.tile.s32 @!p0 $0x1;
	_ =	shalt  }
.Lfunc_end2:
_tile_overlayer_lowered:
.L_overlay_start_2:
0xaf: {  	(tag) =	ssettag $0x2  }
0xb0: {  	s0 =	rddreg [dreg:$0x0];
	s2 =	stileid.u32  }
0xb1: {  	s1 =	rddreg [dreg:$0x1];
	p0 =	sne.s32 s2, $0x0  }
0xb2: {  	s3 =	rddreg [dreg:$0x2];
	[bflag:$0x3] =	sbarrier.arrive $0xFFFF;
	s2 =	simm.s32 @!p0 $0x1C09  }
0xb3: {  	[timem:s3], [sflag:s2] =	dma.local @!p0 [hbm:s0], s1  }
0xb4: {  	s0 =	simm.s32 @!p0 $0x9  }
0xb5: {  	_ =	swait.ge @!p0 [sflag:s0], s1  }
0xb6: {  	s1 =	ssub.s32 @!p0 $0x0, s1;
	[sflag:s0] =	ssyncset.done @!p0 $0x0  }
0xb7: {  	[sflag:s0] =	ssyncadd.s32 @!p0 s1  }
0xb8: {  	[bflag:$0x3] =	sbarrier.arrive $0xFFFF  }
0xb9: {  	_ =	shalt  }

// kernel: kernel.15.cloned.1.call-start
scs
__scs_entry_jumppad:
0x0: {  	(pc) =	sbr.rel $0x88, $3  }
0x1: {  	(tag) =	ssettag $0x0;
	lr =	simm.s32 $0x1  }
0x2: {  	[smem:$0x3F88] =	sst lr;
	_ =	strace $0xD0000000  }
0x3: {  	_ = 	snop  }
0x4: {  	_ = 	snop  }
0x5: {  	_ = 	snop  }
0x6: {  	_ = 	snop  }
0x7: {  	_ = 	snop  }
__scs_overlays_trampoline_lowered:
0x8: {  	[smem:$0x3F97] =	sst s0  }
0x9: {  	[smem:$0x3F98] =	sst s1  }
0xa: {  	[smem:$0x3F99] =	sst s2  }
0xb: {  	[smem:$0x3F9A] =	sst s3  }
0xc: {  	[smem:$0x3F9B] =	sst s4  }
0xd: {  	[smem:$0x3F9C] =	sst s5  }
0xe: {  	[smem:$0x3F9D] =	sst s6  }
0xf: {  	[smem:$0x3F9E] =	sst s7  }
0x10: {  	[smem:$0x3F9F] =	sst s8  }
0x11: {  	[smem:$0x3FA0] =	sst s9;
	s0 =	simm.s32 @!p0 $0x0  }
0x12: {  	s1 =	sld [smem:$0x3F86];
	s0 =	simm.s32 @p0 $0x1  }
0x13: {  	[smem:$0x3FA1] =	sst s0;
	s0 =	simm.s32 @!p1 $0x0  }
0x14: {  	s2 =	sld [smem:$0x3F85];
	s0 =	simm.s32 @p1 $0x1  }
0x15: {  	[smem:$0x3FA2] =	sst s0;
	s0 =	simm.s32 @!p2 $0x0  }
0x16: {  	s3 =	sld [smem:$0x3FDB];
	s0 =	simm.s32 @p2 $0x1  }
0x17: {  	s4 =	simm.s32 $0x1BF5;
	[smem:$0x3FA4] =	sst s0  }
0x18: {  	s0 =	sld [smem:$0x3F87];
	_ =	swait.ge [sflag:s4], $0x0  }
0x19: {  	s7 =	sld [smem:$0x3F88]  }
0x1a: {  	s8 =	sadd.s32 $0xFFFFE003, lr  }
0x1b: {  	s9 =	sadd.s32 $0xFFFFFEF7, lr;
	s5 =	simm.s32 $0xFFFFFFFF;
	p2 =	slt.u32 s8, $0xFFFFF086  }
0x1c: {  	p1 =	slt.u32 s9, $0xF7A;
	s5 =	simm.s32 @!p2 $0x0  }
0x1d: {  	s5 =	simm.s32 @p1 $0x1;
	p0 =	seq.s32 s7, s2  }
0x1e: {  	s7 =	smul.u32 @!p0 $0xF7A, s2;
	p2 =	seq.s32 @!p0 s5, $0x0  }
0x1f: {  	s9 =	smul.u32 $0xF7A, s1;
	s8 =	simm.s32 @!p0 $0x1BF5;
	p2 =	por !p2, p0  }
0x20: {  	[sflag:s8] =	ssyncset.s32 @!p0 $0xFFFFF086;
	s6 =	sadd.s32 @!p0 s3, s7;
	s7 =	simm.s32 @!p0 $0x108  }
0x21: {  	s3 =	sadd.s32 s3, s9;
	s6 =	sadd.s32 @!p0 $0x88, s6;
	s7 =	simm.s32 @p2 $0x1082  }
0x22: {  	[simem:s7], [sflag:s8] =	dma.local @!p0 [hbm:s6], $0xF7A  }
0x23: {  	s9 =	sor.u32 $0xD0000000, s2;
	s6 =	simm.s32 $0x108;
	_ =	swait.ge @!p0 [sflag:s8], $0x0  }
0x24: {  	s3 =	sadd.s32 $0x88, s3;
	s6 =	simm.s32 @!p1 $0x1082;
	[sflag:s4] =	ssyncset.s32 $0xFFFFF086  }
0x25: {  	[simem:s6], [sflag:s4] =	dma.local [hbm:s3], $0xF7A  }
0x26: {  	[smem:$0x3F88] =	sst s1;
	(tag) =	ssettag s2;
	_ =	strace s9  }
0x27: {  	s1 =	sld [smem:$0x3F98]  }
0x28: {  	s2 =	sld [smem:$0x3F99]  }
0x29: {  	s4 =	sld [smem:$0x3F9B]  }
0x2a: {  	p0 =	seq.s32 s5, $0x0;
	s5 =	sld [smem:$0x3F9C]  }
0x2b: {  	s6 =	sld [smem:$0x3F9D]  }
0x2c: {  	s7 =	sld [smem:$0x3F9E]  }
0x2d: {  	s3 =	simm.s32 $0x108;
	s8 =	sld [smem:$0x3F9F]  }
0x2e: {  	s3 =	simm.s32 @!p0 $0x1082;
	s9 =	sld [smem:$0x3FA0]  }
0x2f: {  	lr =	sadd.s32 s0, s3;
	s0 =	sld [smem:$0x3F97]  }
0x30: {  	s3 =	sld [smem:$0x3F9A]  }
0x31: {  	[smem:$0x3FA3] =	sst s10  }
0x32: {  	s10 =	sld [smem:$0x3FA1];
	_ =	sdelay $0x3  }
0x33: {  	p0 =	seq.s32 s10, $0x1;
	s10 =	sld [smem:$0x3FA3];
	_ =	sdelay $0x3  }
0x34: {  	[smem:$0x3FA3] =	sst s10  }
0x35: {  	s10 =	sld [smem:$0x3FA2];
	_ =	sdelay $0x3  }
0x36: {  	p1 =	seq.s32 s10, $0x1;
	s10 =	sld [smem:$0x3FA3];
	_ =	sdelay $0x3  }
0x37: {  	[smem:$0x3FA3] =	sst s10  }
0x38: {  	s10 =	sld [smem:$0x3FA4]  }
0x39: {  	_ = 	snop;
	(pc) =	sbr.ind lr, $3  }
0x3a: {  	_ = 	snop  }
0x3b: {  	_ = 	snop  }
0x3c: {  	p2 =	seq.s32 s10, $0x1;
	s10 =	sld [smem:$0x3FA3]  }
0x3d: {  	_ =	shalt  }
0x3e: {  	_ =	shalt  }
0x3f: {  	_ =	shalt  }
0x40: {  	_ =	shalt  }
0x41: {  	_ =	shalt  }
0x42: {  	_ =	shalt  }
0x43: {  	_ =	shalt  }
0x44: {  	_ =	shalt  }
0x45: {  	_ =	shalt  }
0x46: {  	_ =	shalt  }
0x47: {  	_ =	shalt  }
0x48: {  	_ =	shalt  }
0x49: {  	_ =	shalt  }
0x4a: {  	_ =	shalt  }
0x4b: {  	_ =	shalt  }
0x4c: {  	_ =	shalt  }
0x4d: {  	_ =	shalt  }
0x4e: {  	_ =	shalt  }
0x4f: {  	_ =	shalt  }
0x50: {  	_ =	shalt  }
0x51: {  	_ =	shalt  }
0x52: {  	_ =	shalt  }
0x53: {  	_ =	shalt  }
0x54: {  	_ =	shalt  }
0x55: {  	_ =	shalt  }
0x56: {  	_ =	shalt  }
0x57: {  	_ =	shalt  }
0x58: {  	_ =	shalt  }
0x59: {  	_ =	shalt  }
0x5a: {  	_ =	shalt  }
0x5b: {  	_ =	shalt  }
0x5c: {  	_ =	shalt  }
0x5d: {  	_ =	shalt  }
0x5e: {  	_ =	shalt  }
0x5f: {  	_ =	shalt  }
0x60: {  	_ =	shalt  }
0x61: {  	_ =	shalt  }
0x62: {  	_ =	shalt  }
0x63: {  	_ =	shalt  }
0x64: {  	_ =	shalt  }
0x65: {  	_ =	shalt  }
0x66: {  	_ =	shalt  }
0x67: {  	_ =	shalt  }
0x68: {  	_ =	shalt  }
0x69: {  	_ =	shalt  }
0x6a: {  	_ =	shalt  }
0x6b: {  	_ =	shalt  }
0x6c: {  	_ =	shalt  }
0x6d: {  	_ =	shalt  }
0x6e: {  	_ =	shalt  }
0x6f: {  	_ =	shalt  }
0x70: {  	_ =	shalt  }
0x71: {  	_ =	shalt  }
0x72: {  	_ =	shalt  }
0x73: {  	_ =	shalt  }
0x74: {  	_ =	shalt  }
0x75: {  	_ =	shalt  }
0x76: {  	_ =	shalt  }
0x77: {  	_ =	shalt  }
0x78: {  	_ =	shalt  }
0x79: {  	_ =	shalt  }
0x7a: {  	_ =	shalt  }
0x7b: {  	_ =	shalt  }
0x7c: {  	_ =	shalt  }
0x7d: {  	_ =	shalt  }
0x7e: {  	_ =	shalt  }
0x7f: {  	_ =	shalt  }
0x80: {  	_ =	shalt  }
0x81: {  	_ =	shalt  }
0x82: {  	_ =	shalt  }
0x83: {  	_ =	shalt  }
0x84: {  	_ =	shalt  }
0x85: {  	_ =	shalt  }
0x86: {  	_ =	shalt  }
0x87: {  	_ =	shalt  }
.Lfunc_end0:
.L_simem_size_0:
called_computation.2_lowered:
.L_overlay_start_0:
0x88: {  	s2 =	sld [smem:$0x3FD9]  }
0x89: {  	s3 =	sld [smem:$0x3FFE];
	_ =	sdelay $0x1  }
0x8a: {  	s1 =	srdreg.scid  }
0x8b: {  	s0 =	sand.u32 $0x1, s1  }
0x8c: {  	s16 =	sshll.u32 s0, $0xA;
	s2 =	sadd.s32 s3, s2  }
0x8d: {  	s2 =	sadd.s32 s2, s16  }
0x8e: {  	[smem:$0x3FAF] =	sst s2  }
0x8f: {  	_ = 	snop  }
0x90: {  	(tm) =	ssettm $0x1  }
0x91: {  	s17 =	sld [smem:$0x3FFB];
	_ =	sdelay $0x3  }
0x92: {  	_ =	strace s17  }
0x93: {  	s2 =	sld [smem:$0x3FFC];
	_ =	sdelay $0x3  }
0x94: {  	_ =	strace s2  }
0x95: {  	s2 =	sld [smem:$0x3FFD];
	_ =	sdelay $0x3  }
0x96: {  	_ =	strace s2  }
0x97: {  	_ =	strace $0x8FFFFFFF  }
0x98: {  	s18 =	sld [smem:$0x3FDB];
	_ =	sdelay $0x1  }
0x99: {  	s19 =	simm.s32 $_scs_section_size  }
0x9a: {  	s4 =	simm.s32 $_size__tile_overlayer_lowered;
	s5 =	simm.s32 $_tile_overlayer_lowered  }
0x9b: {  	s22 =	simm.s32 $0x1BFF;
	s21 =	sshll.u32 s5, $0x1;
	s2 =	sadd.s32 s19, s18  }
0x9c: {  	s6 =	simm.s32 $0x0;
	s20 =	sshll.u32 s4, $0x1;
	s4 =	sadd.s32 s21, s2  }
0x9d: {  	[timem:s6], [sflag:s22] =	dma.local [hbm:s4], s20  }
0x9e: {  	_ =	swait.ge [sflag:s22], s20  }
0x9f: {  	s3 =	ssub.s32 $0x0, s20;
	[sflag:s22] =	ssyncset.done $0x0  }
0xa0: {  	[sflag:s22] =	ssyncadd.s32 s3;
	_ =	sdelay $0x1  }
0xa1: {  	s23 =	simm.s32 $0x1B8B  }
0xa2: {  	_ =	swait.ge [sflag:s23], $0x1  }
0xa3: {  	[sflag:s23] =	ssyncset.done $0x0  }
0xa4: {  	s25 =	simm.s32 $0x1B8E;
	s24 =	sld [smem:$0x3FFE];
	[sflag:s23] =	ssyncadd.s32 $0xFFFFFFFF  }
0xa5: {  	s26 =	simm.s32 $execute0_lowered;
	[smem:$0x3FD2] =	sst s25  }
0xa6: {  	s4 =	sshll.u32 s26, $0x1;
	_ =	strace $0x8000004C;
	[dreg:$0x1] =	wrdreg $0xFFFFFFFF  }
0xa7: {  	s28 =	simm.s32 $_size_execute0_lowered;
	s2 =	sadd.s32 s2, s4;
	[dreg:$0x0] =	wrdreg $0x0  }
0xa8: {  	s4 =	sshll.u32 s28, $0x1;
	[dreg:$0x2] =	wrdreg s2  }
0xa9: {  	[dreg:$0x3] =	wrdreg s4  }
0xaa: {  	[dreg:$0x4] =	wrdreg $0xC0  }
0xab: {  	_ =	task [dreg:s6], $0x5FFFF  }
0xac: {  	[dreg:$0x1] =	wrdreg $0xFFFFFFFF  }
0xad: {  	[dreg:$0x0] =	wrdreg $0x60  }
0xae: {  	[dreg:$0x2] =	wrdreg s24  }
0xaf: {  	[dreg:$0x3] =	wrdreg $0x11D000  }
0xb0: {  	[dreg:$0x4] =	wrdreg $0x9  }
0xb1: {  	_ =	task.clear_ibuf [dreg:s6], $0x5FFFF;
	_ =	strace $0x9000004C  }
0xb2: {  	s29 =	simm.s32 $0x9;
	_ =	strace $0x8000004E  }
0xb3: {  	_ =	swait.ge [sflag:s29], $0x1  }
0xb4: {  	[sflag:s29] =	ssyncadd.s32 $0xFFFFFFFF  }
0xb5: {  	_ =	strace $0x9000004E  }
0xb6: {  	_ =	sfence  }
0xb7: {  	s30 =	sld [smem:$0x0];
	_ =	sdelay $0x2  }
0xb8: {  	s31 =	sshll.u32 s1, $0xD;
	s1 =	sshrl.u32 s1, $0x2  }
0xb9: {  	s3 =	sand.u32 $0x4000, s31;
	s1 =	sadd.s32 s1, s30  }
0xba: {  	s0 =	sor.u32 s3, s0;
	s1 =	sshll.u32 s1, $0x11  }
0xbb: {  	s0 =	sor.u32 s1, s0  }
0xbc: {  	s0 =	sadd.s32 $0x8F2B, s0  }
0xbd: {  	[sflag:s0] =	ssyncadd.remote.s32 $0x1  }
0xbe: {  	_ =	sfence.sel $0xFFFF  }
0xbf: {  	[dreg:$0x0] =	wrdreg $0xFFFFFFFF;
	(pc) =	sbr.abs _section_cstart, $3  }
0xc0: {  	[dreg:$0x1] =	wrdreg $0xFFFFFFFF  }
0xc1: {  	_ =	task.clear_ibuf [dreg:s6], $0x2FFFF;
	_ =	strace $0x9FFFFFFF  }
0xc2: {  	(tm) =	ssettm $0x7FFFFFFF  }
0xc3: {  	_ =	shalt  }
tec
execute0_lowered:
.L_overlay_start_1:
0x0: {  	(tag) =	ssettag $0x1  }
0x1: {  	s0 =	srdreg.scid  }
0x2: {  	s1 =	rddreg [dreg:$0x0];
	s10 =	stileid.u32  }
0x3: {  	s2 =	rddreg [dreg:$0x1];
	s3 =	simm.s32 $0x0;
	s12 =	simm.s32 $0x9  }
0x4: {  	s13 =	simm.s32 $0x5000;
	s14 =	simm.s32 $0x7D;
	s15 =	simm.s32 $0xA000  }
0x5: {  	s17 =	simm.s32 $0xBF40;
	s19 =	simm.s32 $0xDE80;
	s21 =	simm.s32 $0xFDC0  }
0x6: {  	s22 =	simm.s32 $0x1;
	s23 =	simm.s32 $0x5;
	s28 =	simm.s32 $0x6  }
0x7: {  	s30 =	simm.s32 $0x3;
	s16 =	simm.s32 $0x4;
	s5 =	smul.u32 $0xA00, s10  }
0x8: {  	s20 =	simm.s32 $0x8;
	s0 =	sand.u32 $0x1, s0;
	s6 =	smul.u32 $0xA000, s10  }
0x9: {  	s31 =	simm.s32 $0x9F00;
	s18 =	simm.s32 $0x0;
	s4 =	smul.u32 $0x13880, s0  }
0xa: {  	[smem:$0x7FF] =	sst s3;
	s29 =	sshll.u32 s10, $0x6;
	s7 =	smul.u32 $0xA0000, s0  }
0xb: {  	_ =	strace $0x8000004D;
	s0 =	ssub.s32 $0x2, s0;
	s9 =	sadd.s32 s5, s1  }
0xc: {  	s26 =	sshrl.u32 s0, $0x1;
	s11 =	sadd.s32 s6, s2;
	s8 =	sadd.s32 s4, s1  }
0xd: {  	s25 =	sadd.s32 s6, s7;
	s4 =	sadd.s32 $0x3EA00, s1;
	s0 =	ssub.s32 s0, s26  }
0xe: {  	s6 =	sadd.s32 $0xD800, s9;
	s7 =	sadd.s32 $0x3800, s9;
	s11 =	sshrl.u32 s11, $0x3  }
0xf: {  	s5 =	sshrl.u32 s25, $0x3;
	s8 =	sadd.s32 $0x17800, s8;
	s10 =	smax.u32 s0, $0x1  }
0x10: {  	s25 =	simm.s32 $0x2;
	s0 =	simm.s32 $0x9F80;
	s1 =	sadd.s32 s5, s1  }
0x11: {  	s5 =	sor.u32 $0x1C09, s29;
	s9 =	sadd.s32 $0x3FE00, s1;
	s1 =	simm.s32 $0x7  }
.LBB2_1:
0x12: {  	[spmem:s11], [sflag:s5] =	dma.local [hbm:s4], $0x1400  }
0x13: {  	_ =	swait.ge [sflag:s12], $0x1400  }
0x14: {  	[sflag:s12] =	ssyncset.done $0x0  }
0x15: {  	[sflag:s12] =	ssyncadd.s32 $0xFFFFEC00  }
0x16: {  	[tilespmem:s3], [sflag:$0x9] =	stream.linear.gather [hbm4b:s6+s3], $0x5000, $0x38;
	[tilespmem:$0x1BD00] =	vst v63  }
0x17: {  	_ =	swait.ge [sflag:s12], $0x5000  }
0x18: {  	[sflag:s12] =	ssyncset.done $0x0  }
0x19: {  	[sflag:s12] =	ssyncadd.s32 $0xFFFFB000  }
0x1a: {  	[tilespmem:s13], [sflag:$0x9] =	stream.linear.gather [hbm4b:s7+s3], $0x5000, $0x38;
	[tilespmem:$0x1BD00] =	vst v63  }
0x1b: {  	_ =	swait.ge [sflag:s12], $0x5000  }
0x1c: {  	[sflag:s12] =	ssyncset.done $0x0  }
0x1d: {  	[sflag:s12] =	ssyncadd.s32 $0xFFFFB000  }
0x1e: {  	[bflag:$0x0] =	sbarrier.arrive $0xFFFF  }
0x1f: {  	[tilespmem:s15], [sflag:$0x1] =	stream.indirect.gather [hbm4b:s8+s14], $0x40, s3, s14, $0xb8;
	[tilespmem:$0x1BD00] =	vst v63  }
0x20: {  	s24 =	simm.s32 $0x80  }
0x21: {  	[tilespmem:s17], [sflag:$0x2] =	stream.indirect.gather [hbm4b:s8+s14], $0x40, s24, s14, $0xb8;
	[tilespmem:$0x1BD00] =	vst v63  }
0x22: {  	s29 =	simm.s32 $0x100  }
0x23: {  	[tilespmem:s19], [sflag:$0x3] =	stream.indirect.gather [hbm4b:s8+s14], $0x40, s29, s14, $0xb8;
	[tilespmem:$0x1BD00] =	vst v63  }
0x24: {  	s26 =	simm.s32 $0x180  }
0x25: {  	[tilespmem:s21], [sflag:$0x4] =	stream.indirect.gather [hbm4b:s8+s14], $0x40, s26, s14, $0xb8;
	[tilespmem:$0x1BD00] =	vst v63  }
0x26: {  	_ =	swait.ge [sflag:s22], $0x1F40  }
0x27: {  	[sflag:s22] =	ssyncset.done $0x0  }
0x28: {  	[sflag:s22] =	ssyncadd.s32 $0xFFFFE0C0  }
0x29: {  	[spmem:s2] =	stream.indirect.scatter.add.f32 [tilespmem:s15], [sflag:$0x5], $0x40, s13, s14, $0xb8;
	[tilespmem:$0x1BD00] =	vst v63  }
0x2a: {  	_ =	swait.ge [sflag:s23], $0x1F40  }
0x2b: {  	[sflag:s23] =	ssyncset.done $0x0  }
0x2c: {  	s29 =	simm.s32 $0x200;
	[sflag:s23] =	ssyncadd.s32 $0xFFFFE0C0  }
0x2d: {  	[tilespmem:s15], [sflag:$0x1] =	stream.indirect.gather [hbm4b:s8+s14], $0x40, s29, s14, $0xb8;
	[tilespmem:$0x1BD00] =	vst v63  }
0x2e: {  	_ =	swait.ge [sflag:s25], $0x1F40  }
0x2f: {  	[sflag:s25] =	ssyncset.done $0x0  }
0x30: {  	s26 =	simm.s32 $0x5080;
	[sflag:s25] =	ssyncadd.s32 $0xFFFFE0C0  }
0x31: {  	[spmem:s2] =	stream.indirect.scatter.add.f32 [tilespmem:s17], [sflag:$0x6], $0x40, s26, s14, $0xb8;
	[tilespmem:$0x1BD00] =	vst v63  }
0x32: {  	_ =	swait.ge [sflag:s28], $0x1F40  }
0x33: {  	[sflag:s28] =	ssyncset.done $0x0  }
0x34: {  	s29 =	simm.s32 $0x280;
	[sflag:s28] =	ssyncadd.s32 $0xFFFFE0C0  }
0x35: {  	[tilespmem:s17], [sflag:$0x2] =	stream.indirect.gather [hbm4b:s8+s14], $0x40, s29, s14, $0xb8;
	[tilespmem:$0x1BD00] =	vst v63  }
0x36: {  	_ =	swait.ge [sflag:s30], $0x1F40  }
0x37: {  	[sflag:s30] =	ssyncset.done $0x0  }
0x38: {  	s26 =	simm.s32 $0x5100;
	[sflag:s30] =	ssyncadd.s32 $0xFFFFE0C0  }
0x39: {  	[spmem:s2] =	stream.indirect.scatter.add.f32 [tilespmem:s19], [sflag:$0x7], $0x40, s26, s14, $0xb8;
	[tilespmem:$0x1BD00] =	vst v63  }
0x3a: {  	_ =	swait.ge [sflag:s1], $0x1F40  }
0x3b: {  	[sflag:s1] =	ssyncset.done $0x0  }
0x3c: {  	s29 =	simm.s32 $0x300;
	[sflag:s1] =	ssyncadd.s32 $0xFFFFE0C0  }
0x3d: {  	[tilespmem:s19], [sflag:$0x3] =	stream.indirect.gather [hbm4b:s8+s14], $0x40, s29, s14, $0xb8;
	[tilespmem:$0x1BD00] =	vst v63  }
0x3e: {  	_ =	swait.ge [sflag:s16], $0x1F40  }
0x3f: {  	[sflag:s16] =	ssyncset.done $0x0  }
0x40: {  	s26 =	simm.s32 $0x5180;
	[sflag:s16] =	ssyncadd.s32 $0xFFFFE0C0  }
0x41: {  	[spmem:s2] =	stream.indirect.scatter.add.f32 [tilespmem:s21], [sflag:$0x8], $0x40, s26, s14, $0xb8;
	[tilespmem:$0x1BD00] =	vst v63  }
0x42: {  	_ =	swait.ge [sflag:s20], $0x1F40  }
0x43: {  	[sflag:s20] =	ssyncset.done $0x0  }
0x44: {  	s29 =	simm.s32 $0x380;
	[sflag:s20] =	ssyncadd.s32 $0xFFFFE0C0  }
0x45: {  	[tilespmem:s21], [sflag:$0x4] =	stream.indirect.gather [hbm4b:s8+s14], $0x40, s29, s14, $0xb8;
	[tilespmem:$0x1BD00] =	vst v63  }
0x46: {  	_ =	swait.ge [sflag:s22], $0x1F40  }
0x47: {  	[sflag:s22] =	ssyncset.done $0x0  }
0x48: {  	s26 =	simm.s32 $0x5200;
	[sflag:s22] =	ssyncadd.s32 $0xFFFFE0C0  }
0x49: {  	[spmem:s2] =	stream.indirect.scatter.add.f32 [tilespmem:s15], [sflag:$0x5], $0x40, s26, s14, $0xb8;
	[tilespmem:$0x1BD00] =	vst v63  }
0x4a: {  	_ =	swait.ge [sflag:s23], $0x1F40  }
0x4b: {  	[sflag:s23] =	ssyncset.done $0x0  }
0x4c: {  	s29 =	simm.s32 $0x400;
	[sflag:s23] =	ssyncadd.s32 $0xFFFFE0C0  }
0x4d: {  	[tilespmem:s15], [sflag:$0x1] =	stream.indirect.gather [hbm4b:s8+s14], $0x40, s29, s14, $0xb8;
	[tilespmem:$0x1BD00] =	vst v63  }
0x4e: {  	_ =	swait.ge [sflag:s25], $0x1F40  }
0x4f: {  	[sflag:s25] =	ssyncset.done $0x0  }
0x50: {  	s26 =	simm.s32 $0x5280;
	[sflag:s25] =	ssyncadd.s32 $0xFFFFE0C0  }
0x51: {  	[spmem:s2] =	stream.indirect.scatter.add.f32 [tilespmem:s17], [sflag:$0x6], $0x40, s26, s14, $0xb8;
	[tilespmem:$0x1BD00] =	vst v63  }
0x52: {  	_ =	swait.ge [sflag:s28], $0x1F40  }
0x53: {  	[sflag:s28] =	ssyncset.done $0x0  }
0x54: {  	s29 =	simm.s32 $0x480;
	[sflag:s28] =	ssyncadd.s32 $0xFFFFE0C0  }
0x55: {  	[tilespmem:s17], [sflag:$0x2] =	stream.indirect.gather [hbm4b:s8+s14], $0x40, s29, s14, $0xb8;
	[tilespmem:$0x1BD00] =	vst v63  }
0x56: {  	_ =	swait.ge [sflag:s30], $0x1F40  }
0x57: {  	[sflag:s30] =	ssyncset.done $0x0  }
0x58: {  	s26 =	simm.s32 $0x5300;
	[sflag:s30] =	ssyncadd.s32 $0xFFFFE0C0  }
0x59: {  	[spmem:s2] =	stream.indirect.scatter.add.f32 [tilespmem:s19], [sflag:$0x7], $0x40, s26, s14, $0xb8;
	[tilespmem:$0x1BD00] =	vst v63  }
0x5a: {  	_ =	swait.ge [sflag:s1], $0x1F40  }
0x5b: {  	[sflag:s1] =	ssyncset.done $0x0  }
0x5c: {  	s29 =	simm.s32 $0x500;
	[sflag:s1] =	ssyncadd.s32 $0xFFFFE0C0  }
0x5d: {  	[tilespmem:s19], [sflag:$0x3] =	stream.indirect.gather [hbm4b:s8+s14], $0x40, s29, s14, $0xb8;
	[tilespmem:$0x1BD00] =	vst v63  }
0x5e: {  	_ =	swait.ge [sflag:s16], $0x1F40  }
0x5f: {  	[sflag:s16] =	ssyncset.done $0x0  }
0x60: {  	s24 =	simm.s32 $0x800;
	s26 =	simm.s32 $0x5380;
	[sflag:s16] =	ssyncadd.s32 $0xFFFFE0C0  }
.LBB2_2:
0x61: {  	[spmem:s2] =	stream.indirect.scatter.add.f32 [tilespmem:s21], [sflag:$0x8], $0x40, s26, s14, $0xb8;
	[tilespmem:$0x1BD00] =	vst v63  }
0x62: {  	s26 =	smov.u32 s24  }
0x63: {  	p0 =	sne.s32 s24, $0x12800;
	s24 =	sadd.s32 $0x800, s24;
	_ =	swait.ge [sflag:s20], $0x1F40  }
0x64: {  	s26 =	sshra.s32 s26, $0x2;
	[sflag:s20] =	ssyncset.done $0x0  }
0x65: {  	s29 =	sadd.s32 $0x380, s26;
	[sflag:s20] =	ssyncadd.s32 $0xFFFFE0C0  }
0x66: {  	[tilespmem:s21], [sflag:$0x4] =	stream.indirect.gather [hbm4b:s8+s14], $0x40, s29, s14, $0xb8;
	[tilespmem:$0x1BD00] =	vst v63  }
0x67: {  	_ =	swait.ge [sflag:s22], $0x1F40  }
0x68: {  	[sflag:s22] =	ssyncset.done $0x0  }
0x69: {  	s29 =	sadd.s32 $0x5200, s26;
	[sflag:s22] =	ssyncadd.s32 $0xFFFFE0C0  }
0x6a: {  	[spmem:s2] =	stream.indirect.scatter.add.f32 [tilespmem:s15], [sflag:$0x5], $0x40, s29, s14, $0xb8;
	[tilespmem:$0x1BD00] =	vst v63  }
0x6b: {  	_ =	swait.ge [sflag:s23], $0x1F40  }
0x6c: {  	[sflag:s23] =	ssyncset.done $0x0  }
0x6d: {  	s29 =	sadd.s32 $0x400, s26;
	[sflag:s23] =	ssyncadd.s32 $0xFFFFE0C0  }
0x6e: {  	[tilespmem:s15], [sflag:$0x1] =	stream.indirect.gather [hbm4b:s8+s14], $0x40, s29, s14, $0xb8;
	[tilespmem:$0x1BD00] =	vst v63  }
0x6f: {  	_ =	swait.ge [sflag:s25], $0x1F40  }
0x70: {  	[sflag:s25] =	ssyncset.done $0x0  }
0x71: {  	s29 =	sadd.s32 $0x5280, s26;
	[sflag:s25] =	ssyncadd.s32 $0xFFFFE0C0  }
0x72: {  	[spmem:s2] =	stream.indirect.scatter.add.f32 [tilespmem:s17], [sflag:$0x6], $0x40, s29, s14, $0xb8;
	[tilespmem:$0x1BD00] =	vst v63  }
0x73: {  	_ =	swait.ge [sflag:s28], $0x1F40  }
0x74: {  	[sflag:s28] =	ssyncset.done $0x0  }
0x75: {  	s29 =	sadd.s32 $0x480, s26;
	[sflag:s28] =	ssyncadd.s32 $0xFFFFE0C0  }
0x76: {  	[tilespmem:s17], [sflag:$0x2] =	stream.indirect.gather [hbm4b:s8+s14], $0x40, s29, s14, $0xb8;
	[tilespmem:$0x1BD00] =	vst v63  }
0x77: {  	_ =	swait.ge [sflag:s30], $0x1F40  }
0x78: {  	[sflag:s30] =	ssyncset.done $0x0  }
0x79: {  	s29 =	sadd.s32 $0x5300, s26;
	[sflag:s30] =	ssyncadd.s32 $0xFFFFE0C0  }
0x7a: {  	[spmem:s2] =	stream.indirect.scatter.add.f32 [tilespmem:s19], [sflag:$0x7], $0x40, s29, s14, $0xb8;
	[tilespmem:$0x1BD00] =	vst v63  }
0x7b: {  	_ =	swait.ge [sflag:s1], $0x1F40  }
0x7c: {  	[sflag:s1] =	ssyncset.done $0x0  }
.Ltmp0:
0x7d: {  	s29 =	sadd.s32 $0x500, s26;
	[sflag:s1] =	ssyncadd.s32 $0xFFFFE0C0;
	(pc) =	sbr.rel @p0 .LBB2_2-.Ltmp0, $4  }
0x7e: {  	[tilespmem:s19], [sflag:$0x3] =	stream.indirect.gather [hbm4b:s8+s14], $0x40, s29, s14, $0xb8;
	[tilespmem:$0x1BD00] =	vst v63  }
0x7f: {  	_ =	swait.ge [sflag:s16], $0x1F40  }
0x80: {  	[sflag:s16] =	ssyncset.done $0x0  }
0x81: {  	s26 =	sadd.s32 $0x5380, s26;
	[sflag:s16] =	ssyncadd.s32 $0xFFFFE0C0  }
0x82: {  	[spmem:s2] =	stream.indirect.scatter.add.f32 [tilespmem:s21], [sflag:$0x8], $0x40, s26, s14, $0xb8;
	[tilespmem:$0x1BD00] =	vst v63  }
0x83: {  	_ =	swait.ge [sflag:s20], $0x1F40  }
0x84: {  	[sflag:s20] =	ssyncset.done $0x0  }
0x85: {  	s24 =	simm.s32 $0x4F80;
	[sflag:s20] =	ssyncadd.s32 $0xFFFFE0C0  }
0x86: {  	[tilespmem:s21], [sflag:$0x4] =	stream.indirect.gather [hbm4b:s8+s14], $0x40, s24, s14, $0xb8;
	[tilespmem:$0x1BD00] =	vst v63  }
0x87: {  	_ =	swait.ge [sflag:s22], $0x1F40  }
0x88: {  	[sflag:s22] =	ssyncset.done $0x0  }
0x89: {  	s26 =	simm.s32 $0x9E00;
	[sflag:s22] =	ssyncadd.s32 $0xFFFFE0C0  }
0x8a: {  	[spmem:s2] =	stream.indirect.scatter.add.f32 [tilespmem:s15], [sflag:$0x5], $0x40, s26, s14, $0xb8;
	[tilespmem:$0x1BD00] =	vst v63  }
0x8b: {  	_ =	swait.ge [sflag:s23], $0x1F40  }
0x8c: {  	[sflag:s23] =	ssyncset.done $0x0  }
0x8d: {  	[sflag:s23] =	ssyncadd.s32 $0xFFFFE0C0  }
0x8e: {  	_ =	swait.ge [sflag:s25], $0x1F40  }
0x8f: {  	[sflag:s25] =	ssyncset.done $0x0  }
0x90: {  	s29 =	simm.s32 $0x9E80;
	[sflag:s25] =	ssyncadd.s32 $0xFFFFE0C0  }
0x91: {  	[spmem:s2] =	stream.indirect.scatter.add.f32 [tilespmem:s17], [sflag:$0x6], $0x40, s29, s14, $0xb8;
	[tilespmem:$0x1BD00] =	vst v63  }
0x92: {  	_ =	swait.ge [sflag:s28], $0x1F40  }
0x93: {  	[sflag:s28] =	ssyncset.done $0x0  }
0x94: {  	[sflag:s28] =	ssyncadd.s32 $0xFFFFE0C0  }
0x95: {  	_ =	swait.ge [sflag:s30], $0x1F40  }
0x96: {  	[sflag:s30] =	ssyncset.done $0x0  }
0x97: {  	[sflag:s30] =	ssyncadd.s32 $0xFFFFE0C0  }
0x98: {  	[spmem:s2] =	stream.indirect.scatter.add.f32 [tilespmem:s19], [sflag:$0x7], $0x40, s31, s14, $0xb8;
	[tilespmem:$0x1BD00] =	vst v63  }
0x99: {  	_ =	swait.ge [sflag:s1], $0x1F40  }
0x9a: {  	[sflag:s1] =	ssyncset.done $0x0  }
0x9b: {  	[sflag:s1] =	ssyncadd.s32 $0xFFFFE0C0  }
0x9c: {  	_ =	swait.ge [sflag:s16], $0x1F40  }
0x9d: {  	[sflag:s16] =	ssyncset.done $0x0  }
0x9e: {  	[sflag:s16] =	ssyncadd.s32 $0xFFFFE0C0  }
0x9f: {  	[spmem:s2] =	stream.indirect.scatter.add.f32 [tilespmem:s21], [sflag:$0x8], $0x40, s0, s14, $0xb8;
	[tilespmem:$0x1BD00] =	vst v63  }
0xa0: {  	_ =	swait.ge [sflag:s20], $0x1F40  }
0xa1: {  	s18 =	sadd.s32 $0x1, s18;
	[sflag:s20] =	ssyncset.done $0x0  }
0xa2: {  	p0 =	sne.s32 s18, s10;
	[sflag:s20] =	ssyncadd.s32 $0xFFFFE0C0  }
.Ltmp1:
0xa3: {  	[bflag:$0x0] =	sbarrier.arrive $0xFFFF;
	(pc) =	sbr.rel @p0 .LBB2_1-.Ltmp1, $4  }
0xa4: {  	[hbm:s9], [sflag:s5] =	dma.local [spmem:s11], $0x1400  }
0xa5: {  	_ =	swait.ge [sflag:s12], $0x1400  }
0xa6: {  	[sflag:s12] =	ssyncset.done $0x0  }
0xa7: {  	[sflag:s12] =	ssyncadd.s32 $0xFFFFEC00  }
0xa8: {  	_ =	sfence.sel $0x180000  }
0xa9: {  	[bflag:$0x0] =	sbarrier.arrive $0xFFFF  }
0xaa: {  	_ =	strace $0x9000004D  }
0xab: {  	s0 =	stileid.u32;
	[bflag:$0x2] =	sbarrier.arrive $0xFFFF  }
0xac: {  	p0 =	sne.s32 s0, $0x0;
	s0 =	rddreg [dreg:$0x2]  }
0xad: {  	s0 =	sadd.s32 @!p0 $0x100000, s0  }
0xae: {  	[sflag:s0] =	ssyncadd.tile.s32 @!p0 $0x1;
	_ =	shalt  }
.Lfunc_end2:
_tile_overlayer_lowered:
.L_overlay_start_2:
0xaf: {  	(tag) =	ssettag $0x2  }
0xb0: {  	s0 =	rddreg [dreg:$0x0];
	s2 =	stileid.u32  }
0xb1: {  	s1 =	rddreg [dreg:$0x1];
	p0 =	sne.s32 s2, $0x0  }
0xb2: {  	s3 =	rddreg [dreg:$0x2];
	[bflag:$0x3] =	sbarrier.arrive $0xFFFF;
	s2 =	simm.s32 @!p0 $0x1C09  }
0xb3: {  	[timem:s3], [sflag:s2] =	dma.local @!p0 [hbm:s0], s1  }
0xb4: {  	s0 =	simm.s32 @!p0 $0x9  }
0xb5: {  	_ =	swait.ge @!p0 [sflag:s0], s1  }
0xb6: {  	s1 =	ssub.s32 @!p0 $0x0, s1;
	[sflag:s0] =	ssyncset.done @!p0 $0x0  }
0xb7: {  	[sflag:s0] =	ssyncadd.s32 @!p0 s1  }
0xb8: {  	[bflag:$0x3] =	sbarrier.arrive $0xFFFF  }
0xb9: {  	_ =	shalt  }

// kernel: kernel.9.cloned.1.call-start
scs
__scs_entry_jumppad:
0x0: {  	(pc) =	sbr.rel $0x88, $3  }
0x1: {  	(tag) =	ssettag $0x0;
	lr =	simm.s32 $0x1  }
0x2: {  	[smem:$0x3F88] =	sst lr;
	_ =	strace $0xD0000000  }
0x3: {  	_ = 	snop  }
0x4: {  	_ = 	snop  }
0x5: {  	_ = 	snop  }
0x6: {  	_ = 	snop  }
0x7: {  	_ = 	snop  }
__scs_overlays_trampoline_lowered:
0x8: {  	[smem:$0x3F97] =	sst s0  }
0x9: {  	[smem:$0x3F98] =	sst s1  }
0xa: {  	[smem:$0x3F99] =	sst s2  }
0xb: {  	[smem:$0x3F9A] =	sst s3  }
0xc: {  	[smem:$0x3F9B] =	sst s4  }
0xd: {  	[smem:$0x3F9C] =	sst s5  }
0xe: {  	[smem:$0x3F9D] =	sst s6  }
0xf: {  	[smem:$0x3F9E] =	sst s7  }
0x10: {  	[smem:$0x3F9F] =	sst s8  }
0x11: {  	[smem:$0x3FA0] =	sst s9;
	s0 =	simm.s32 @!p0 $0x0  }
0x12: {  	s1 =	sld [smem:$0x3F86];
	s0 =	simm.s32 @p0 $0x1  }
0x13: {  	[smem:$0x3FA1] =	sst s0;
	s0 =	simm.s32 @!p1 $0x0  }
0x14: {  	s2 =	sld [smem:$0x3F85];
	s0 =	simm.s32 @p1 $0x1  }
0x15: {  	[smem:$0x3FA2] =	sst s0;
	s0 =	simm.s32 @!p2 $0x0  }
0x16: {  	s3 =	sld [smem:$0x3FDB];
	s0 =	simm.s32 @p2 $0x1  }
0x17: {  	s4 =	simm.s32 $0x1BF5;
	[smem:$0x3FA4] =	sst s0  }
0x18: {  	s0 =	sld [smem:$0x3F87];
	_ =	swait.ge [sflag:s4], $0x0  }
0x19: {  	s7 =	sld [smem:$0x3F88]  }
0x1a: {  	s8 =	sadd.s32 $0xFFFFE003, lr  }
0x1b: {  	s9 =	sadd.s32 $0xFFFFFEF7, lr;
	s5 =	simm.s32 $0xFFFFFFFF;
	p2 =	slt.u32 s8, $0xFFFFF086  }
0x1c: {  	p1 =	slt.u32 s9, $0xF7A;
	s5 =	simm.s32 @!p2 $0x0  }
0x1d: {  	s5 =	simm.s32 @p1 $0x1;
	p0 =	seq.s32 s7, s2  }
0x1e: {  	s7 =	smul.u32 @!p0 $0xF7A, s2;
	p2 =	seq.s32 @!p0 s5, $0x0  }
0x1f: {  	s9 =	smul.u32 $0xF7A, s1;
	s8 =	simm.s32 @!p0 $0x1BF5;
	p2 =	por !p2, p0  }
0x20: {  	[sflag:s8] =	ssyncset.s32 @!p0 $0xFFFFF086;
	s6 =	sadd.s32 @!p0 s3, s7;
	s7 =	simm.s32 @!p0 $0x108  }
0x21: {  	s3 =	sadd.s32 s3, s9;
	s6 =	sadd.s32 @!p0 $0x88, s6;
	s7 =	simm.s32 @p2 $0x1082  }
0x22: {  	[simem:s7], [sflag:s8] =	dma.local @!p0 [hbm:s6], $0xF7A  }
0x23: {  	s9 =	sor.u32 $0xD0000000, s2;
	s6 =	simm.s32 $0x108;
	_ =	swait.ge @!p0 [sflag:s8], $0x0  }
0x24: {  	s3 =	sadd.s32 $0x88, s3;
	s6 =	simm.s32 @!p1 $0x1082;
	[sflag:s4] =	ssyncset.s32 $0xFFFFF086  }
0x25: {  	[simem:s6], [sflag:s4] =	dma.local [hbm:s3], $0xF7A  }
0x26: {  	[smem:$0x3F88] =	sst s1;
	(tag) =	ssettag s2;
	_ =	strace s9  }
0x27: {  	s1 =	sld [smem:$0x3F98]  }
0x28: {  	s2 =	sld [smem:$0x3F99]  }
0x29: {  	s4 =	sld [smem:$0x3F9B]  }
0x2a: {  	p0 =	seq.s32 s5, $0x0;
	s5 =	sld [smem:$0x3F9C]  }
0x2b: {  	s6 =	sld [smem:$0x3F9D]  }
0x2c: {  	s7 =	sld [smem:$0x3F9E]  }
0x2d: {  	s3 =	simm.s32 $0x108;
	s8 =	sld [smem:$0x3F9F]  }
0x2e: {  	s3 =	simm.s32 @!p0 $0x1082;
	s9 =	sld [smem:$0x3FA0]  }
0x2f: {  	lr =	sadd.s32 s0, s3;
	s0 =	sld [smem:$0x3F97]  }
0x30: {  	s3 =	sld [smem:$0x3F9A]  }
0x31: {  	[smem:$0x3FA3] =	sst s10  }
0x32: {  	s10 =	sld [smem:$0x3FA1];
	_ =	sdelay $0x3  }
0x33: {  	p0 =	seq.s32 s10, $0x1;
	s10 =	sld [smem:$0x3FA3];
	_ =	sdelay $0x3  }
0x34: {  	[smem:$0x3FA3] =	sst s10  }
0x35: {  	s10 =	sld [smem:$0x3FA2];
	_ =	sdelay $0x3  }
0x36: {  	p1 =	seq.s32 s10, $0x1;
	s10 =	sld [smem:$0x3FA3];
	_ =	sdelay $0x3  }
0x37: {  	[smem:$0x3FA3] =	sst s10  }
0x38: {  	s10 =	sld [smem:$0x3FA4]  }
0x39: {  	_ = 	snop;
	(pc) =	sbr.ind lr, $3  }
0x3a: {  	_ = 	snop  }
0x3b: {  	_ = 	snop  }
0x3c: {  	p2 =	seq.s32 s10, $0x1;
	s10 =	sld [smem:$0x3FA3]  }
0x3d: {  	_ =	shalt  }
0x3e: {  	_ =	shalt  }
0x3f: {  	_ =	shalt  }
0x40: {  	_ =	shalt  }
0x41: {  	_ =	shalt  }
0x42: {  	_ =	shalt  }
0x43: {  	_ =	shalt  }
0x44: {  	_ =	shalt  }
0x45: {  	_ =	shalt  }
0x46: {  	_ =	shalt  }
0x47: {  	_ =	shalt  }
0x48: {  	_ =	shalt  }
0x49: {  	_ =	shalt  }
0x4a: {  	_ =	shalt  }
0x4b: {  	_ =	shalt  }
0x4c: {  	_ =	shalt  }
0x4d: {  	_ =	shalt  }
0x4e: {  	_ =	shalt  }
0x4f: {  	_ =	shalt  }
0x50: {  	_ =	shalt  }
0x51: {  	_ =	shalt  }
0x52: {  	_ =	shalt  }
0x53: {  	_ =	shalt  }
0x54: {  	_ =	shalt  }
0x55: {  	_ =	shalt  }
0x56: {  	_ =	shalt  }
0x57: {  	_ =	shalt  }
0x58: {  	_ =	shalt  }
0x59: {  	_ =	shalt  }
0x5a: {  	_ =	shalt  }
0x5b: {  	_ =	shalt  }
0x5c: {  	_ =	shalt  }
0x5d: {  	_ =	shalt  }
0x5e: {  	_ =	shalt  }
0x5f: {  	_ =	shalt  }
0x60: {  	_ =	shalt  }
0x61: {  	_ =	shalt  }
0x62: {  	_ =	shalt  }
0x63: {  	_ =	shalt  }
0x64: {  	_ =	shalt  }
0x65: {  	_ =	shalt  }
0x66: {  	_ =	shalt  }
0x67: {  	_ =	shalt  }
0x68: {  	_ =	shalt  }
0x69: {  	_ =	shalt  }
0x6a: {  	_ =	shalt  }
0x6b: {  	_ =	shalt  }
0x6c: {  	_ =	shalt  }
0x6d: {  	_ =	shalt  }
0x6e: {  	_ =	shalt  }
0x6f: {  	_ =	shalt  }
0x70: {  	_ =	shalt  }
0x71: {  	_ =	shalt  }
0x72: {  	_ =	shalt  }
0x73: {  	_ =	shalt  }
0x74: {  	_ =	shalt  }
0x75: {  	_ =	shalt  }
0x76: {  	_ =	shalt  }
0x77: {  	_ =	shalt  }
0x78: {  	_ =	shalt  }
0x79: {  	_ =	shalt  }
0x7a: {  	_ =	shalt  }
0x7b: {  	_ =	shalt  }
0x7c: {  	_ =	shalt  }
0x7d: {  	_ =	shalt  }
0x7e: {  	_ =	shalt  }
0x7f: {  	_ =	shalt  }
0x80: {  	_ =	shalt  }
0x81: {  	_ =	shalt  }
0x82: {  	_ =	shalt  }
0x83: {  	_ =	shalt  }
0x84: {  	_ =	shalt  }
0x85: {  	_ =	shalt  }
0x86: {  	_ =	shalt  }
0x87: {  	_ =	shalt  }
.Lfunc_end0:
.L_simem_size_0:
called_computation_lowered:
.L_overlay_start_0:
0x88: {  	s2 =	sld [smem:$0x3FD9]  }
0x89: {  	s3 =	sld [smem:$0x3FFE];
	_ =	sdelay $0x1  }
0x8a: {  	s1 =	srdreg.scid  }
0x8b: {  	s0 =	sand.u32 $0x1, s1  }
0x8c: {  	s16 =	sshll.u32 s0, $0xA;
	s2 =	sadd.s32 s3, s2  }
0x8d: {  	s2 =	sadd.s32 s2, s16  }
0x8e: {  	[smem:$0x3FAF] =	sst s2  }
0x8f: {  	_ = 	snop  }
0x90: {  	(tm) =	ssettm $0x1  }
0x91: {  	s17 =	sld [smem:$0x3FFB];
	_ =	sdelay $0x3  }
0x92: {  	_ =	strace s17  }
0x93: {  	s2 =	sld [smem:$0x3FFC];
	_ =	sdelay $0x3  }
0x94: {  	_ =	strace s2  }
0x95: {  	s2 =	sld [smem:$0x3FFD];
	_ =	sdelay $0x3  }
0x96: {  	_ =	strace s2  }
0x97: {  	_ =	strace $0x8FFFFFFF  }
0x98: {  	s18 =	sld [smem:$0x3FDB];
	_ =	sdelay $0x1  }
0x99: {  	s19 =	simm.s32 $_scs_section_size  }
0x9a: {  	s4 =	simm.s32 $_size__tile_overlayer_lowered;
	s5 =	simm.s32 $_tile_overlayer_lowered  }
0x9b: {  	s22 =	simm.s32 $0x1BFF;
	s21 =	sshll.u32 s5, $0x1;
	s2 =	sadd.s32 s19, s18  }
0x9c: {  	s6 =	simm.s32 $0x0;
	s20 =	sshll.u32 s4, $0x1;
	s4 =	sadd.s32 s21, s2  }
0x9d: {  	[timem:s6], [sflag:s22] =	dma.local [hbm:s4], s20  }
0x9e: {  	_ =	swait.ge [sflag:s22], s20  }
0x9f: {  	s3 =	ssub.s32 $0x0, s20;
	[sflag:s22] =	ssyncset.done $0x0  }
0xa0: {  	[sflag:s22] =	ssyncadd.s32 s3;
	_ =	sdelay $0x1  }
0xa1: {  	s23 =	simm.s32 $0x1B8B  }
0xa2: {  	_ =	swait.ge [sflag:s23], $0x1  }
0xa3: {  	[sflag:s23] =	ssyncset.done $0x0  }
0xa4: {  	s25 =	simm.s32 $0x1B8E;
	s24 =	sld [smem:$0x3FFE];
	[sflag:s23] =	ssyncadd.s32 $0xFFFFFFFF  }
0xa5: {  	s26 =	simm.s32 $execute0_lowered;
	[smem:$0x3FD2] =	sst s25  }
0xa6: {  	s4 =	sshll.u32 s26, $0x1;
	_ =	strace $0x80000046;
	[dreg:$0x1] =	wrdreg $0xFFFFFFFF  }
0xa7: {  	s28 =	simm.s32 $_size_execute0_lowered;
	s2 =	sadd.s32 s2, s4;
	[dreg:$0x0] =	wrdreg $0x0  }
0xa8: {  	s4 =	sshll.u32 s28, $0x1;
	[dreg:$0x2] =	wrdreg s2  }
0xa9: {  	[dreg:$0x3] =	wrdreg s4  }
0xaa: {  	[dreg:$0x4] =	wrdreg $0xC0  }
0xab: {  	_ =	task [dreg:s6], $0x5FFFF  }
0xac: {  	[dreg:$0x1] =	wrdreg $0xFFFFFFFF  }
0xad: {  	[dreg:$0x0] =	wrdreg $0x60  }
0xae: {  	[dreg:$0x2] =	wrdreg s24  }
0xaf: {  	[dreg:$0x3] =	wrdreg $0x11D000  }
0xb0: {  	[dreg:$0x4] =	wrdreg $0x9  }
0xb1: {  	_ =	task.clear_ibuf [dreg:s6], $0x5FFFF;
	_ =	strace $0x90000046  }
0xb2: {  	s29 =	simm.s32 $0x9;
	_ =	strace $0x80000048  }
0xb3: {  	_ =	swait.ge [sflag:s29], $0x1  }
0xb4: {  	[sflag:s29] =	ssyncadd.s32 $0xFFFFFFFF  }
0xb5: {  	_ =	strace $0x90000048  }
0xb6: {  	_ =	sfence  }
0xb7: {  	s30 =	sld [smem:$0x0];
	_ =	sdelay $0x2  }
0xb8: {  	s31 =	sshll.u32 s1, $0xD;
	s1 =	sshrl.u32 s1, $0x2  }
0xb9: {  	s3 =	sand.u32 $0x4000, s31;
	s1 =	sadd.s32 s1, s30  }
0xba: {  	s0 =	sor.u32 s3, s0;
	s1 =	sshll.u32 s1, $0x11  }
0xbb: {  	s0 =	sor.u32 s1, s0  }
0xbc: {  	s0 =	sadd.s32 $0x8F2B, s0  }
0xbd: {  	[sflag:s0] =	ssyncadd.remote.s32 $0x1  }
0xbe: {  	_ =	sfence.sel $0xFFFF  }
0xbf: {  	[dreg:$0x0] =	wrdreg $0xFFFFFFFF;
	(pc) =	sbr.abs _section_cstart, $3  }
0xc0: {  	[dreg:$0x1] =	wrdreg $0xFFFFFFFF  }
0xc1: {  	_ =	task.clear_ibuf [dreg:s6], $0x2FFFF;
	_ =	strace $0x9FFFFFFF  }
0xc2: {  	(tm) =	ssettm $0x7FFFFFFF  }
0xc3: {  	_ =	shalt  }
tec
execute0_lowered:
.L_overlay_start_1:
0x0: {  	(tag) =	ssettag $0x1  }
0x1: {  	s0 =	srdreg.scid  }
0x2: {  	s1 =	rddreg [dreg:$0x0];
	s10 =	stileid.u32  }
0x3: {  	s2 =	rddreg [dreg:$0x1];
	s3 =	simm.s32 $0x0;
	s12 =	simm.s32 $0x9  }
0x4: {  	s13 =	simm.s32 $0x5000;
	s14 =	simm.s32 $0x7D;
	s15 =	simm.s32 $0xA000  }
0x5: {  	s17 =	simm.s32 $0xBF40;
	s19 =	simm.s32 $0xDE80;
	s21 =	simm.s32 $0xFDC0  }
0x6: {  	s22 =	simm.s32 $0x1;
	s23 =	simm.s32 $0x5;
	s28 =	simm.s32 $0x6  }
0x7: {  	s30 =	simm.s32 $0x3;
	s16 =	simm.s32 $0x4;
	s5 =	smul.u32 $0xA00, s10  }
0x8: {  	s20 =	simm.s32 $0x8;
	s0 =	sand.u32 $0x1, s0;
	s6 =	smul.u32 $0xA000, s10  }
0x9: {  	s31 =	simm.s32 $0x9F00;
	s18 =	simm.s32 $0x0;
	s4 =	smul.u32 $0x13880, s0  }
0xa: {  	[smem:$0x7FF] =	sst s3;
	s29 =	sshll.u32 s10, $0x6;
	s7 =	smul.u32 $0xA0000, s0  }
0xb: {  	_ =	strace $0x80000047;
	s0 =	ssub.s32 $0x2, s0;
	s9 =	sadd.s32 s5, s1  }
0xc: {  	s26 =	sshrl.u32 s0, $0x1;
	s11 =	sadd.s32 s6, s2;
	s8 =	sadd.s32 s4, s1  }
0xd: {  	s25 =	sadd.s32 s6, s7;
	s4 =	sadd.s32 $0x3EA00, s1;
	s0 =	ssub.s32 s0, s26  }
0xe: {  	s6 =	sadd.s32 $0xD800, s9;
	s7 =	sadd.s32 $0x3800, s9;
	s11 =	sshrl.u32 s11, $0x3  }
0xf: {  	s5 =	sshrl.u32 s25, $0x3;
	s8 =	sadd.s32 $0x17800, s8;
	s10 =	smax.u32 s0, $0x1  }
0x10: {  	s25 =	simm.s32 $0x2;
	s0 =	simm.s32 $0x9F80;
	s1 =	sadd.s32 s5, s1  }
0x11: {  	s5 =	sor.u32 $0x1C09, s29;
	s9 =	sadd.s32 $0x3FE00, s1;
	s1 =	simm.s32 $0x7  }
.LBB2_1:
0x12: {  	[spmem:s11], [sflag:s5] =	dma.local [hbm:s4], $0x1400  }
0x13: {  	_ =	swait.ge [sflag:s12], $0x1400  }
0x14: {  	[sflag:s12] =	ssyncset.done $0x0  }
0x15: {  	[sflag:s12] =	ssyncadd.s32 $0xFFFFEC00  }
0x16: {  	[tilespmem:s3], [sflag:$0x9] =	stream.linear.gather [hbm4b:s6+s3], $0x5000, $0x38;
	[tilespmem:$0x1BD00] =	vst v63  }
0x17: {  	_ =	swait.ge [sflag:s12], $0x5000  }
0x18: {  	[sflag:s12] =	ssyncset.done $0x0  }
0x19: {  	[sflag:s12] =	ssyncadd.s32 $0xFFFFB000  }
0x1a: {  	[tilespmem:s13], [sflag:$0x9] =	stream.linear.gather [hbm4b:s7+s3], $0x5000, $0x38;
	[tilespmem:$0x1BD00] =	vst v63  }
0x1b: {  	_ =	swait.ge [sflag:s12], $0x5000  }
0x1c: {  	[sflag:s12] =	ssyncset.done $0x0  }
0x1d: {  	[sflag:s12] =	ssyncadd.s32 $0xFFFFB000  }
0x1e: {  	[bflag:$0x0] =	sbarrier.arrive $0xFFFF  }
0x1f: {  	[tilespmem:s15], [sflag:$0x1] =	stream.indirect.gather [hbm4b:s8+s14], $0x40, s3, s14, $0xb8;
	[tilespmem:$0x1BD00] =	vst v63  }
0x20: {  	s24 =	simm.s32 $0x80  }
0x21: {  	[tilespmem:s17], [sflag:$0x2] =	stream.indirect.gather [hbm4b:s8+s14], $0x40, s24, s14, $0xb8;
	[tilespmem:$0x1BD00] =	vst v63  }
0x22: {  	s29 =	simm.s32 $0x100  }
0x23: {  	[tilespmem:s19], [sflag:$0x3] =	stream.indirect.gather [hbm4b:s8+s14], $0x40, s29, s14, $0xb8;
	[tilespmem:$0x1BD00] =	vst v63  }
0x24: {  	s26 =	simm.s32 $0x180  }
0x25: {  	[tilespmem:s21], [sflag:$0x4] =	stream.indirect.gather [hbm4b:s8+s14], $0x40, s26, s14, $0xb8;
	[tilespmem:$0x1BD00] =	vst v63  }
0x26: {  	_ =	swait.ge [sflag:s22], $0x1F40  }
0x27: {  	[sflag:s22] =	ssyncset.done $0x0  }
0x28: {  	[sflag:s22] =	ssyncadd.s32 $0xFFFFE0C0  }
0x29: {  	[spmem:s2] =	stream.indirect.scatter.add.f32 [tilespmem:s15], [sflag:$0x5], $0x40, s13, s14, $0xb8;
	[tilespmem:$0x1BD00] =	vst v63  }
0x2a: {  	_ =	swait.ge [sflag:s23], $0x1F40  }
0x2b: {  	[sflag:s23] =	ssyncset.done $0x0  }
0x2c: {  	s29 =	simm.s32 $0x200;
	[sflag:s23] =	ssyncadd.s32 $0xFFFFE0C0  }
0x2d: {  	[tilespmem:s15], [sflag:$0x1] =	stream.indirect.gather [hbm4b:s8+s14], $0x40, s29, s14, $0xb8;
	[tilespmem:$0x1BD00] =	vst v63  }
0x2e: {  	_ =	swait.ge [sflag:s25], $0x1F40  }
0x2f: {  	[sflag:s25] =	ssyncset.done $0x0  }
0x30: {  	s26 =	simm.s32 $0x5080;
	[sflag:s25] =	ssyncadd.s32 $0xFFFFE0C0  }
0x31: {  	[spmem:s2] =	stream.indirect.scatter.add.f32 [tilespmem:s17], [sflag:$0x6], $0x40, s26, s14, $0xb8;
	[tilespmem:$0x1BD00] =	vst v63  }
0x32: {  	_ =	swait.ge [sflag:s28], $0x1F40  }
0x33: {  	[sflag:s28] =	ssyncset.done $0x0  }
0x34: {  	s29 =	simm.s32 $0x280;
	[sflag:s28] =	ssyncadd.s32 $0xFFFFE0C0  }
0x35: {  	[tilespmem:s17], [sflag:$0x2] =	stream.indirect.gather [hbm4b:s8+s14], $0x40, s29, s14, $0xb8;
	[tilespmem:$0x1BD00] =	vst v63  }
0x36: {  	_ =	swait.ge [sflag:s30], $0x1F40  }
0x37: {  	[sflag:s30] =	ssyncset.done $0x0  }
0x38: {  	s26 =	simm.s32 $0x5100;
	[sflag:s30] =	ssyncadd.s32 $0xFFFFE0C0  }
0x39: {  	[spmem:s2] =	stream.indirect.scatter.add.f32 [tilespmem:s19], [sflag:$0x7], $0x40, s26, s14, $0xb8;
	[tilespmem:$0x1BD00] =	vst v63  }
0x3a: {  	_ =	swait.ge [sflag:s1], $0x1F40  }
0x3b: {  	[sflag:s1] =	ssyncset.done $0x0  }
0x3c: {  	s29 =	simm.s32 $0x300;
	[sflag:s1] =	ssyncadd.s32 $0xFFFFE0C0  }
0x3d: {  	[tilespmem:s19], [sflag:$0x3] =	stream.indirect.gather [hbm4b:s8+s14], $0x40, s29, s14, $0xb8;
	[tilespmem:$0x1BD00] =	vst v63  }
0x3e: {  	_ =	swait.ge [sflag:s16], $0x1F40  }
0x3f: {  	[sflag:s16] =	ssyncset.done $0x0  }
0x40: {  	s26 =	simm.s32 $0x5180;
	[sflag:s16] =	ssyncadd.s32 $0xFFFFE0C0  }
0x41: {  	[spmem:s2] =	stream.indirect.scatter.add.f32 [tilespmem:s21], [sflag:$0x8], $0x40, s26, s14, $0xb8;
	[tilespmem:$0x1BD00] =	vst v63  }
0x42: {  	_ =	swait.ge [sflag:s20], $0x1F40  }
0x43: {  	[sflag:s20] =	ssyncset.done $0x0  }
0x44: {  	s29 =	simm.s32 $0x380;
	[sflag:s20] =	ssyncadd.s32 $0xFFFFE0C0  }
0x45: {  	[tilespmem:s21], [sflag:$0x4] =	stream.indirect.gather [hbm4b:s8+s14], $0x40, s29, s14, $0xb8;
	[tilespmem:$0x1BD00] =	vst v63  }
0x46: {  	_ =	swait.ge [sflag:s22], $0x1F40  }
0x47: {  	[sflag:s22] =	ssyncset.done $0x0  }
0x48: {  	s26 =	simm.s32 $0x5200;
	[sflag:s22] =	ssyncadd.s32 $0xFFFFE0C0  }
0x49: {  	[spmem:s2] =	stream.indirect.scatter.add.f32 [tilespmem:s15], [sflag:$0x5], $0x40, s26, s14, $0xb8;
	[tilespmem:$0x1BD00] =	vst v63  }
0x4a: {  	_ =	swait.ge [sflag:s23], $0x1F40  }
0x4b: {  	[sflag:s23] =	ssyncset.done $0x0  }
0x4c: {  	s29 =	simm.s32 $0x400;
	[sflag:s23] =	ssyncadd.s32 $0xFFFFE0C0  }
0x4d: {  	[tilespmem:s15], [sflag:$0x1] =	stream.indirect.gather [hbm4b:s8+s14], $0x40, s29, s14, $0xb8;
	[tilespmem:$0x1BD00] =	vst v63  }
0x4e: {  	_ =	swait.ge [sflag:s25], $0x1F40  }
0x4f: {  	[sflag:s25] =	ssyncset.done $0x0  }
0x50: {  	s26 =	simm.s32 $0x5280;
	[sflag:s25] =	ssyncadd.s32 $0xFFFFE0C0  }
0x51: {  	[spmem:s2] =	stream.indirect.scatter.add.f32 [tilespmem:s17], [sflag:$0x6], $0x40, s26, s14, $0xb8;
	[tilespmem:$0x1BD00] =	vst v63  }
0x52: {  	_ =	swait.ge [sflag:s28], $0x1F40  }
0x53: {  	[sflag:s28] =	ssyncset.done $0x0  }
0x54: {  	s29 =	simm.s32 $0x480;
	[sflag:s28] =	ssyncadd.s32 $0xFFFFE0C0  }
0x55: {  	[tilespmem:s17], [sflag:$0x2] =	stream.indirect.gather [hbm4b:s8+s14], $0x40, s29, s14, $0xb8;
	[tilespmem:$0x1BD00] =	vst v63  }
0x56: {  	_ =	swait.ge [sflag:s30], $0x1F40  }
0x57: {  	[sflag:s30] =	ssyncset.done $0x0  }
0x58: {  	s26 =	simm.s32 $0x5300;
	[sflag:s30] =	ssyncadd.s32 $0xFFFFE0C0  }
0x59: {  	[spmem:s2] =	stream.indirect.scatter.add.f32 [tilespmem:s19], [sflag:$0x7], $0x40, s26, s14, $0xb8;
	[tilespmem:$0x1BD00] =	vst v63  }
0x5a: {  	_ =	swait.ge [sflag:s1], $0x1F40  }
0x5b: {  	[sflag:s1] =	ssyncset.done $0x0  }
0x5c: {  	s29 =	simm.s32 $0x500;
	[sflag:s1] =	ssyncadd.s32 $0xFFFFE0C0  }
0x5d: {  	[tilespmem:s19], [sflag:$0x3] =	stream.indirect.gather [hbm4b:s8+s14], $0x40, s29, s14, $0xb8;
	[tilespmem:$0x1BD00] =	vst v63  }
0x5e: {  	_ =	swait.ge [sflag:s16], $0x1F40  }
0x5f: {  	[sflag:s16] =	ssyncset.done $0x0  }
0x60: {  	s24 =	simm.s32 $0x800;
	s26 =	simm.s32 $0x5380;
	[sflag:s16] =	ssyncadd.s32 $0xFFFFE0C0  }
.LBB2_2:
0x61: {  	[spmem:s2] =	stream.indirect.scatter.add.f32 [tilespmem:s21], [sflag:$0x8], $0x40, s26, s14, $0xb8;
	[tilespmem:$0x1BD00] =	vst v63  }
0x62: {  	s26 =	smov.u32 s24  }
0x63: {  	p0 =	sne.s32 s24, $0x12800;
	s24 =	sadd.s32 $0x800, s24;
	_ =	swait.ge [sflag:s20], $0x1F40  }
0x64: {  	s26 =	sshra.s32 s26, $0x2;
	[sflag:s20] =	ssyncset.done $0x0  }
0x65: {  	s29 =	sadd.s32 $0x380, s26;
	[sflag:s20] =	ssyncadd.s32 $0xFFFFE0C0  }
0x66: {  	[tilespmem:s21], [sflag:$0x4] =	stream.indirect.gather [hbm4b:s8+s14], $0x40, s29, s14, $0xb8;
	[tilespmem:$0x1BD00] =	vst v63  }
0x67: {  	_ =	swait.ge [sflag:s22], $0x1F40  }
0x68: {  	[sflag:s22] =	ssyncset.done $0x0  }
0x69: {  	s29 =	sadd.s32 $0x5200, s26;
	[sflag:s22] =	ssyncadd.s32 $0xFFFFE0C0  }
0x6a: {  	[spmem:s2] =	stream.indirect.scatter.add.f32 [tilespmem:s15], [sflag:$0x5], $0x40, s29, s14, $0xb8;
	[tilespmem:$0x1BD00] =	vst v63  }
0x6b: {  	_ =	swait.ge [sflag:s23], $0x1F40  }
0x6c: {  	[sflag:s23] =	ssyncset.done $0x0  }
0x6d: {  	s29 =	sadd.s32 $0x400, s26;
	[sflag:s23] =	ssyncadd.s32 $0xFFFFE0C0  }
0x6e: {  	[tilespmem:s15], [sflag:$0x1] =	stream.indirect.gather [hbm4b:s8+s14], $0x40, s29, s14, $0xb8;
	[tilespmem:$0x1BD00] =	vst v63  }
0x6f: {  	_ =	swait.ge [sflag:s25], $0x1F40  }
0x70: {  	[sflag:s25] =	ssyncset.done $0x0  }
0x71: {  	s29 =	sadd.s32 $0x5280, s26;
	[sflag:s25] =	ssyncadd.s32 $0xFFFFE0C0  }
0x72: {  	[spmem:s2] =	stream.indirect.scatter.add.f32 [tilespmem:s17], [sflag:$0x6], $0x40, s29, s14, $0xb8;
	[tilespmem:$0x1BD00] =	vst v63  }
0x73: {  	_ =	swait.ge [sflag:s28], $0x1F40  }
0x74: {  	[sflag:s28] =	ssyncset.done $0x0  }
0x75: {  	s29 =	sadd.s32 $0x480, s26;
	[sflag:s28] =	ssyncadd.s32 $0xFFFFE0C0  }
0x76: {  	[tilespmem:s17], [sflag:$0x2] =	stream.indirect.gather [hbm4b:s8+s14], $0x40, s29, s14, $0xb8;
	[tilespmem:$0x1BD00] =	vst v63  }
0x77: {  	_ =	swait.ge [sflag:s30], $0x1F40  }
0x78: {  	[sflag:s30] =	ssyncset.done $0x0  }
0x79: {  	s29 =	sadd.s32 $0x5300, s26;
	[sflag:s30] =	ssyncadd.s32 $0xFFFFE0C0  }
0x7a: {  	[spmem:s2] =	stream.indirect.scatter.add.f32 [tilespmem:s19], [sflag:$0x7], $0x40, s29, s14, $0xb8;
	[tilespmem:$0x1BD00] =	vst v63  }
0x7b: {  	_ =	swait.ge [sflag:s1], $0x1F40  }
0x7c: {  	[sflag:s1] =	ssyncset.done $0x0  }
.Ltmp0:
0x7d: {  	s29 =	sadd.s32 $0x500, s26;
	[sflag:s1] =	ssyncadd.s32 $0xFFFFE0C0;
	(pc) =	sbr.rel @p0 .LBB2_2-.Ltmp0, $4  }
0x7e: {  	[tilespmem:s19], [sflag:$0x3] =	stream.indirect.gather [hbm4b:s8+s14], $0x40, s29, s14, $0xb8;
	[tilespmem:$0x1BD00] =	vst v63  }
0x7f: {  	_ =	swait.ge [sflag:s16], $0x1F40  }
0x80: {  	[sflag:s16] =	ssyncset.done $0x0  }
0x81: {  	s26 =	sadd.s32 $0x5380, s26;
	[sflag:s16] =	ssyncadd.s32 $0xFFFFE0C0  }
0x82: {  	[spmem:s2] =	stream.indirect.scatter.add.f32 [tilespmem:s21], [sflag:$0x8], $0x40, s26, s14, $0xb8;
	[tilespmem:$0x1BD00] =	vst v63  }
0x83: {  	_ =	swait.ge [sflag:s20], $0x1F40  }
0x84: {  	[sflag:s20] =	ssyncset.done $0x0  }
0x85: {  	s24 =	simm.s32 $0x4F80;
	[sflag:s20] =	ssyncadd.s32 $0xFFFFE0C0  }
0x86: {  	[tilespmem:s21], [sflag:$0x4] =	stream.indirect.gather [hbm4b:s8+s14], $0x40, s24, s14, $0xb8;
	[tilespmem:$0x1BD00] =	vst v63  }
0x87: {  	_ =	swait.ge [sflag:s22], $0x1F40  }
0x88: {  	[sflag:s22] =	ssyncset.done $0x0  }
0x89: {  	s26 =	simm.s32 $0x9E00;
	[sflag:s22] =	ssyncadd.s32 $0xFFFFE0C0  }
0x8a: {  	[spmem:s2] =	stream.indirect.scatter.add.f32 [tilespmem:s15], [sflag:$0x5], $0x40, s26, s14, $0xb8;
	[tilespmem:$0x1BD00] =	vst v63  }
0x8b: {  	_ =	swait.ge [sflag:s23], $0x1F40  }
0x8c: {  	[sflag:s23] =	ssyncset.done $0x0  }
0x8d: {  	[sflag:s23] =	ssyncadd.s32 $0xFFFFE0C0  }
0x8e: {  	_ =	swait.ge [sflag:s25], $0x1F40  }
0x8f: {  	[sflag:s25] =	ssyncset.done $0x0  }
0x90: {  	s29 =	simm.s32 $0x9E80;
	[sflag:s25] =	ssyncadd.s32 $0xFFFFE0C0  }
0x91: {  	[spmem:s2] =	stream.indirect.scatter.add.f32 [tilespmem:s17], [sflag:$0x6], $0x40, s29, s14, $0xb8;
	[tilespmem:$0x1BD00] =	vst v63  }
0x92: {  	_ =	swait.ge [sflag:s28], $0x1F40  }
0x93: {  	[sflag:s28] =	ssyncset.done $0x0  }
0x94: {  	[sflag:s28] =	ssyncadd.s32 $0xFFFFE0C0  }
0x95: {  	_ =	swait.ge [sflag:s30], $0x1F40  }
0x96: {  	[sflag:s30] =	ssyncset.done $0x0  }
0x97: {  	[sflag:s30] =	ssyncadd.s32 $0xFFFFE0C0  }
0x98: {  	[spmem:s2] =	stream.indirect.scatter.add.f32 [tilespmem:s19], [sflag:$0x7], $0x40, s31, s14, $0xb8;
	[tilespmem:$0x1BD00] =	vst v63  }
0x99: {  	_ =	swait.ge [sflag:s1], $0x1F40  }
0x9a: {  	[sflag:s1] =	ssyncset.done $0x0  }
0x9b: {  	[sflag:s1] =	ssyncadd.s32 $0xFFFFE0C0  }
0x9c: {  	_ =	swait.ge [sflag:s16], $0x1F40  }
0x9d: {  	[sflag:s16] =	ssyncset.done $0x0  }
0x9e: {  	[sflag:s16] =	ssyncadd.s32 $0xFFFFE0C0  }
0x9f: {  	[spmem:s2] =	stream.indirect.scatter.add.f32 [tilespmem:s21], [sflag:$0x8], $0x40, s0, s14, $0xb8;
	[tilespmem:$0x1BD00] =	vst v63  }
0xa0: {  	_ =	swait.ge [sflag:s20], $0x1F40  }
0xa1: {  	s18 =	sadd.s32 $0x1, s18;
	[sflag:s20] =	ssyncset.done $0x0  }
0xa2: {  	p0 =	sne.s32 s18, s10;
	[sflag:s20] =	ssyncadd.s32 $0xFFFFE0C0  }
.Ltmp1:
0xa3: {  	[bflag:$0x0] =	sbarrier.arrive $0xFFFF;
	(pc) =	sbr.rel @p0 .LBB2_1-.Ltmp1, $4  }
0xa4: {  	[hbm:s9], [sflag:s5] =	dma.local [spmem:s11], $0x1400  }
0xa5: {  	_ =	swait.ge [sflag:s12], $0x1400  }
0xa6: {  	[sflag:s12] =	ssyncset.done $0x0  }
0xa7: {  	[sflag:s12] =	ssyncadd.s32 $0xFFFFEC00  }
0xa8: {  	_ =	sfence.sel $0x180000  }
0xa9: {  	[bflag:$0x0] =	sbarrier.arrive $0xFFFF  }
0xaa: {  	_ =	strace $0x90000047  }
0xab: {  	s0 =	stileid.u32;
	[bflag:$0x2] =	sbarrier.arrive $0xFFFF  }
0xac: {  	p0 =	sne.s32 s0, $0x0;
	s0 =	rddreg [dreg:$0x2]  }
0xad: {  	s0 =	sadd.s32 @!p0 $0x100000, s0  }
0xae: {  	[sflag:s0] =	ssyncadd.tile.s32 @!p0 $0x1;
	_ =	shalt  }
.Lfunc_end2:
_tile_overlayer_lowered:
.L_overlay_start_2:
0xaf: {  	(tag) =	ssettag $0x2  }
0xb0: {  	s0 =	rddreg [dreg:$0x0];
	s2 =	stileid.u32  }
0xb1: {  	s1 =	rddreg [dreg:$0x1];
	p0 =	sne.s32 s2, $0x0  }
0xb2: {  	s3 =	rddreg [dreg:$0x2];
	[bflag:$0x3] =	sbarrier.arrive $0xFFFF;
	s2 =	simm.s32 @!p0 $0x1C09  }
0xb3: {  	[timem:s3], [sflag:s2] =	dma.local @!p0 [hbm:s0], s1  }
0xb4: {  	s0 =	simm.s32 @!p0 $0x9  }
0xb5: {  	_ =	swait.ge @!p0 [sflag:s0], s1  }
0xb6: {  	s1 =	ssub.s32 @!p0 $0x0, s1;
	[sflag:s0] =	ssyncset.done @!p0 $0x0  }
0xb7: {  	[sflag:s0] =	ssyncadd.s32 @!p0 s1  }
0xb8: {  	[bflag:$0x3] =	sbarrier.arrive $0xFFFF  }
0xb9: {  	_ =	shalt  }

</sc_bundles>
